<compile_context>
chip_gen: v7x
topology: tpu7x:2x2x1
jax: 0.10.2.dev20260603
libtpu: 0.0.44.dev20260713+nightly
codegen_flags: <defaults>
</compile_context>

<pallas_src>
import functools

import jax
import jax.numpy as jnp
from jax import lax
from jax.experimental import pallas as pl
from jax.experimental.pallas import tpu as pltpu
from jax.experimental.pallas import tpu_sc as plsc

N_N = 10000
N_E = 160000
D = 256

NC = 2
NS = 16
NW = NC * NS
L = 16

NP = 10240
NODES_W = NP // NW

_i32 = jnp.int32


def _mesh():
    return plsc.VectorSubcoreMesh(core_axis_name="c", subcore_axis_name="s")


def _wid():
    return lax.axis_index("s") * NC + lax.axis_index("c")



def _mm_body(x_ref, w_ref, o_ref):
    o_ref[...] = jnp.dot(x_ref[...], w_ref[...],
                         preferred_element_type=jnp.float32)


def _matmul(feat, W):
    return pl.pallas_call(
        _mm_body,
        out_shape=jax.ShapeDtypeStruct((N_N, D), jnp.float32),
    )(feat, W)



G_CH = 128
G_NCH = N_E // G_CH
G_IT = (G_NCH + NW - 1) // NW


def _sc_gather(table, idx):
    @functools.partial(
        pl.kernel, mesh=_mesh(),
        compiler_params=pltpu.CompilerParams(needs_layout_passes=False),
        out_type=jax.ShapeDtypeStruct((N_E, D), jnp.float32),
        scratch_types=[
            pltpu.VMEM((G_CH,), jnp.int32),
            pltpu.VMEM((G_CH,), jnp.int32),
            pltpu.VMEM((G_CH, D), jnp.float32),
            pltpu.VMEM((G_CH, D), jnp.float32),
            pltpu.SemaphoreType.DMA,
            pltpu.SemaphoreType.DMA,
        ],
    )
    def gk(table_hbm, idx_hbm, out_hbm, idx_a, idx_b, rows_a, rows_b,
           sem_a, sem_b):
        w = _wid()

        def body(c, _):
            cid_a = (c * _i32(2)) * _i32(NW) + w
            cid_b = (c * _i32(2) + _i32(1)) * _i32(NW) + w

            @pl.when(cid_a < _i32(G_NCH))
            def _():
                off = cid_a * _i32(G_CH)
                pltpu.sync_copy(idx_hbm.at[pl.ds(off, G_CH)], idx_a)
                pltpu.async_copy(table_hbm.at[idx_a], rows_a, sem_a)

            @pl.when(cid_b < _i32(G_NCH))
            def _():
                off = cid_b * _i32(G_CH)
                pltpu.sync_copy(idx_hbm.at[pl.ds(off, G_CH)], idx_b)
                pltpu.async_copy(table_hbm.at[idx_b], rows_b, sem_b)

            @pl.when(cid_a < _i32(G_NCH))
            def _():
                off = cid_a * _i32(G_CH)
                pltpu.make_async_copy(table_hbm.at[idx_a], rows_a,
                                      sem_a).wait()
                pltpu.sync_copy(rows_a, out_hbm.at[pl.ds(off, G_CH)])

            @pl.when(cid_b < _i32(G_NCH))
            def _():
                off = cid_b * _i32(G_CH)
                pltpu.make_async_copy(table_hbm.at[idx_b], rows_b,
                                      sem_b).wait()
                pltpu.sync_copy(rows_b, out_hbm.at[pl.ds(off, G_CH)])
            return 0

        lax.fori_loop(_i32(0), _i32((G_IT + 1) // 2), body, 0)

    return gk(table, idx)



E_BLK = 128
E_ROWS = N_E // E_BLK


def _dot_body(a_ref, b_ref, o_ref):
    o_ref[...] = jnp.sum(a_ref[...] * b_ref[...], axis=-1,
                         keepdims=True).reshape(1, 1, E_BLK)


def _edge_dots(fs3, fd3):
    z = _i32(0)
    e3 = pl.pallas_call(
        _dot_body,
        grid=(E_ROWS,),
        in_specs=[
            pl.BlockSpec((1, E_BLK, D), lambda i: (i, _i32(0), _i32(0))),
            pl.BlockSpec((1, E_BLK, D), lambda i: (i, _i32(0), _i32(0))),
        ],
        out_specs=pl.BlockSpec((1, 1, E_BLK), lambda i: (i, _i32(0), _i32(0))),
        out_shape=jax.ShapeDtypeStruct((E_ROWS, 1, E_BLK), jnp.float32),
    )(fs3, fd3)
    return e3.reshape(N_E)



S_CH = 2000
S_NCH = N_E // S_CH
NEG = -3.0e38


def _sc_maxdenom(e, dst):
    @functools.partial(
        pl.kernel, mesh=_mesh(),
        compiler_params=pltpu.CompilerParams(needs_layout_passes=False),
        out_type=(jax.ShapeDtypeStruct((NP,), jnp.float32),
                  jax.ShapeDtypeStruct((NP,), jnp.float32)),
        scratch_types=[
            pltpu.VMEM((S_CH,), jnp.float32),
            pltpu.VMEM((S_CH,), jnp.int32),
            pltpu.VMEM((NODES_W, L), jnp.float32),
            pltpu.VMEM((NODES_W, L), jnp.float32),
            pltpu.VMEM((NODES_W,), jnp.float32),
            pltpu.VMEM((NODES_W,), jnp.float32),
        ],
    )
    def mk(e_hbm, dst_hbm, emax_hbm, den_hbm,
           e_v, d_v, mx_t, sm_t, mx_r, sm_r):
        w = _wid()
        lo = w * _i32(NODES_W)
        lane = lax.iota(jnp.int32, L)

        def init_row(r, _):
            mx_t[r, :] = jnp.full((L,), NEG, jnp.float32)
            sm_t[r, :] = jnp.zeros((L,), jnp.float32)
            return 0

        lax.fori_loop(_i32(0), _i32(NODES_W), init_row, 0)

        def load_chunk(c):
            off = c * _i32(S_CH)
            pltpu.sync_copy(e_hbm.at[pl.ds(off, S_CH)], e_v)
            pltpu.sync_copy(dst_hbm.at[pl.ds(off, S_CH)], d_v)

        def scan1(c, _):
            load_chunk(c)

            def grp(j, _):
                ev = e_v[pl.ds(j * _i32(L), L)]
                dv = d_v[pl.ds(j * _i32(L), L)]
                m = (dv >= lo) & (dv < lo + _i32(NODES_W))
                loc = jnp.where(m, dv - lo, 0)
                cur = plsc.load_gather(mx_t, [loc, lane], mask=m)
                plsc.store_scatter(mx_t, [loc, lane],
                                   jnp.maximum(cur, ev), mask=m)
                return 0

            lax.fori_loop(_i32(0), _i32(S_CH // L), grp, 0)
            return 0

        lax.fori_loop(_i32(0), _i32(S_NCH), scan1, 0)

        def redmax(rg, _):
            rows = lax.iota(jnp.int32, L) + rg * _i32(L)
            acc = jnp.full((L,), NEG, jnp.float32)

            def col(c, a):
                cc = jnp.full((L,), 0, jnp.int32) + c
                return jnp.maximum(a, plsc.load_gather(mx_t, [rows, cc]))

            acc = lax.fori_loop(_i32(0), _i32(L), col, acc)
            mx_r[pl.ds(rg * _i32(L), L)] = acc
            return 0

        lax.fori_loop(_i32(0), _i32(NODES_W // L), redmax, 0)

        def scan2(c, _):
            load_chunk(c)

            def grp(j, _):
                ev = e_v[pl.ds(j * _i32(L), L)]
                dv = d_v[pl.ds(j * _i32(L), L)]
                m = (dv >= lo) & (dv < lo + _i32(NODES_W))
                loc = jnp.where(m, dv - lo, 0)
                mv = plsc.load_gather(mx_r, [loc], mask=m)
                ex = jnp.where(m, jnp.exp(ev - mv), jnp.float32(0.0))
                plsc.addupdate_scatter(sm_t, [loc, lane], ex, mask=m)
                return 0

            lax.fori_loop(_i32(0), _i32(S_CH // L), grp, 0)
            return 0

        lax.fori_loop(_i32(0), _i32(S_NCH), scan2, 0)

        def redsum(rg, _):
            rows = lax.iota(jnp.int32, L) + rg * _i32(L)
            acc = jnp.zeros((L,), jnp.float32)

            def col(c, a):
                cc = jnp.full((L,), 0, jnp.int32) + c
                return a + plsc.load_gather(sm_t, [rows, cc])

            acc = lax.fori_loop(_i32(0), _i32(L), col, acc)
            sm_r[pl.ds(rg * _i32(L), L)] = acc
            return 0

        lax.fori_loop(_i32(0), _i32(NODES_W // L), redsum, 0)

        pltpu.sync_copy(mx_r, emax_hbm.at[pl.ds(lo, NODES_W)])
        pltpu.sync_copy(sm_r, den_hbm.at[pl.ds(lo, NODES_W)])

    return mk(e, dst)



W_CH = 128
W_NCH = N_E // W_CH
W_IT = (W_NCH + NW - 1) // NW


def _sc_weights(e, dst, emax, den):
    @functools.partial(
        pl.kernel, mesh=_mesh(),
        compiler_params=pltpu.CompilerParams(needs_layout_passes=False),
        out_type=jax.ShapeDtypeStruct((N_E,), jnp.float32),
        scratch_types=[
            pltpu.VMEM((W_CH,), jnp.float32),
            pltpu.VMEM((W_CH,), jnp.int32),
            pltpu.VMEM((W_CH,), jnp.float32),
            pltpu.VMEM((W_CH,), jnp.float32),
            pltpu.VMEM((W_CH,), jnp.float32),
            pltpu.SemaphoreType.DMA,
        ],
    )
    def wk(e_hbm, dst_hbm, emax_hbm, den_hbm, w_hbm,
           e_v, d_v, m_v, s_v, w_v, sem):
        w = _wid()

        def body(c, _):
            cid = c * _i32(NW) + w

            @pl.when(cid < _i32(W_NCH))
            def _():
                off = cid * _i32(W_CH)
                pltpu.sync_copy(e_hbm.at[pl.ds(off, W_CH)], e_v)
                pltpu.sync_copy(dst_hbm.at[pl.ds(off, W_CH)], d_v)
                pltpu.async_copy(emax_hbm.at[d_v], m_v, sem).wait()
                pltpu.async_copy(den_hbm.at[d_v], s_v, sem).wait()

                def grp(j, _):
                    sl = pl.ds(j * _i32(L), L)
                    w_v[sl] = jnp.exp(e_v[sl] - m_v[sl]) / s_v[sl]
                    return 0

                lax.fori_loop(_i32(0), _i32(W_CH // L), grp, 0)
                pltpu.sync_copy(w_v, w_hbm.at[pl.ds(off, W_CH)])
            return 0

        lax.fori_loop(_i32(0), _i32(W_IT), body, 0)

    return wk(e, dst, emax, den)



def _attn_body(a_ref, w_ref, o_ref):
    o_ref[...] = a_ref[...] * w_ref[...].reshape(1, E_BLK, 1)


def _attn_scale(fs3, w2):
    return pl.pallas_call(
        _attn_body,
        grid=(E_ROWS,),
        in_specs=[
            pl.BlockSpec((1, E_BLK, D), lambda i: (i, _i32(0), _i32(0))),
            pl.BlockSpec((1, 1, E_BLK), lambda i: (i, _i32(0), _i32(0))),
        ],
        out_specs=pl.BlockSpec((1, E_BLK, D), lambda i: (i, _i32(0), _i32(0))),
        out_shape=jax.ShapeDtypeStruct((E_ROWS, E_BLK, D), jnp.float32),
    )(fs3, w2)



DH = D // NC
R_CH = 128
R_NCH = N_E // R_CH
R_IT = (R_NCH + NS - 1) // NS
STRIPE = NP // NS


def _sc_scatter_rows(attn, dst):
    @functools.partial(
        pl.kernel, mesh=_mesh(),
        compiler_params=pltpu.CompilerParams(needs_layout_passes=False),
        out_type=jax.ShapeDtypeStruct((NP, D), jnp.float32),
        scratch_types=[
            pltpu.VMEM((R_CH,), jnp.int32),
            pltpu.VMEM((R_CH,), jnp.int32),
            pltpu.VMEM((R_CH, DH), jnp.float32),
            pltpu.VMEM((R_CH, DH), jnp.float32),
            pltpu.VMEM_SHARED((NP, DH), jnp.float32),
            pltpu.SemaphoreType.DMA,
            pltpu.SemaphoreType.DMA,
        ],
    )
    def rk(attn_hbm, dst_hbm, out_hbm, idx_v, idx_b, rows_v, rows_b,
           acc_sh, sem_a, sem_b):
        cid = lax.axis_index("c")
        sid = lax.axis_index("s")
        col0 = cid * _i32(DH)

        def zr(r, _):
            def zc(k, _):
                rows_v[r, pl.ds(k * L, L)] = jnp.zeros((L,), jnp.float32)
                return 0
            lax.fori_loop(_i32(0), _i32(DH // L), zc, 0)
            return 0

        lax.fori_loop(_i32(0), _i32(R_CH), zr, 0)

        def zs(b, _):
            pltpu.sync_copy(
                rows_v, acc_sh.at[pl.ds(sid * _i32(STRIPE) + b * _i32(R_CH), R_CH)])
            return 0

        lax.fori_loop(_i32(0), _i32(STRIPE // R_CH), zs, 0)
        plsc.subcore_barrier()

        def body(c, _):
            chid_a = (c * _i32(2)) * _i32(NS) + sid
            chid_b = (c * _i32(2) + _i32(1)) * _i32(NS) + sid

            @pl.when(chid_a < _i32(R_NCH))
            def _():
                off = chid_a * _i32(R_CH)
                pltpu.sync_copy(dst_hbm.at[pl.ds(off, R_CH)], idx_v)
                pltpu.async_copy(
                    attn_hbm.at[pl.ds(off, R_CH), pl.ds(col0, DH)],
                    rows_v, sem_a)

            @pl.when(chid_b < _i32(R_NCH))
            def _():
                off = chid_b * _i32(R_CH)
                pltpu.sync_copy(dst_hbm.at[pl.ds(off, R_CH)], idx_b)
                pltpu.async_copy(
                    attn_hbm.at[pl.ds(off, R_CH), pl.ds(col0, DH)],
                    rows_b, sem_b)

            @pl.when(chid_a < _i32(R_NCH))
            def _():
                off = chid_a * _i32(R_CH)
                pltpu.make_async_copy(
                    attn_hbm.at[pl.ds(off, R_CH), pl.ds(col0, DH)],
                    rows_v, sem_a).wait()
                pltpu.sync_copy(rows_v, acc_sh.at[idx_v], add=True)

            @pl.when(chid_b < _i32(R_NCH))
            def _():
                off = chid_b * _i32(R_CH)
                pltpu.make_async_copy(
                    attn_hbm.at[pl.ds(off, R_CH), pl.ds(col0, DH)],
                    rows_b, sem_b).wait()
                pltpu.sync_copy(rows_b, acc_sh.at[idx_b], add=True)
            return 0

        lax.fori_loop(_i32(0), _i32((R_IT + 1) // 2), body, 0)
        plsc.subcore_barrier()

        pltpu.sync_copy(
            acc_sh.at[pl.ds(sid * _i32(STRIPE), STRIPE)],
            out_hbm.at[pl.ds(sid * _i32(STRIPE), STRIPE), pl.ds(col0, DH)])

    return rk(attn, dst)



def kernel(feat, edge_index, W):
    feat = feat.astype(jnp.float32)
    W = W.astype(jnp.float32)
    src = edge_index[0].astype(jnp.int32)
    dst = edge_index[1].astype(jnp.int32)

    ft = _matmul(feat, W)
    fs = _sc_gather(ft, src)
    fd = _sc_gather(ft, dst)
    fs3 = fs.reshape(E_ROWS, E_BLK, D)
    fd3 = fd.reshape(E_ROWS, E_BLK, D)
    e = _edge_dots(fs3, fd3)
    emax, den = _sc_maxdenom(e, dst)
    w = _sc_weights(e, dst, emax, den)
    attn3 = _attn_scale(fs3, w.reshape(E_ROWS, 1, E_BLK))
    out = _sc_scatter_rows(attn3.reshape(N_E, D), dst)
    return out[:N_N]

# --- scband reference (transcript-rebuilt; emitter-appended) ---
"""Pipeline reference for scband-dot-gat-conv-85255100825603 (READ-ONLY COPY).

The authoritative reference and input builder live on the scoring server;
editing this copy changes nothing except your own understanding.
"""

import jax
jax.config.update('jax_enable_x64', True)
import jax.numpy as jnp
import numpy as np

N_NODES = 10000
N_EDGES = 160000
D_IN = 256
D_OUT = 256


def setup_inputs(seed: int = 0) -> dict:
    key = jax.random.key(seed)
    k1, k2, k3 = jax.random.split(key, 3)
    feat = jax.random.normal(k1, (N_NODES, D_IN), dtype=jnp.float32)
    edge_index = jax.random.randint(k2, (2, N_EDGES), 0, N_NODES, dtype=jnp.int64)
    # fc: nn.Linear(in_feats, out_feats, bias=False); store as [D_IN, D_OUT] so y = x @ W
    W = (jax.random.normal(k3, (D_IN, D_OUT), dtype=jnp.float32) * (1.0 / np.sqrt(D_IN))).astype(jnp.float32)
    return {"feat": feat, "edge_index": edge_index, "W": W}


def reference(feat, edge_index, W):
    # feat_src = feat_dst = self.fc(feat)
    ft = feat @ W  # [N, D_OUT]
    src = edge_index[0]
    dst = edge_index[1]
    # apply_edges(fn.u_dot_v): e_ij = <ft[src], ft[dst]>
    e = jnp.sum(ft[src] * ft[dst], axis=-1)  # [E]
    # edge_softmax over incoming edges of each dst node (numerically stable)
    emax = jax.ops.segment_max(e, dst, num_segments=N_NODES)  # [N]
    emax = jnp.where(jnp.isfinite(emax), emax, 0.0)
    ex = jnp.exp(e - emax[dst])
    denom = jax.ops.segment_sum(ex, dst, num_segments=N_NODES)  # [N]
    sa = ex / denom[dst]  # [E]
    # attn message: ft[src] * sa, then sum-aggregate to dst
    attn = ft[src] * sa[:, None]  # [E, D_OUT]
    rst = jax.ops.segment_sum(attn, dst, num_segments=N_NODES)  # [N, D_OUT]
    return rst

if __name__ == "__main__":
    import jax
    _d = setup_inputs()
    print(jax.jit(kernel)(*tuple(_d.values())))

</pallas_src>

<mosaic_0001>
#map = affine_map<(d0, d1) -> (0, 0)>
#map1 = affine_map<(d0, d1) -> (0)>
module attributes {stable_mosaic.version = 14 : i64} {
  func.func @gk(%arg0: i32, %arg1: i32, %arg2: memref<10000x256xf32, #tpu.memory_space<hbm>>, %arg3: memref<160000xi32, #tpu.memory_space<hbm>>, %arg4: memref<160000x256xf32, #tpu.memory_space<hbm>>, %arg5: memref<128xi32, #tpu.memory_space<vmem>>, %arg6: memref<128xi32, #tpu.memory_space<vmem>>, %arg7: memref<128x256xf32, #tpu.memory_space<vmem>>, %arg8: memref<128x256xf32, #tpu.memory_space<vmem>>, %arg9: memref<!tpu.dma_semaphore, #tpu.memory_space<semaphore_mem>>, %arg10: memref<!tpu.dma_semaphore, #tpu.memory_space<semaphore_mem>>) attributes {dimension_semantics = [#tpu.dimension_semantics<core_parallel>, #tpu.dimension_semantics<subcore_parallel>], iteration_bounds = array<i64: 2, 16>, scalar_prefetch = 0 : i64, scratch_operands = 6 : i64, tpu.core_type = #tpu.core_type<sc_vector_subcore>, window_params = [{transform_indices = #map}, {transform_indices = #map1}, {transform_indices = #map}]} {
    %mul3A = arith.constant 2 : i32
    %mul3A_0 = arith.muli %arg1, %mul3A : i32
    %add3A = arith.addi %mul3A_0, %arg0 : i32
    %while3A = arith.constant 0 : i32
    %while3A_1 = arith.constant 20 : i32
    %while3A_2 = arith.constant 0 : i64
    %while3A_3 = arith.subi %while3A_1, %while3A : i32
    %while3A_4 = arith.addi %while3A, %while3A_3 : i32
    %while3A_5 = arith.constant 1 : i32
    %while3A_6 = arith.divsi %while3A_3, %while3A_5 : i32
    %while3A_7 = arith.muli %while3A_6, %while3A_5 : i32
    %while3A_8 = arith.addi %while3A, %while3A_7 : i32
    %while3A_9 = arith.constant 1 : i32
    %while3A_10 = scf.for %while3A_13 = %while3A to %while3A_8 step %while3A_9 iter_args(%while3A_14 = %while3A_2) -> (i64)  : i32 {
      %mul3A_15 = arith.constant 2 : i32
      %mul3A_16 = arith.muli %while3A_13, %mul3A_15 : i32
      %mul3A_17 = arith.constant 32 : i32
      %mul3A_18 = arith.muli %mul3A_16, %mul3A_17 : i32
      %add3A_19 = arith.addi %mul3A_18, %add3A : i32
      %mul3A_20 = arith.constant 2 : i32
      %mul3A_21 = arith.muli %while3A_13, %mul3A_20 : i32
      %add3A_22 = arith.constant 1 : i32
      %add3A_23 = arith.addi %mul3A_21, %add3A_22 : i32
      %mul3A_24 = arith.constant 32 : i32
      %mul3A_25 = arith.muli %add3A_23, %mul3A_24 : i32
      %add3A_26 = arith.addi %mul3A_25, %add3A : i32
      %lt3A = arith.constant 1250 : i32
      %lt3A_27 = arith.cmpi slt, %add3A_19, %lt3A : i32
      %convert_element_type3A = arith.extui %lt3A_27 : i1 to i32
      %cond3A = arith.constant 0 : i32
      %cond3A_28 = arith.cmpi ne, %convert_element_type3A, %cond3A : i32
      scf.if %cond3A_28 {
        %mul3A_45 = arith.constant 128 : i32
        %mul3A_46 = arith.muli %add3A_19, %mul3A_45 : i32
        "tpu.region"() ({
          %run_scoped3A = tpu.sem_alloc : memref<!tpu.dma_semaphore, #tpu.memory_space<semaphore_mem>>
          %dma_start3A_49 = tpu.memref_slice %arg3[%mul3A_46] : memref<160000xi32, #tpu.memory_space<hbm>> -> memref<128xi32, #tpu.memory_space<hbm>>
          %dma_start3A_50 = tpu.memref_slice %arg3[%mul3A_46] : memref<160000xi32, #tpu.memory_space<hbm>> -> memref<128xi32, #tpu.memory_space<hbm>>
          tpu.enqueue_dma source(%dma_start3A_50 : memref<128xi32, #tpu.memory_space<hbm>>) target(%arg5 : memref<128xi32, #tpu.memory_space<vmem>>) target_semaphore(%run_scoped3A : memref<!tpu.dma_semaphore, #tpu.memory_space<semaphore_mem>>)
          %dma_wait3A = tpu.memref_slice %arg3[%mul3A_46] : memref<160000xi32, #tpu.memory_space<hbm>> -> memref<128xi32, #tpu.memory_space<hbm>>
          %dma_wait3A_51 = tpu.memref_slice %arg3[%mul3A_46] : memref<160000xi32, #tpu.memory_space<hbm>> -> memref<128xi32, #tpu.memory_space<hbm>>
          tpu.wait_dma2 semaphore(%run_scoped3A : memref<!tpu.dma_semaphore, #tpu.memory_space<semaphore_mem>>) src(%dma_wait3A_51 : memref<128xi32, #tpu.memory_space<hbm>>) dst(%arg5 : memref<128xi32, #tpu.memory_space<vmem>>)
          tpu.yield
        }) : () -> ()
        %dma_start3A = arith.constant 0 : i32
        %dma_start3A_47 = arith.constant 0 : i32
        %dma_start3A_48 = tpu.memref_slice %arg2[%dma_start3A, %dma_start3A_47] : memref<10000x256xf32, #tpu.memory_space<hbm>> -> memref<10000x256xf32, #tpu.memory_space<hbm>>
        tpu.enqueue_indirect_dma source(%dma_start3A_48 : memref<10000x256xf32, #tpu.memory_space<hbm>>) target(%arg7 : memref<128x256xf32, #tpu.memory_space<vmem>>) offsets(%arg5 : memref<128xi32, #tpu.memory_space<vmem>>) semaphore(%arg9 : memref<!tpu.dma_semaphore, #tpu.memory_space<semaphore_mem>>)
      } else {
      }
      %lt3A_29 = arith.constant 1250 : i32
      %lt3A_30 = arith.cmpi slt, %add3A_26, %lt3A_29 : i32
      %convert_element_type3A_31 = arith.extui %lt3A_30 : i1 to i32
      %cond3A_32 = arith.constant 0 : i32
      %cond3A_33 = arith.cmpi ne, %convert_element_type3A_31, %cond3A_32 : i32
      scf.if %cond3A_33 {
        %mul3A_45 = arith.constant 128 : i32
        %mul3A_46 = arith.muli %add3A_26, %mul3A_45 : i32
        "tpu.region"() ({
          %run_scoped3A = tpu.sem_alloc : memref<!tpu.dma_semaphore, #tpu.memory_space<semaphore_mem>>
          %dma_start3A_49 = tpu.memref_slice %arg3[%mul3A_46] : memref<160000xi32, #tpu.memory_space<hbm>> -> memref<128xi32, #tpu.memory_space<hbm>>
          %dma_start3A_50 = tpu.memref_slice %arg3[%mul3A_46] : memref<160000xi32, #tpu.memory_space<hbm>> -> memref<128xi32, #tpu.memory_space<hbm>>
          tpu.enqueue_dma source(%dma_start3A_50 : memref<128xi32, #tpu.memory_space<hbm>>) target(%arg6 : memref<128xi32, #tpu.memory_space<vmem>>) target_semaphore(%run_scoped3A : memref<!tpu.dma_semaphore, #tpu.memory_space<semaphore_mem>>)
          %dma_wait3A = tpu.memref_slice %arg3[%mul3A_46] : memref<160000xi32, #tpu.memory_space<hbm>> -> memref<128xi32, #tpu.memory_space<hbm>>
          %dma_wait3A_51 = tpu.memref_slice %arg3[%mul3A_46] : memref<160000xi32, #tpu.memory_space<hbm>> -> memref<128xi32, #tpu.memory_space<hbm>>
          tpu.wait_dma2 semaphore(%run_scoped3A : memref<!tpu.dma_semaphore, #tpu.memory_space<semaphore_mem>>) src(%dma_wait3A_51 : memref<128xi32, #tpu.memory_space<hbm>>) dst(%arg6 : memref<128xi32, #tpu.memory_space<vmem>>)
          tpu.yield
        }) : () -> ()
        %dma_start3A = arith.constant 0 : i32
        %dma_start3A_47 = arith.constant 0 : i32
        %dma_start3A_48 = tpu.memref_slice %arg2[%dma_start3A, %dma_start3A_47] : memref<10000x256xf32, #tpu.memory_space<hbm>> -> memref<10000x256xf32, #tpu.memory_space<hbm>>
        tpu.enqueue_indirect_dma source(%dma_start3A_48 : memref<10000x256xf32, #tpu.memory_space<hbm>>) target(%arg8 : memref<128x256xf32, #tpu.memory_space<vmem>>) offsets(%arg6 : memref<128xi32, #tpu.memory_space<vmem>>) semaphore(%arg10 : memref<!tpu.dma_semaphore, #tpu.memory_space<semaphore_mem>>)
      } else {
      }
      %lt3A_34 = arith.constant 1250 : i32
      %lt3A_35 = arith.cmpi slt, %add3A_19, %lt3A_34 : i32
      %convert_element_type3A_36 = arith.extui %lt3A_35 : i1 to i32
      %cond3A_37 = arith.constant 0 : i32
      %cond3A_38 = arith.cmpi ne, %convert_element_type3A_36, %cond3A_37 : i32
      scf.if %cond3A_38 {
        %mul3A_45 = arith.constant 128 : i32
        %mul3A_46 = arith.muli %add3A_19, %mul3A_45 : i32
        %dma_wait3A = arith.constant 0 : i32
        %dma_wait3A_47 = arith.constant 0 : i32
        %dma_wait3A_48 = tpu.memref_slice %arg2[%dma_wait3A, %dma_wait3A_47] : memref<10000x256xf32, #tpu.memory_space<hbm>> -> memref<10000x256xf32, #tpu.memory_space<hbm>>
        tpu.wait_indirect_dma semaphore(%arg9 : memref<!tpu.dma_semaphore, #tpu.memory_space<semaphore_mem>>) src(%dma_wait3A_48 : memref<10000x256xf32, #tpu.memory_space<hbm>>) dst(%arg7 : memref<128x256xf32, #tpu.memory_space<vmem>>)
        "tpu.region"() ({
          %run_scoped3A = tpu.sem_alloc : memref<!tpu.dma_semaphore, #tpu.memory_space<semaphore_mem>>
          %dma_start3A = arith.constant 0 : i32
          %dma_start3A_49 = tpu.memref_slice %arg4[%mul3A_46, %dma_start3A] : memref<160000x256xf32, #tpu.memory_space<hbm>> -> memref<128x256xf32, #tpu.memory_space<hbm>>
          %dma_start3A_50 = arith.constant 0 : i32
          %dma_start3A_51 = tpu.memref_slice %arg4[%mul3A_46, %dma_start3A_50] : memref<160000x256xf32, #tpu.memory_space<hbm>> -> memref<128x256xf32, #tpu.memory_space<hbm>>
          tpu.enqueue_dma source(%arg7 : memref<128x256xf32, #tpu.memory_space<vmem>>) target(%dma_start3A_51 : memref<128x256xf32, #tpu.memory_space<hbm>>) target_semaphore(%run_scoped3A : memref<!tpu.dma_semaphore, #tpu.memory_space<semaphore_mem>>)
          %dma_wait3A_52 = arith.constant 0 : i32
          %dma_wait3A_53 = tpu.memref_slice %arg4[%mul3A_46, %dma_wait3A_52] : memref<160000x256xf32, #tpu.memory_space<hbm>> -> memref<128x256xf32, #tpu.memory_space<hbm>>
          %dma_wait3A_54 = arith.constant 0 : i32
          %dma_wait3A_55 = tpu.memref_slice %arg4[%mul3A_46, %dma_wait3A_54] : memref<160000x256xf32, #tpu.memory_space<hbm>> -> memref<128x256xf32, #tpu.memory_space<hbm>>
          tpu.wait_dma2 semaphore(%run_scoped3A : memref<!tpu.dma_semaphore, #tpu.memory_space<semaphore_mem>>) src(%arg7 : memref<128x256xf32, #tpu.memory_space<vmem>>) dst(%dma_wait3A_55 : memref<128x256xf32, #tpu.memory_space<hbm>>)
          tpu.yield
        }) : () -> ()
      } else {
      }
      %lt3A_39 = arith.constant 1250 : i32
      %lt3A_40 = arith.cmpi slt, %add3A_26, %lt3A_39 : i32
      %convert_element_type3A_41 = arith.extui %lt3A_40 : i1 to i32
      %cond3A_42 = arith.constant 0 : i32
      %cond3A_43 = arith.cmpi ne, %convert_element_type3A_41, %cond3A_42 : i32
      scf.if %cond3A_43 {
        %mul3A_45 = arith.constant 128 : i32
        %mul3A_46 = arith.muli %add3A_26, %mul3A_45 : i32
        %dma_wait3A = arith.constant 0 : i32
        %dma_wait3A_47 = arith.constant 0 : i32
        %dma_wait3A_48 = tpu.memref_slice %arg2[%dma_wait3A, %dma_wait3A_47] : memref<10000x256xf32, #tpu.memory_space<hbm>> -> memref<10000x256xf32, #tpu.memory_space<hbm>>
        tpu.wait_indirect_dma semaphore(%arg10 : memref<!tpu.dma_semaphore, #tpu.memory_space<semaphore_mem>>) src(%dma_wait3A_48 : memref<10000x256xf32, #tpu.memory_space<hbm>>) dst(%arg8 : memref<128x256xf32, #tpu.memory_space<vmem>>)
        "tpu.region"() ({
          %run_scoped3A = tpu.sem_alloc : memref<!tpu.dma_semaphore, #tpu.memory_space<semaphore_mem>>
          %dma_start3A = arith.constant 0 : i32
          %dma_start3A_49 = tpu.memref_slice %arg4[%mul3A_46, %dma_start3A] : memref<160000x256xf32, #tpu.memory_space<hbm>> -> memref<128x256xf32, #tpu.memory_space<hbm>>
          %dma_start3A_50 = arith.constant 0 : i32
          %dma_start3A_51 = tpu.memref_slice %arg4[%mul3A_46, %dma_start3A_50] : memref<160000x256xf32, #tpu.memory_space<hbm>> -> memref<128x256xf32, #tpu.memory_space<hbm>>
          tpu.enqueue_dma source(%arg8 : memref<128x256xf32, #tpu.memory_space<vmem>>) target(%dma_start3A_51 : memref<128x256xf32, #tpu.memory_space<hbm>>) target_semaphore(%run_scoped3A : memref<!tpu.dma_semaphore, #tpu.memory_space<semaphore_mem>>)
          %dma_wait3A_52 = arith.constant 0 : i32
          %dma_wait3A_53 = tpu.memref_slice %arg4[%mul3A_46, %dma_wait3A_52] : memref<160000x256xf32, #tpu.memory_space<hbm>> -> memref<128x256xf32, #tpu.memory_space<hbm>>
          %dma_wait3A_54 = arith.constant 0 : i32
          %dma_wait3A_55 = tpu.memref_slice %arg4[%mul3A_46, %dma_wait3A_54] : memref<160000x256xf32, #tpu.memory_space<hbm>> -> memref<128x256xf32, #tpu.memory_space<hbm>>
          tpu.wait_dma2 semaphore(%run_scoped3A : memref<!tpu.dma_semaphore, #tpu.memory_space<semaphore_mem>>) src(%arg8 : memref<128x256xf32, #tpu.memory_space<vmem>>) dst(%dma_wait3A_55 : memref<128x256xf32, #tpu.memory_space<hbm>>)
          tpu.yield
        }) : () -> ()
      } else {
      }
      %while3A_44 = arith.constant 0 : i64
      scf.yield %while3A_44 : i64
    }
    %while3A_11 = arith.constant 1 : i32
    %while3A_12 = scf.for %while3A_13 = %while3A_8 to %while3A_4 step %while3A_11 iter_args(%while3A_14 = %while3A_10) -> (i64)  : i32 {
      %mul3A_15 = arith.constant 2 : i32
      %mul3A_16 = arith.muli %while3A_13, %mul3A_15 : i32
      %mul3A_17 = arith.constant 32 : i32
      %mul3A_18 = arith.muli %mul3A_16, %mul3A_17 : i32
      %add3A_19 = arith.addi %mul3A_18, %add3A : i32
      %mul3A_20 = arith.constant 2 : i32
      %mul3A_21 = arith.muli %while3A_13, %mul3A_20 : i32
      %add3A_22 = arith.constant 1 : i32
      %add3A_23 = arith.addi %mul3A_21, %add3A_22 : i32
      %mul3A_24 = arith.constant 32 : i32
      %mul3A_25 = arith.muli %add3A_23, %mul3A_24 : i32
      %add3A_26 = arith.addi %mul3A_25, %add3A : i32
      %lt3A = arith.constant 1250 : i32
      %lt3A_27 = arith.cmpi slt, %add3A_19, %lt3A : i32
      %convert_element_type3A = arith.extui %lt3A_27 : i1 to i32
      %cond3A = arith.constant 0 : i32
      %cond3A_28 = arith.cmpi ne, %convert_element_type3A, %cond3A : i32
      scf.if %cond3A_28 {
        %mul3A_45 = arith.constant 128 : i32
        %mul3A_46 = arith.muli %add3A_19, %mul3A_45 : i32
        "tpu.region"() ({
          %run_scoped3A = tpu.sem_alloc : memref<!tpu.dma_semaphore, #tpu.memory_space<semaphore_mem>>
          %dma_start3A_49 = tpu.memref_slice %arg3[%mul3A_46] : memref<160000xi32, #tpu.memory_space<hbm>> -> memref<128xi32, #tpu.memory_space<hbm>>
          %dma_start3A_50 = tpu.memref_slice %arg3[%mul3A_46] : memref<160000xi32, #tpu.memory_space<hbm>> -> memref<128xi32, #tpu.memory_space<hbm>>
          tpu.enqueue_dma source(%dma_start3A_50 : memref<128xi32, #tpu.memory_space<hbm>>) target(%arg5 : memref<128xi32, #tpu.memory_space<vmem>>) target_semaphore(%run_scoped3A : memref<!tpu.dma_semaphore, #tpu.memory_space<semaphore_mem>>)
          %dma_wait3A = tpu.memref_slice %arg3[%mul3A_46] : memref<160000xi32, #tpu.memory_space<hbm>> -> memref<128xi32, #tpu.memory_space<hbm>>
          %dma_wait3A_51 = tpu.memref_slice %arg3[%mul3A_46] : memref<160000xi32, #tpu.memory_space<hbm>> -> memref<128xi32, #tpu.memory_space<hbm>>
          tpu.wait_dma2 semaphore(%run_scoped3A : memref<!tpu.dma_semaphore, #tpu.memory_space<semaphore_mem>>) src(%dma_wait3A_51 : memref<128xi32, #tpu.memory_space<hbm>>) dst(%arg5 : memref<128xi32, #tpu.memory_space<vmem>>)
          tpu.yield
        }) : () -> ()
        %dma_start3A = arith.constant 0 : i32
        %dma_start3A_47 = arith.constant 0 : i32
        %dma_start3A_48 = tpu.memref_slice %arg2[%dma_start3A, %dma_start3A_47] : memref<10000x256xf32, #tpu.memory_space<hbm>> -> memref<10000x256xf32, #tpu.memory_space<hbm>>
        tpu.enqueue_indirect_dma source(%dma_start3A_48 : memref<10000x256xf32, #tpu.memory_space<hbm>>) target(%arg7 : memref<128x256xf32, #tpu.memory_space<vmem>>) offsets(%arg5 : memref<128xi32, #tpu.memory_space<vmem>>) semaphore(%arg9 : memref<!tpu.dma_semaphore, #tpu.memory_space<semaphore_mem>>)
      } else {
      }
      %lt3A_29 = arith.constant 1250 : i32
      %lt3A_30 = arith.cmpi slt, %add3A_26, %lt3A_29 : i32
      %convert_element_type3A_31 = arith.extui %lt3A_30 : i1 to i32
      %cond3A_32 = arith.constant 0 : i32
      %cond3A_33 = arith.cmpi ne, %convert_element_type3A_31, %cond3A_32 : i32
      scf.if %cond3A_33 {
        %mul3A_45 = arith.constant 128 : i32
        %mul3A_46 = arith.muli %add3A_26, %mul3A_45 : i32
        "tpu.region"() ({
          %run_scoped3A = tpu.sem_alloc : memref<!tpu.dma_semaphore, #tpu.memory_space<semaphore_mem>>
          %dma_start3A_49 = tpu.memref_slice %arg3[%mul3A_46] : memref<160000xi32, #tpu.memory_space<hbm>> -> memref<128xi32, #tpu.memory_space<hbm>>
          %dma_start3A_50 = tpu.memref_slice %arg3[%mul3A_46] : memref<160000xi32, #tpu.memory_space<hbm>> -> memref<128xi32, #tpu.memory_space<hbm>>
          tpu.enqueue_dma source(%dma_start3A_50 : memref<128xi32, #tpu.memory_space<hbm>>) target(%arg6 : memref<128xi32, #tpu.memory_space<vmem>>) target_semaphore(%run_scoped3A : memref<!tpu.dma_semaphore, #tpu.memory_space<semaphore_mem>>)
          %dma_wait3A = tpu.memref_slice %arg3[%mul3A_46] : memref<160000xi32, #tpu.memory_space<hbm>> -> memref<128xi32, #tpu.memory_space<hbm>>
          %dma_wait3A_51 = tpu.memref_slice %arg3[%mul3A_46] : memref<160000xi32, #tpu.memory_space<hbm>> -> memref<128xi32, #tpu.memory_space<hbm>>
          tpu.wait_dma2 semaphore(%run_scoped3A : memref<!tpu.dma_semaphore, #tpu.memory_space<semaphore_mem>>) src(%dma_wait3A_51 : memref<128xi32, #tpu.memory_space<hbm>>) dst(%arg6 : memref<128xi32, #tpu.memory_space<vmem>>)
          tpu.yield
        }) : () -> ()
        %dma_start3A = arith.constant 0 : i32
        %dma_start3A_47 = arith.constant 0 : i32
        %dma_start3A_48 = tpu.memref_slice %arg2[%dma_start3A, %dma_start3A_47] : memref<10000x256xf32, #tpu.memory_space<hbm>> -> memref<10000x256xf32, #tpu.memory_space<hbm>>
        tpu.enqueue_indirect_dma source(%dma_start3A_48 : memref<10000x256xf32, #tpu.memory_space<hbm>>) target(%arg8 : memref<128x256xf32, #tpu.memory_space<vmem>>) offsets(%arg6 : memref<128xi32, #tpu.memory_space<vmem>>) semaphore(%arg10 : memref<!tpu.dma_semaphore, #tpu.memory_space<semaphore_mem>>)
      } else {
      }
      %lt3A_34 = arith.constant 1250 : i32
      %lt3A_35 = arith.cmpi slt, %add3A_19, %lt3A_34 : i32
      %convert_element_type3A_36 = arith.extui %lt3A_35 : i1 to i32
      %cond3A_37 = arith.constant 0 : i32
      %cond3A_38 = arith.cmpi ne, %convert_element_type3A_36, %cond3A_37 : i32
      scf.if %cond3A_38 {
        %mul3A_45 = arith.constant 128 : i32
        %mul3A_46 = arith.muli %add3A_19, %mul3A_45 : i32
        %dma_wait3A = arith.constant 0 : i32
        %dma_wait3A_47 = arith.constant 0 : i32
        %dma_wait3A_48 = tpu.memref_slice %arg2[%dma_wait3A, %dma_wait3A_47] : memref<10000x256xf32, #tpu.memory_space<hbm>> -> memref<10000x256xf32, #tpu.memory_space<hbm>>
        tpu.wait_indirect_dma semaphore(%arg9 : memref<!tpu.dma_semaphore, #tpu.memory_space<semaphore_mem>>) src(%dma_wait3A_48 : memref<10000x256xf32, #tpu.memory_space<hbm>>) dst(%arg7 : memref<128x256xf32, #tpu.memory_space<vmem>>)
        "tpu.region"() ({
          %run_scoped3A = tpu.sem_alloc : memref<!tpu.dma_semaphore, #tpu.memory_space<semaphore_mem>>
          %dma_start3A = arith.constant 0 : i32
          %dma_start3A_49 = tpu.memref_slice %arg4[%mul3A_46, %dma_start3A] : memref<160000x256xf32, #tpu.memory_space<hbm>> -> memref<128x256xf32, #tpu.memory_space<hbm>>
          %dma_start3A_50 = arith.constant 0 : i32
          %dma_start3A_51 = tpu.memref_slice %arg4[%mul3A_46, %dma_start3A_50] : memref<160000x256xf32, #tpu.memory_space<hbm>> -> memref<128x256xf32, #tpu.memory_space<hbm>>
          tpu.enqueue_dma source(%arg7 : memref<128x256xf32, #tpu.memory_space<vmem>>) target(%dma_start3A_51 : memref<128x256xf32, #tpu.memory_space<hbm>>) target_semaphore(%run_scoped3A : memref<!tpu.dma_semaphore, #tpu.memory_space<semaphore_mem>>)
          %dma_wait3A_52 = arith.constant 0 : i32
          %dma_wait3A_53 = tpu.memref_slice %arg4[%mul3A_46, %dma_wait3A_52] : memref<160000x256xf32, #tpu.memory_space<hbm>> -> memref<128x256xf32, #tpu.memory_space<hbm>>
          %dma_wait3A_54 = arith.constant 0 : i32
          %dma_wait3A_55 = tpu.memref_slice %arg4[%mul3A_46, %dma_wait3A_54] : memref<160000x256xf32, #tpu.memory_space<hbm>> -> memref<128x256xf32, #tpu.memory_space<hbm>>
          tpu.wait_dma2 semaphore(%run_scoped3A : memref<!tpu.dma_semaphore, #tpu.memory_space<semaphore_mem>>) src(%arg7 : memref<128x256xf32, #tpu.memory_space<vmem>>) dst(%dma_wait3A_55 : memref<128x256xf32, #tpu.memory_space<hbm>>)
          tpu.yield
        }) : () -> ()
      } else {
      }
      %lt3A_39 = arith.constant 1250 : i32
      %lt3A_40 = arith.cmpi slt, %add3A_26, %lt3A_39 : i32
      %convert_element_type3A_41 = arith.extui %lt3A_40 : i1 to i32
      %cond3A_42 = arith.constant 0 : i32
      %cond3A_43 = arith.cmpi ne, %convert_element_type3A_41, %cond3A_42 : i32
      scf.if %cond3A_43 {
        %mul3A_45 = arith.constant 128 : i32
        %mul3A_46 = arith.muli %add3A_26, %mul3A_45 : i32
        %dma_wait3A = arith.constant 0 : i32
        %dma_wait3A_47 = arith.constant 0 : i32
        %dma_wait3A_48 = tpu.memref_slice %arg2[%dma_wait3A, %dma_wait3A_47] : memref<10000x256xf32, #tpu.memory_space<hbm>> -> memref<10000x256xf32, #tpu.memory_space<hbm>>
        tpu.wait_indirect_dma semaphore(%arg10 : memref<!tpu.dma_semaphore, #tpu.memory_space<semaphore_mem>>) src(%dma_wait3A_48 : memref<10000x256xf32, #tpu.memory_space<hbm>>) dst(%arg8 : memref<128x256xf32, #tpu.memory_space<vmem>>)
        "tpu.region"() ({
          %run_scoped3A = tpu.sem_alloc : memref<!tpu.dma_semaphore, #tpu.memory_space<semaphore_mem>>
          %dma_start3A = arith.constant 0 : i32
          %dma_start3A_49 = tpu.memref_slice %arg4[%mul3A_46, %dma_start3A] : memref<160000x256xf32, #tpu.memory_space<hbm>> -> memref<128x256xf32, #tpu.memory_space<hbm>>
          %dma_start3A_50 = arith.constant 0 : i32
          %dma_start3A_51 = tpu.memref_slice %arg4[%mul3A_46, %dma_start3A_50] : memref<160000x256xf32, #tpu.memory_space<hbm>> -> memref<128x256xf32, #tpu.memory_space<hbm>>
          tpu.enqueue_dma source(%arg8 : memref<128x256xf32, #tpu.memory_space<vmem>>) target(%dma_start3A_51 : memref<128x256xf32, #tpu.memory_space<hbm>>) target_semaphore(%run_scoped3A : memref<!tpu.dma_semaphore, #tpu.memory_space<semaphore_mem>>)
          %dma_wait3A_52 = arith.constant 0 : i32
          %dma_wait3A_53 = tpu.memref_slice %arg4[%mul3A_46, %dma_wait3A_52] : memref<160000x256xf32, #tpu.memory_space<hbm>> -> memref<128x256xf32, #tpu.memory_space<hbm>>
          %dma_wait3A_54 = arith.constant 0 : i32
          %dma_wait3A_55 = tpu.memref_slice %arg4[%mul3A_46, %dma_wait3A_54] : memref<160000x256xf32, #tpu.memory_space<hbm>> -> memref<128x256xf32, #tpu.memory_space<hbm>>
          tpu.wait_dma2 semaphore(%run_scoped3A : memref<!tpu.dma_semaphore, #tpu.memory_space<semaphore_mem>>) src(%arg8 : memref<128x256xf32, #tpu.memory_space<vmem>>) dst(%dma_wait3A_55 : memref<128x256xf32, #tpu.memory_space<hbm>>)
          tpu.yield
        }) : () -> ()
      } else {
      }
      %while3A_44 = arith.constant 0 : i64
      scf.yield %while3A_44 : i64
    }
    return
  }
}

#map = affine_map<(d0, d1) -> (0)>
module attributes {stable_mosaic.version = 14 : i64} {
  func.func @mk(%arg0: i32, %arg1: i32, %arg2: memref<160000xf32, #tpu.memory_space<hbm>>, %arg3: memref<160000xi32, #tpu.memory_space<hbm>>, %arg4: memref<10240xf32, #tpu.memory_space<hbm>>, %arg5: memref<10240xf32, #tpu.memory_space<hbm>>, %arg6: memref<2000xf32, #tpu.memory_space<vmem>>, %arg7: memref<2000xi32, #tpu.memory_space<vmem>>, %arg8: memref<320x16xf32, #tpu.memory_space<vmem>>, %arg9: memref<320x16xf32, #tpu.memory_space<vmem>>, %arg10: memref<320xf32, #tpu.memory_space<vmem>>, %arg11: memref<320xf32, #tpu.memory_space<vmem>>) attributes {dimension_semantics = [#tpu.dimension_semantics<core_parallel>, #tpu.dimension_semantics<subcore_parallel>], iteration_bounds = array<i64: 2, 16>, scalar_prefetch = 0 : i64, scratch_operands = 6 : i64, tpu.core_type = #tpu.core_type<sc_vector_subcore>, window_params = [{transform_indices = #map}, {transform_indices = #map}, {transform_indices = #map}, {transform_indices = #map}]} {
    %mul3A = arith.constant 2 : i32
    %mul3A_0 = arith.muli %arg1, %mul3A : i32
    %add3A = arith.addi %mul3A_0, %arg0 : i32
    %mul3A_1 = arith.constant 320 : i32
    %mul3A_2 = arith.muli %add3A, %mul3A_1 : i32
    %iota3A = tpu.iota {dimensions = array<i32: 0>} : vector<16xi32>
    %while3A = arith.constant 0 : i32
    %while3A_3 = arith.constant 320 : i32
    %while3A_4 = arith.constant 0 : i64
    %while3A_5 = arith.subi %while3A_3, %while3A : i32
    %while3A_6 = arith.addi %while3A, %while3A_5 : i32
    %while3A_7 = arith.constant 1 : i32
    %while3A_8 = arith.divsi %while3A_5, %while3A_7 : i32
    %while3A_9 = arith.muli %while3A_8, %while3A_7 : i32
    %while3A_10 = arith.addi %while3A, %while3A_9 : i32
    %while3A_11 = arith.constant 1 : i32
    %while3A_12 = scf.for %while3A_67 = %while3A to %while3A_10 step %while3A_11 iter_args(%while3A_68 = %while3A_4) -> (i64)  : i32 {
      %broadcast_in_dim3A = arith.constant -3.000000e+38 : f32
      %broadcast_in_dim3A_69 = vector.broadcast %broadcast_in_dim3A : f32 to vector<16xf32>
      %swap3A = arith.index_cast %while3A_67 : i32 to index
      %swap3A_70 = arith.constant 0 : index
      %swap3A_71 = tpu.vector_load %arg8[%swap3A, %swap3A_70] {strides = array<i32>} : memref<320x16xf32, #tpu.memory_space<vmem>>, vector<16xf32>,
      tpu.vector_store %arg8[%swap3A, %swap3A_70], %broadcast_in_dim3A_69 {strides = array<i32>} : memref<320x16xf32, #tpu.memory_space<vmem>>, vector<16xf32>,
      %broadcast_in_dim3A_72 = arith.constant 0.000000e+00 : f32
      %broadcast_in_dim3A_73 = vector.broadcast %broadcast_in_dim3A_72 : f32 to vector<16xf32>
      %swap3A_74 = arith.index_cast %while3A_67 : i32 to index
      %swap3A_75 = arith.constant 0 : index
      %swap3A_76 = tpu.vector_load %arg9[%swap3A_74, %swap3A_75] {strides = array<i32>} : memref<320x16xf32, #tpu.memory_space<vmem>>, vector<16xf32>,
      tpu.vector_store %arg9[%swap3A_74, %swap3A_75], %broadcast_in_dim3A_73 {strides = array<i32>} : memref<320x16xf32, #tpu.memory_space<vmem>>, vector<16xf32>,
      %while3A_77 = arith.constant 0 : i64
      scf.yield %while3A_77 : i64
    }
    %while3A_13 = arith.constant 1 : i32
    %while3A_14 = scf.for %while3A_67 = %while3A_10 to %while3A_6 step %while3A_13 iter_args(%while3A_68 = %while3A_12) -> (i64)  : i32 {
      %broadcast_in_dim3A = arith.constant -3.000000e+38 : f32
      %broadcast_in_dim3A_69 = vector.broadcast %broadcast_in_dim3A : f32 to vector<16xf32>
      %swap3A = arith.index_cast %while3A_67 : i32 to index
      %swap3A_70 = arith.constant 0 : index
      %swap3A_71 = tpu.vector_load %arg8[%swap3A, %swap3A_70] {strides = array<i32>} : memref<320x16xf32, #tpu.memory_space<vmem>>, vector<16xf32>,
      tpu.vector_store %arg8[%swap3A, %swap3A_70], %broadcast_in_dim3A_69 {strides = array<i32>} : memref<320x16xf32, #tpu.memory_space<vmem>>, vector<16xf32>,
      %broadcast_in_dim3A_72 = arith.constant 0.000000e+00 : f32
      %broadcast_in_dim3A_73 = vector.broadcast %broadcast_in_dim3A_72 : f32 to vector<16xf32>
      %swap3A_74 = arith.index_cast %while3A_67 : i32 to index
      %swap3A_75 = arith.constant 0 : index
      %swap3A_76 = tpu.vector_load %arg9[%swap3A_74, %swap3A_75] {strides = array<i32>} : memref<320x16xf32, #tpu.memory_space<vmem>>, vector<16xf32>,
      tpu.vector_store %arg9[%swap3A_74, %swap3A_75], %broadcast_in_dim3A_73 {strides = array<i32>} : memref<320x16xf32, #tpu.memory_space<vmem>>, vector<16xf32>,
      %while3A_77 = arith.constant 0 : i64
      scf.yield %while3A_77 : i64
    }
    %while3A_15 = arith.constant 0 : i32
    %while3A_16 = arith.constant 80 : i32
    %while3A_17 = arith.constant 0 : i64
    %while3A_18 = arith.subi %while3A_16, %while3A_15 : i32
    %while3A_19 = arith.addi %while3A_15, %while3A_18 : i32
    %while3A_20 = arith.constant 1 : i32
    %while3A_21 = arith.divsi %while3A_18, %while3A_20 : i32
    %while3A_22 = arith.muli %while3A_21, %while3A_20 : i32
    %while3A_23 = arith.addi %while3A_15, %while3A_22 : i32
    %while3A_24 = arith.constant 1 : i32
    %while3A_25 = scf.for %while3A_67 = %while3A_15 to %while3A_23 step %while3A_24 iter_args(%while3A_68 = %while3A_17) -> (i64)  : i32 {
      %mul3A_69 = arith.constant 2000 : i32
      %mul3A_70 = arith.muli %while3A_67, %mul3A_69 : i32
      "tpu.region"() ({
        %run_scoped3A = tpu.sem_alloc : memref<!tpu.dma_semaphore, #tpu.memory_space<semaphore_mem>>
        %dma_start3A = tpu.memref_slice %arg2[%mul3A_70] : memref<160000xf32, #tpu.memory_space<hbm>> -> memref<2000xf32, #tpu.memory_space<hbm>>
        %dma_start3A_85 = tpu.memref_slice %arg2[%mul3A_70] : memref<160000xf32, #tpu.memory_space<hbm>> -> memref<2000xf32, #tpu.memory_space<hbm>>
        tpu.enqueue_dma source(%dma_start3A_85 : memref<2000xf32, #tpu.memory_space<hbm>>) target(%arg6 : memref<2000xf32, #tpu.memory_space<vmem>>) target_semaphore(%run_scoped3A : memref<!tpu.dma_semaphore, #tpu.memory_space<semaphore_mem>>)
        %dma_wait3A = tpu.memref_slice %arg2[%mul3A_70] : memref<160000xf32, #tpu.memory_space<hbm>> -> memref<2000xf32, #tpu.memory_space<hbm>>
        %dma_wait3A_86 = tpu.memref_slice %arg2[%mul3A_70] : memref<160000xf32, #tpu.memory_space<hbm>> -> memref<2000xf32, #tpu.memory_space<hbm>>
        tpu.wait_dma2 semaphore(%run_scoped3A : memref<!tpu.dma_semaphore, #tpu.memory_space<semaphore_mem>>) src(%dma_wait3A_86 : memref<2000xf32, #tpu.memory_space<hbm>>) dst(%arg6 : memref<2000xf32, #tpu.memory_space<vmem>>)
        tpu.yield
      }) : () -> ()
      "tpu.region"() ({
        %run_scoped3A = tpu.sem_alloc : memref<!tpu.dma_semaphore, #tpu.memory_space<semaphore_mem>>
        %dma_start3A = tpu.memref_slice %arg3[%mul3A_70] : memref<160000xi32, #tpu.memory_space<hbm>> -> memref<2000xi32, #tpu.memory_space<hbm>>
        %dma_start3A_85 = tpu.memref_slice %arg3[%mul3A_70] : memref<160000xi32, #tpu.memory_space<hbm>> -> memref<2000xi32, #tpu.memory_space<hbm>>
        tpu.enqueue_dma source(%dma_start3A_85 : memref<2000xi32, #tpu.memory_space<hbm>>) target(%arg7 : memref<2000xi32, #tpu.memory_space<vmem>>) target_semaphore(%run_scoped3A : memref<!tpu.dma_semaphore, #tpu.memory_space<semaphore_mem>>)
        %dma_wait3A = tpu.memref_slice %arg3[%mul3A_70] : memref<160000xi32, #tpu.memory_space<hbm>> -> memref<2000xi32, #tpu.memory_space<hbm>>
        %dma_wait3A_86 = tpu.memref_slice %arg3[%mul3A_70] : memref<160000xi32, #tpu.memory_space<hbm>> -> memref<2000xi32, #tpu.memory_space<hbm>>
        tpu.wait_dma2 semaphore(%run_scoped3A : memref<!tpu.dma_semaphore, #tpu.memory_space<semaphore_mem>>) src(%dma_wait3A_86 : memref<2000xi32, #tpu.memory_space<hbm>>) dst(%arg7 : memref<2000xi32, #tpu.memory_space<vmem>>)
        tpu.yield
      }) : () -> ()
      %while3A_71 = arith.constant 0 : i32
      %while3A_72 = arith.constant 125 : i32
      %while3A_73 = arith.constant 0 : i64
      %while3A_74 = arith.subi %while3A_72, %while3A_71 : i32
      %while3A_75 = arith.addi %while3A_71, %while3A_74 : i32
      %while3A_76 = arith.constant 1 : i32
      %while3A_77 = arith.divsi %while3A_74, %while3A_76 : i32
      %while3A_78 = arith.muli %while3A_77, %while3A_76 : i32
      %while3A_79 = arith.addi %while3A_71, %while3A_78 : i32
      %while3A_80 = arith.constant 1 : i32
      %while3A_81 = scf.for %while3A_85 = %while3A_71 to %while3A_79 step %while3A_80 iter_args(%while3A_86 = %while3A_73) -> (i64)  : i32 {
        %mul3A_87 = arith.constant 16 : i32
        %mul3A_88 = arith.muli %while3A_85, %mul3A_87 : i32
        %get3A = arith.index_cast %mul3A_88 : i32 to index
        %get3A_89 = tpu.vector_load %arg6[%get3A] {strides = array<i32>} : memref<2000xf32, #tpu.memory_space<vmem>>, vector<16xf32>,
        %mul3A_90 = arith.constant 16 : i32
        %mul3A_91 = arith.muli %while3A_85, %mul3A_90 : i32
        %get3A_92 = arith.index_cast %mul3A_91 : i32 to index
        %get3A_93 = tpu.vector_load %arg7[%get3A_92] {strides = array<i32>} : memref<2000xi32, #tpu.memory_space<vmem>>, vector<16xi32>,
        %ge3A = vector.broadcast %mul3A_2 : i32 to vector<16xi32>
        %ge3A_94 = arith.cmpi sge, %get3A_93, %ge3A : vector<16xi32>
        %add3A_95 = arith.constant 320 : i32
        %add3A_96 = arith.addi %mul3A_2, %add3A_95 : i32
        %lt3A = vector.broadcast %add3A_96 : i32 to vector<16xi32>
        %lt3A_97 = arith.cmpi slt, %get3A_93, %lt3A : vector<16xi32>
        %and3A = arith.andi %ge3A_94, %lt3A_97 : vector<16xi1>
        %sub3A = vector.broadcast %mul3A_2 : i32 to vector<16xi32>
        %sub3A_98 = arith.subi %get3A_93, %sub3A : vector<16xi32>
        %jit3A = arith.constant 0 : i64
        %convert_element_type3A = arith.trunci %jit3A : i64 to i32
        %broadcast_in_dim3A = vector.broadcast %convert_element_type3A : i32 to vector<16xi32>
        %select_n3A = arith.select %and3A, %sub3A_98, %broadcast_in_dim3A : vector<16xi1>, vector<16xi32>
        %gather3A = tpu.vector_load_idx %arg8[%select_n3A, %iota3A] masked %and3A : memref<320x16xf32, #tpu.memory_space<vmem>>[vector<16xi32>, vector<16xi32>], vector<16xf32>, vector<16xi1>
        %max3A = arith.maximumf %gather3A, %get3A_89 : vector<16xf32>
        tpu.vector_store_idx %arg8[%select_n3A, %iota3A], %max3A masked %and3A : memref<320x16xf32, #tpu.memory_space<vmem>>[vector<16xi32>, vector<16xi32>], vector<16xf32>, vector<16xi1>
        %while3A_99 = arith.constant 0 : i64
        scf.yield %while3A_99 : i64
      }
      %while3A_82 = arith.constant 1 : i32
      %while3A_83 = scf.for %while3A_85 = %while3A_79 to %while3A_75 step %while3A_82 iter_args(%while3A_86 = %while3A_81) -> (i64)  : i32 {
        %mul3A_87 = arith.constant 16 : i32
        %mul3A_88 = arith.muli %while3A_85, %mul3A_87 : i32
        %get3A = arith.index_cast %mul3A_88 : i32 to index
        %get3A_89 = tpu.vector_load %arg6[%get3A] {strides = array<i32>} : memref<2000xf32, #tpu.memory_space<vmem>>, vector<16xf32>,
        %mul3A_90 = arith.constant 16 : i32
        %mul3A_91 = arith.muli %while3A_85, %mul3A_90 : i32
        %get3A_92 = arith.index_cast %mul3A_91 : i32 to index
        %get3A_93 = tpu.vector_load %arg7[%get3A_92] {strides = array<i32>} : memref<2000xi32, #tpu.memory_space<vmem>>, vector<16xi32>,
        %ge3A = vector.broadcast %mul3A_2 : i32 to vector<16xi32>
        %ge3A_94 = arith.cmpi sge, %get3A_93, %ge3A : vector<16xi32>
        %add3A_95 = arith.constant 320 : i32
        %add3A_96 = arith.addi %mul3A_2, %add3A_95 : i32
        %lt3A = vector.broadcast %add3A_96 : i32 to vector<16xi32>
        %lt3A_97 = arith.cmpi slt, %get3A_93, %lt3A : vector<16xi32>
        %and3A = arith.andi %ge3A_94, %lt3A_97 : vector<16xi1>
        %sub3A = vector.broadcast %mul3A_2 : i32 to vector<16xi32>
        %sub3A_98 = arith.subi %get3A_93, %sub3A : vector<16xi32>
        %jit3A = arith.constant 0 : i64
        %convert_element_type3A = arith.trunci %jit3A : i64 to i32
        %broadcast_in_dim3A = vector.broadcast %convert_element_type3A : i32 to vector<16xi32>
        %select_n3A = arith.select %and3A, %sub3A_98, %broadcast_in_dim3A : vector<16xi1>, vector<16xi32>
        %gather3A = tpu.vector_load_idx %arg8[%select_n3A, %iota3A] masked %and3A : memref<320x16xf32, #tpu.memory_space<vmem>>[vector<16xi32>, vector<16xi32>], vector<16xf32>, vector<16xi1>
        %max3A = arith.maximumf %gather3A, %get3A_89 : vector<16xf32>
        tpu.vector_store_idx %arg8[%select_n3A, %iota3A], %max3A masked %and3A : memref<320x16xf32, #tpu.memory_space<vmem>>[vector<16xi32>, vector<16xi32>], vector<16xf32>, vector<16xi1>
        %while3A_99 = arith.constant 0 : i64
        scf.yield %while3A_99 : i64
      }
      %while3A_84 = arith.constant 0 : i64
      scf.yield %while3A_84 : i64
    }
    %while3A_26 = arith.constant 1 : i32
    %while3A_27 = scf.for %while3A_67 = %while3A_23 to %while3A_19 step %while3A_26 iter_args(%while3A_68 = %while3A_25) -> (i64)  : i32 {
      %mul3A_69 = arith.constant 2000 : i32
      %mul3A_70 = arith.muli %while3A_67, %mul3A_69 : i32
      "tpu.region"() ({
        %run_scoped3A = tpu.sem_alloc : memref<!tpu.dma_semaphore, #tpu.memory_space<semaphore_mem>>
        %dma_start3A = tpu.memref_slice %arg2[%mul3A_70] : memref<160000xf32, #tpu.memory_space<hbm>> -> memref<2000xf32, #tpu.memory_space<hbm>>
        %dma_start3A_85 = tpu.memref_slice %arg2[%mul3A_70] : memref<160000xf32, #tpu.memory_space<hbm>> -> memref<2000xf32, #tpu.memory_space<hbm>>
        tpu.enqueue_dma source(%dma_start3A_85 : memref<2000xf32, #tpu.memory_space<hbm>>) target(%arg6 : memref<2000xf32, #tpu.memory_space<vmem>>) target_semaphore(%run_scoped3A : memref<!tpu.dma_semaphore, #tpu.memory_space<semaphore_mem>>)
        %dma_wait3A = tpu.memref_slice %arg2[%mul3A_70] : memref<160000xf32, #tpu.memory_space<hbm>> -> memref<2000xf32, #tpu.memory_space<hbm>>
        %dma_wait3A_86 = tpu.memref_slice %arg2[%mul3A_70] : memref<160000xf32, #tpu.memory_space<hbm>> -> memref<2000xf32, #tpu.memory_space<hbm>>
        tpu.wait_dma2 semaphore(%run_scoped3A : memref<!tpu.dma_semaphore, #tpu.memory_space<semaphore_mem>>) src(%dma_wait3A_86 : memref<2000xf32, #tpu.memory_space<hbm>>) dst(%arg6 : memref<2000xf32, #tpu.memory_space<vmem>>)
        tpu.yield
      }) : () -> ()
      "tpu.region"() ({
        %run_scoped3A = tpu.sem_alloc : memref<!tpu.dma_semaphore, #tpu.memory_space<semaphore_mem>>
        %dma_start3A = tpu.memref_slice %arg3[%mul3A_70] : memref<160000xi32, #tpu.memory_space<hbm>> -> memref<2000xi32, #tpu.memory_space<hbm>>
        %dma_start3A_85 = tpu.memref_slice %arg3[%mul3A_70] : memref<160000xi32, #tpu.memory_space<hbm>> -> memref<2000xi32, #tpu.memory_space<hbm>>
        tpu.enqueue_dma source(%dma_start3A_85 : memref<2000xi32, #tpu.memory_space<hbm>>) target(%arg7 : memref<2000xi32, #tpu.memory_space<vmem>>) target_semaphore(%run_scoped3A : memref<!tpu.dma_semaphore, #tpu.memory_space<semaphore_mem>>)
        %dma_wait3A = tpu.memref_slice %arg3[%mul3A_70] : memref<160000xi32, #tpu.memory_space<hbm>> -> memref<2000xi32, #tpu.memory_space<hbm>>
        %dma_wait3A_86 = tpu.memref_slice %arg3[%mul3A_70] : memref<160000xi32, #tpu.memory_space<hbm>> -> memref<2000xi32, #tpu.memory_space<hbm>>
        tpu.wait_dma2 semaphore(%run_scoped3A : memref<!tpu.dma_semaphore, #tpu.memory_space<semaphore_mem>>) src(%dma_wait3A_86 : memref<2000xi32, #tpu.memory_space<hbm>>) dst(%arg7 : memref<2000xi32, #tpu.memory_space<vmem>>)
        tpu.yield
      }) : () -> ()
      %while3A_71 = arith.constant 0 : i32
      %while3A_72 = arith.constant 125 : i32
      %while3A_73 = arith.constant 0 : i64
      %while3A_74 = arith.subi %while3A_72, %while3A_71 : i32
      %while3A_75 = arith.addi %while3A_71, %while3A_74 : i32
      %while3A_76 = arith.constant 1 : i32
      %while3A_77 = arith.divsi %while3A_74, %while3A_76 : i32
      %while3A_78 = arith.muli %while3A_77, %while3A_76 : i32
      %while3A_79 = arith.addi %while3A_71, %while3A_78 : i32
      %while3A_80 = arith.constant 1 : i32
      %while3A_81 = scf.for %while3A_85 = %while3A_71 to %while3A_79 step %while3A_80 iter_args(%while3A_86 = %while3A_73) -> (i64)  : i32 {
        %mul3A_87 = arith.constant 16 : i32
        %mul3A_88 = arith.muli %while3A_85, %mul3A_87 : i32
        %get3A = arith.index_cast %mul3A_88 : i32 to index
        %get3A_89 = tpu.vector_load %arg6[%get3A] {strides = array<i32>} : memref<2000xf32, #tpu.memory_space<vmem>>, vector<16xf32>,
        %mul3A_90 = arith.constant 16 : i32
        %mul3A_91 = arith.muli %while3A_85, %mul3A_90 : i32
        %get3A_92 = arith.index_cast %mul3A_91 : i32 to index
        %get3A_93 = tpu.vector_load %arg7[%get3A_92] {strides = array<i32>} : memref<2000xi32, #tpu.memory_space<vmem>>, vector<16xi32>,
        %ge3A = vector.broadcast %mul3A_2 : i32 to vector<16xi32>
        %ge3A_94 = arith.cmpi sge, %get3A_93, %ge3A : vector<16xi32>
        %add3A_95 = arith.constant 320 : i32
        %add3A_96 = arith.addi %mul3A_2, %add3A_95 : i32
        %lt3A = vector.broadcast %add3A_96 : i32 to vector<16xi32>
        %lt3A_97 = arith.cmpi slt, %get3A_93, %lt3A : vector<16xi32>
        %and3A = arith.andi %ge3A_94, %lt3A_97 : vector<16xi1>
        %sub3A = vector.broadcast %mul3A_2 : i32 to vector<16xi32>
        %sub3A_98 = arith.subi %get3A_93, %sub3A : vector<16xi32>
        %jit3A = arith.constant 0 : i64
        %convert_element_type3A = arith.trunci %jit3A : i64 to i32
        %broadcast_in_dim3A = vector.broadcast %convert_element_type3A : i32 to vector<16xi32>
        %select_n3A = arith.select %and3A, %sub3A_98, %broadcast_in_dim3A : vector<16xi1>, vector<16xi32>
        %gather3A = tpu.vector_load_idx %arg8[%select_n3A, %iota3A] masked %and3A : memref<320x16xf32, #tpu.memory_space<vmem>>[vector<16xi32>, vector<16xi32>], vector<16xf32>, vector<16xi1>
        %max3A = arith.maximumf %gather3A, %get3A_89 : vector<16xf32>
        tpu.vector_store_idx %arg8[%select_n3A, %iota3A], %max3A masked %and3A : memref<320x16xf32, #tpu.memory_space<vmem>>[vector<16xi32>, vector<16xi32>], vector<16xf32>, vector<16xi1>
        %while3A_99 = arith.constant 0 : i64
        scf.yield %while3A_99 : i64
      }
      %while3A_82 = arith.constant 1 : i32
      %while3A_83 = scf.for %while3A_85 = %while3A_79 to %while3A_75 step %while3A_82 iter_args(%while3A_86 = %while3A_81) -> (i64)  : i32 {
        %mul3A_87 = arith.constant 16 : i32
        %mul3A_88 = arith.muli %while3A_85, %mul3A_87 : i32
        %get3A = arith.index_cast %mul3A_88 : i32 to index
        %get3A_89 = tpu.vector_load %arg6[%get3A] {strides = array<i32>} : memref<2000xf32, #tpu.memory_space<vmem>>, vector<16xf32>,
        %mul3A_90 = arith.constant 16 : i32
        %mul3A_91 = arith.muli %while3A_85, %mul3A_90 : i32
        %get3A_92 = arith.index_cast %mul3A_91 : i32 to index
        %get3A_93 = tpu.vector_load %arg7[%get3A_92] {strides = array<i32>} : memref<2000xi32, #tpu.memory_space<vmem>>, vector<16xi32>,
        %ge3A = vector.broadcast %mul3A_2 : i32 to vector<16xi32>
        %ge3A_94 = arith.cmpi sge, %get3A_93, %ge3A : vector<16xi32>
        %add3A_95 = arith.constant 320 : i32
        %add3A_96 = arith.addi %mul3A_2, %add3A_95 : i32
        %lt3A = vector.broadcast %add3A_96 : i32 to vector<16xi32>
        %lt3A_97 = arith.cmpi slt, %get3A_93, %lt3A : vector<16xi32>
        %and3A = arith.andi %ge3A_94, %lt3A_97 : vector<16xi1>
        %sub3A = vector.broadcast %mul3A_2 : i32 to vector<16xi32>
        %sub3A_98 = arith.subi %get3A_93, %sub3A : vector<16xi32>
        %jit3A = arith.constant 0 : i64
        %convert_element_type3A = arith.trunci %jit3A : i64 to i32
        %broadcast_in_dim3A = vector.broadcast %convert_element_type3A : i32 to vector<16xi32>
        %select_n3A = arith.select %and3A, %sub3A_98, %broadcast_in_dim3A : vector<16xi1>, vector<16xi32>
        %gather3A = tpu.vector_load_idx %arg8[%select_n3A, %iota3A] masked %and3A : memref<320x16xf32, #tpu.memory_space<vmem>>[vector<16xi32>, vector<16xi32>], vector<16xf32>, vector<16xi1>
        %max3A = arith.maximumf %gather3A, %get3A_89 : vector<16xf32>
        tpu.vector_store_idx %arg8[%select_n3A, %iota3A], %max3A masked %and3A : memref<320x16xf32, #tpu.memory_space<vmem>>[vector<16xi32>, vector<16xi32>], vector<16xf32>, vector<16xi1>
        %while3A_99 = arith.constant 0 : i64
        scf.yield %while3A_99 : i64
      }
      %while3A_84 = arith.constant 0 : i64
      scf.yield %while3A_84 : i64
    }
    %while3A_28 = arith.constant 0 : i32
    %while3A_29 = arith.constant 20 : i32
    %while3A_30 = arith.constant 0 : i64
    %while3A_31 = arith.subi %while3A_29, %while3A_28 : i32
    %while3A_32 = arith.addi %while3A_28, %while3A_31 : i32
    %while3A_33 = arith.constant 1 : i32
    %while3A_34 = arith.divsi %while3A_31, %while3A_33 : i32
    %while3A_35 = arith.muli %while3A_34, %while3A_33 : i32
    %while3A_36 = arith.addi %while3A_28, %while3A_35 : i32
    %while3A_37 = arith.constant 1 : i32
    %while3A_38 = scf.for %while3A_67 = %while3A_28 to %while3A_36 step %while3A_37 iter_args(%while3A_68 = %while3A_30) -> (i64)  : i32 {
      %iota3A_69 = tpu.iota {dimensions = array<i32: 0>} : vector<16xi32>
      %mul3A_70 = arith.constant 16 : i32
      %mul3A_71 = arith.muli %while3A_67, %mul3A_70 : i32
      %add3A_72 = vector.broadcast %mul3A_71 : i32 to vector<16xi32>
      %add3A_73 = arith.addi %iota3A_69, %add3A_72 : vector<16xi32>
      %broadcast_in_dim3A = arith.constant -3.000000e+38 : f32
      %broadcast_in_dim3A_74 = vector.broadcast %broadcast_in_dim3A : f32 to vector<16xf32>
      %while3A_75 = arith.constant 0 : i32
      %while3A_76 = arith.constant 16 : i32
      %while3A_77 = arith.subi %while3A_76, %while3A_75 : i32
      %while3A_78 = arith.addi %while3A_75, %while3A_77 : i32
      %while3A_79 = arith.constant 1 : i32
      %while3A_80 = arith.divsi %while3A_77, %while3A_79 : i32
      %while3A_81 = arith.muli %while3A_80, %while3A_79 : i32
      %while3A_82 = arith.addi %while3A_75, %while3A_81 : i32
      %while3A_83 = arith.constant 1 : i32
      %while3A_84 = scf.for %while3A_91 = %while3A_75 to %while3A_82 step %while3A_83 iter_args(%while3A_92 = %broadcast_in_dim3A_74) -> (vector<16xf32>)  : i32 {
        %broadcast_in_dim3A_93 = arith.constant 0 : i32
        %broadcast_in_dim3A_94 = vector.broadcast %broadcast_in_dim3A_93 : i32 to vector<16xi32>
        %add3A_95 = vector.broadcast %while3A_91 : i32 to vector<16xi32>
        %add3A_96 = arith.addi %broadcast_in_dim3A_94, %add3A_95 : vector<16xi32>
        %gather3A = tpu.vector_load_idx %arg8[%add3A_73, %add3A_96] : memref<320x16xf32, #tpu.memory_space<vmem>>[vector<16xi32>, vector<16xi32>], vector<16xf32>,
        %max3A = arith.maximumf %while3A_92, %gather3A : vector<16xf32>
        scf.yield %max3A : vector<16xf32>
      }
      %while3A_85 = arith.constant 1 : i32
      %while3A_86 = scf.for %while3A_91 = %while3A_82 to %while3A_78 step %while3A_85 iter_args(%while3A_92 = %while3A_84) -> (vector<16xf32>)  : i32 {
        %broadcast_in_dim3A_93 = arith.constant 0 : i32
        %broadcast_in_dim3A_94 = vector.broadcast %broadcast_in_dim3A_93 : i32 to vector<16xi32>
        %add3A_95 = vector.broadcast %while3A_91 : i32 to vector<16xi32>
        %add3A_96 = arith.addi %broadcast_in_dim3A_94, %add3A_95 : vector<16xi32>
        %gather3A = tpu.vector_load_idx %arg8[%add3A_73, %add3A_96] : memref<320x16xf32, #tpu.memory_space<vmem>>[vector<16xi32>, vector<16xi32>], vector<16xf32>,
        %max3A = arith.maximumf %while3A_92, %gather3A : vector<16xf32>
        scf.yield %max3A : vector<16xf32>
      }
      %mul3A_87 = arith.constant 16 : i32
      %mul3A_88 = arith.muli %while3A_67, %mul3A_87 : i32
      %swap3A = arith.index_cast %mul3A_88 : i32 to index
      %swap3A_89 = tpu.vector_load %arg10[%swap3A] {strides = array<i32>} : memref<320xf32, #tpu.memory_space<vmem>>, vector<16xf32>,
      tpu.vector_store %arg10[%swap3A], %while3A_86 {strides = array<i32>} : memref<320xf32, #tpu.memory_space<vmem>>, vector<16xf32>,
      %while3A_90 = arith.constant 0 : i64
      scf.yield %while3A_90 : i64
    }
    %while3A_39 = arith.constant 1 : i32
    %while3A_40 = scf.for %while3A_67 = %while3A_36 to %while3A_32 step %while3A_39 iter_args(%while3A_68 = %while3A_38) -> (i64)  : i32 {
      %iota3A_69 = tpu.iota {dimensions = array<i32: 0>} : vector<16xi32>
      %mul3A_70 = arith.constant 16 : i32
      %mul3A_71 = arith.muli %while3A_67, %mul3A_70 : i32
      %add3A_72 = vector.broadcast %mul3A_71 : i32 to vector<16xi32>
      %add3A_73 = arith.addi %iota3A_69, %add3A_72 : vector<16xi32>
      %broadcast_in_dim3A = arith.constant -3.000000e+38 : f32
      %broadcast_in_dim3A_74 = vector.broadcast %broadcast_in_dim3A : f32 to vector<16xf32>
      %while3A_75 = arith.constant 0 : i32
      %while3A_76 = arith.constant 16 : i32
      %while3A_77 = arith.subi %while3A_76, %while3A_75 : i32
      %while3A_78 = arith.addi %while3A_75, %while3A_77 : i32
      %while3A_79 = arith.constant 1 : i32
      %while3A_80 = arith.divsi %while3A_77, %while3A_79 : i32
      %while3A_81 = arith.muli %while3A_80, %while3A_79 : i32
      %while3A_82 = arith.addi %while3A_75, %while3A_81 : i32
      %while3A_83 = arith.constant 1 : i32
      %while3A_84 = scf.for %while3A_91 = %while3A_75 to %while3A_82 step %while3A_83 iter_args(%while3A_92 = %broadcast_in_dim3A_74) -> (vector<16xf32>)  : i32 {
        %broadcast_in_dim3A_93 = arith.constant 0 : i32
        %broadcast_in_dim3A_94 = vector.broadcast %broadcast_in_dim3A_93 : i32 to vector<16xi32>
        %add3A_95 = vector.broadcast %while3A_91 : i32 to vector<16xi32>
        %add3A_96 = arith.addi %broadcast_in_dim3A_94, %add3A_95 : vector<16xi32>
        %gather3A = tpu.vector_load_idx %arg8[%add3A_73, %add3A_96] : memref<320x16xf32, #tpu.memory_space<vmem>>[vector<16xi32>, vector<16xi32>], vector<16xf32>,
        %max3A = arith.maximumf %while3A_92, %gather3A : vector<16xf32>
        scf.yield %max3A : vector<16xf32>
      }
      %while3A_85 = arith.constant 1 : i32
      %while3A_86 = scf.for %while3A_91 = %while3A_82 to %while3A_78 step %while3A_85 iter_args(%while3A_92 = %while3A_84) -> (vector<16xf32>)  : i32 {
        %broadcast_in_dim3A_93 = arith.constant 0 : i32
        %broadcast_in_dim3A_94 = vector.broadcast %broadcast_in_dim3A_93 : i32 to vector<16xi32>
        %add3A_95 = vector.broadcast %while3A_91 : i32 to vector<16xi32>
        %add3A_96 = arith.addi %broadcast_in_dim3A_94, %add3A_95 : vector<16xi32>
        %gather3A = tpu.vector_load_idx %arg8[%add3A_73, %add3A_96] : memref<320x16xf32, #tpu.memory_space<vmem>>[vector<16xi32>, vector<16xi32>], vector<16xf32>,
        %max3A = arith.maximumf %while3A_92, %gather3A : vector<16xf32>
        scf.yield %max3A : vector<16xf32>
      }
      %mul3A_87 = arith.constant 16 : i32
      %mul3A_88 = arith.muli %while3A_67, %mul3A_87 : i32
      %swap3A = arith.index_cast %mul3A_88 : i32 to index
      %swap3A_89 = tpu.vector_load %arg10[%swap3A] {strides = array<i32>} : memref<320xf32, #tpu.memory_space<vmem>>, vector<16xf32>,
      tpu.vector_store %arg10[%swap3A], %while3A_86 {strides = array<i32>} : memref<320xf32, #tpu.memory_space<vmem>>, vector<16xf32>,
      %while3A_90 = arith.constant 0 : i64
      scf.yield %while3A_90 : i64
    }
    %while3A_41 = arith.constant 0 : i32
    %while3A_42 = arith.constant 80 : i32
    %while3A_43 = arith.constant 0 : i64
    %while3A_44 = arith.subi %while3A_42, %while3A_41 : i32
    %while3A_45 = arith.addi %while3A_41, %while3A_44 : i32
    %while3A_46 = arith.constant 1 : i32
    %while3A_47 = arith.divsi %while3A_44, %while3A_46 : i32
    %while3A_48 = arith.muli %while3A_47, %while3A_46 : i32
    %while3A_49 = arith.addi %while3A_41, %while3A_48 : i32
    %while3A_50 = arith.constant 1 : i32
    %while3A_51 = scf.for %while3A_67 = %while3A_41 to %while3A_49 step %while3A_50 iter_args(%while3A_68 = %while3A_43) -> (i64)  : i32 {
      %mul3A_69 = arith.constant 2000 : i32
      %mul3A_70 = arith.muli %while3A_67, %mul3A_69 : i32
      "tpu.region"() ({
        %run_scoped3A = tpu.sem_alloc : memref<!tpu.dma_semaphore, #tpu.memory_space<semaphore_mem>>
        %dma_start3A = tpu.memref_slice %arg2[%mul3A_70] : memref<160000xf32, #tpu.memory_space<hbm>> -> memref<2000xf32, #tpu.memory_space<hbm>>
        %dma_start3A_85 = tpu.memref_slice %arg2[%mul3A_70] : memref<160000xf32, #tpu.memory_space<hbm>> -> memref<2000xf32, #tpu.memory_space<hbm>>
        tpu.enqueue_dma source(%dma_start3A_85 : memref<2000xf32, #tpu.memory_space<hbm>>) target(%arg6 : memref<2000xf32, #tpu.memory_space<vmem>>) target_semaphore(%run_scoped3A : memref<!tpu.dma_semaphore, #tpu.memory_space<semaphore_mem>>)
        %dma_wait3A = tpu.memref_slice %arg2[%mul3A_70] : memref<160000xf32, #tpu.memory_space<hbm>> -> memref<2000xf32, #tpu.memory_space<hbm>>
        %dma_wait3A_86 = tpu.memref_slice %arg2[%mul3A_70] : memref<160000xf32, #tpu.memory_space<hbm>> -> memref<2000xf32, #tpu.memory_space<hbm>>
        tpu.wait_dma2 semaphore(%run_scoped3A : memref<!tpu.dma_semaphore, #tpu.memory_space<semaphore_mem>>) src(%dma_wait3A_86 : memref<2000xf32, #tpu.memory_space<hbm>>) dst(%arg6 : memref<2000xf32, #tpu.memory_space<vmem>>)
        tpu.yield
      }) : () -> ()
      "tpu.region"() ({
        %run_scoped3A = tpu.sem_alloc : memref<!tpu.dma_semaphore, #tpu.memory_space<semaphore_mem>>
        %dma_start3A = tpu.memref_slice %arg3[%mul3A_70] : memref<160000xi32, #tpu.memory_space<hbm>> -> memref<2000xi32, #tpu.memory_space<hbm>>
        %dma_start3A_85 = tpu.memref_slice %arg3[%mul3A_70] : memref<160000xi32, #tpu.memory_space<hbm>> -> memref<2000xi32, #tpu.memory_space<hbm>>
        tpu.enqueue_dma source(%dma_start3A_85 : memref<2000xi32, #tpu.memory_space<hbm>>) target(%arg7 : memref<2000xi32, #tpu.memory_space<vmem>>) target_semaphore(%run_scoped3A : memref<!tpu.dma_semaphore, #tpu.memory_space<semaphore_mem>>)
        %dma_wait3A = tpu.memref_slice %arg3[%mul3A_70] : memref<160000xi32, #tpu.memory_space<hbm>> -> memref<2000xi32, #tpu.memory_space<hbm>>
        %dma_wait3A_86 = tpu.memref_slice %arg3[%mul3A_70] : memref<160000xi32, #tpu.memory_space<hbm>> -> memref<2000xi32, #tpu.memory_space<hbm>>
        tpu.wait_dma2 semaphore(%run_scoped3A : memref<!tpu.dma_semaphore, #tpu.memory_space<semaphore_mem>>) src(%dma_wait3A_86 : memref<2000xi32, #tpu.memory_space<hbm>>) dst(%arg7 : memref<2000xi32, #tpu.memory_space<vmem>>)
        tpu.yield
      }) : () -> ()
      %while3A_71 = arith.constant 0 : i32
      %while3A_72 = arith.constant 125 : i32
      %while3A_73 = arith.constant 0 : i64
      %while3A_74 = arith.subi %while3A_72, %while3A_71 : i32
      %while3A_75 = arith.addi %while3A_71, %while3A_74 : i32
      %while3A_76 = arith.constant 1 : i32
      %while3A_77 = arith.divsi %while3A_74, %while3A_76 : i32
      %while3A_78 = arith.muli %while3A_77, %while3A_76 : i32
      %while3A_79 = arith.addi %while3A_71, %while3A_78 : i32
      %while3A_80 = arith.constant 1 : i32
      %while3A_81 = scf.for %while3A_85 = %while3A_71 to %while3A_79 step %while3A_80 iter_args(%while3A_86 = %while3A_73) -> (i64)  : i32 {
        %mul3A_87 = arith.constant 16 : i32
        %mul3A_88 = arith.muli %while3A_85, %mul3A_87 : i32
        %get3A = arith.index_cast %mul3A_88 : i32 to index
        %get3A_89 = tpu.vector_load %arg6[%get3A] {strides = array<i32>} : memref<2000xf32, #tpu.memory_space<vmem>>, vector<16xf32>,
        %mul3A_90 = arith.constant 16 : i32
        %mul3A_91 = arith.muli %while3A_85, %mul3A_90 : i32
        %get3A_92 = arith.index_cast %mul3A_91 : i32 to index
        %get3A_93 = tpu.vector_load %arg7[%get3A_92] {strides = array<i32>} : memref<2000xi32, #tpu.memory_space<vmem>>, vector<16xi32>,
        %ge3A = vector.broadcast %mul3A_2 : i32 to vector<16xi32>
        %ge3A_94 = arith.cmpi sge, %get3A_93, %ge3A : vector<16xi32>
        %add3A_95 = arith.constant 320 : i32
        %add3A_96 = arith.addi %mul3A_2, %add3A_95 : i32
        %lt3A = vector.broadcast %add3A_96 : i32 to vector<16xi32>
        %lt3A_97 = arith.cmpi slt, %get3A_93, %lt3A : vector<16xi32>
        %and3A = arith.andi %ge3A_94, %lt3A_97 : vector<16xi1>
        %sub3A = vector.broadcast %mul3A_2 : i32 to vector<16xi32>
        %sub3A_98 = arith.subi %get3A_93, %sub3A : vector<16xi32>
        %jit3A = arith.constant 0 : i64
        %convert_element_type3A = arith.trunci %jit3A : i64 to i32
        %broadcast_in_dim3A = vector.broadcast %convert_element_type3A : i32 to vector<16xi32>
        %select_n3A = arith.select %and3A, %sub3A_98, %broadcast_in_dim3A : vector<16xi1>, vector<16xi32>
        %gather3A = tpu.vector_load_idx %arg10[%select_n3A] masked %and3A : memref<320xf32, #tpu.memory_space<vmem>>[vector<16xi32>], vector<16xf32>, vector<16xi1>
        %sub3A_99 = arith.subf %get3A_89, %gather3A : vector<16xf32>
        %exp3A = math.exp %sub3A_99 : vector<16xf32>
        %jit3A_100 = arith.constant 0.000000e+00 : f32
        %broadcast_in_dim3A_101 = vector.broadcast %jit3A_100 : f32 to vector<16xf32>
        %select_n3A_102 = arith.select %and3A, %exp3A, %broadcast_in_dim3A_101 : vector<16xi1>, vector<16xf32>
        tpu.vector_store_idx %arg9[%select_n3A, %iota3A], %select_n3A_102 masked %and3A {add = true} : memref<320x16xf32, #tpu.memory_space<vmem>>[vector<16xi32>, vector<16xi32>], vector<16xf32>, vector<16xi1>
        %while3A_103 = arith.constant 0 : i64
        scf.yield %while3A_103 : i64
      }
      %while3A_82 = arith.constant 1 : i32
      %while3A_83 = scf.for %while3A_85 = %while3A_79 to %while3A_75 step %while3A_82 iter_args(%while3A_86 = %while3A_81) -> (i64)  : i32 {
        %mul3A_87 = arith.constant 16 : i32
        %mul3A_88 = arith.muli %while3A_85, %mul3A_87 : i32
        %get3A = arith.index_cast %mul3A_88 : i32 to index
        %get3A_89 = tpu.vector_load %arg6[%get3A] {strides = array<i32>} : memref<2000xf32, #tpu.memory_space<vmem>>, vector<16xf32>,
        %mul3A_90 = arith.constant 16 : i32
        %mul3A_91 = arith.muli %while3A_85, %mul3A_90 : i32
        %get3A_92 = arith.index_cast %mul3A_91 : i32 to index
        %get3A_93 = tpu.vector_load %arg7[%get3A_92] {strides = array<i32>} : memref<2000xi32, #tpu.memory_space<vmem>>, vector<16xi32>,
        %ge3A = vector.broadcast %mul3A_2 : i32 to vector<16xi32>
        %ge3A_94 = arith.cmpi sge, %get3A_93, %ge3A : vector<16xi32>
        %add3A_95 = arith.constant 320 : i32
        %add3A_96 = arith.addi %mul3A_2, %add3A_95 : i32
        %lt3A = vector.broadcast %add3A_96 : i32 to vector<16xi32>
        %lt3A_97 = arith.cmpi slt, %get3A_93, %lt3A : vector<16xi32>
        %and3A = arith.andi %ge3A_94, %lt3A_97 : vector<16xi1>
        %sub3A = vector.broadcast %mul3A_2 : i32 to vector<16xi32>
        %sub3A_98 = arith.subi %get3A_93, %sub3A : vector<16xi32>
        %jit3A = arith.constant 0 : i64
        %convert_element_type3A = arith.trunci %jit3A : i64 to i32
        %broadcast_in_dim3A = vector.broadcast %convert_element_type3A : i32 to vector<16xi32>
        %select_n3A = arith.select %and3A, %sub3A_98, %broadcast_in_dim3A : vector<16xi1>, vector<16xi32>
        %gather3A = tpu.vector_load_idx %arg10[%select_n3A] masked %and3A : memref<320xf32, #tpu.memory_space<vmem>>[vector<16xi32>], vector<16xf32>, vector<16xi1>
        %sub3A_99 = arith.subf %get3A_89, %gather3A : vector<16xf32>
        %exp3A = math.exp %sub3A_99 : vector<16xf32>
        %jit3A_100 = arith.constant 0.000000e+00 : f32
        %broadcast_in_dim3A_101 = vector.broadcast %jit3A_100 : f32 to vector<16xf32>
        %select_n3A_102 = arith.select %and3A, %exp3A, %broadcast_in_dim3A_101 : vector<16xi1>, vector<16xf32>
        tpu.vector_store_idx %arg9[%select_n3A, %iota3A], %select_n3A_102 masked %and3A {add = true} : memref<320x16xf32, #tpu.memory_space<vmem>>[vector<16xi32>, vector<16xi32>], vector<16xf32>, vector<16xi1>
        %while3A_103 = arith.constant 0 : i64
        scf.yield %while3A_103 : i64
      }
      %while3A_84 = arith.constant 0 : i64
      scf.yield %while3A_84 : i64
    }
    %while3A_52 = arith.constant 1 : i32
    %while3A_53 = scf.for %while3A_67 = %while3A_49 to %while3A_45 step %while3A_52 iter_args(%while3A_68 = %while3A_51) -> (i64)  : i32 {
      %mul3A_69 = arith.constant 2000 : i32
      %mul3A_70 = arith.muli %while3A_67, %mul3A_69 : i32
      "tpu.region"() ({
        %run_scoped3A = tpu.sem_alloc : memref<!tpu.dma_semaphore, #tpu.memory_space<semaphore_mem>>
        %dma_start3A = tpu.memref_slice %arg2[%mul3A_70] : memref<160000xf32, #tpu.memory_space<hbm>> -> memref<2000xf32, #tpu.memory_space<hbm>>
        %dma_start3A_85 = tpu.memref_slice %arg2[%mul3A_70] : memref<160000xf32, #tpu.memory_space<hbm>> -> memref<2000xf32, #tpu.memory_space<hbm>>
        tpu.enqueue_dma source(%dma_start3A_85 : memref<2000xf32, #tpu.memory_space<hbm>>) target(%arg6 : memref<2000xf32, #tpu.memory_space<vmem>>) target_semaphore(%run_scoped3A : memref<!tpu.dma_semaphore, #tpu.memory_space<semaphore_mem>>)
        %dma_wait3A = tpu.memref_slice %arg2[%mul3A_70] : memref<160000xf32, #tpu.memory_space<hbm>> -> memref<2000xf32, #tpu.memory_space<hbm>>
        %dma_wait3A_86 = tpu.memref_slice %arg2[%mul3A_70] : memref<160000xf32, #tpu.memory_space<hbm>> -> memref<2000xf32, #tpu.memory_space<hbm>>
        tpu.wait_dma2 semaphore(%run_scoped3A : memref<!tpu.dma_semaphore, #tpu.memory_space<semaphore_mem>>) src(%dma_wait3A_86 : memref<2000xf32, #tpu.memory_space<hbm>>) dst(%arg6 : memref<2000xf32, #tpu.memory_space<vmem>>)
        tpu.yield
      }) : () -> ()
      "tpu.region"() ({
        %run_scoped3A = tpu.sem_alloc : memref<!tpu.dma_semaphore, #tpu.memory_space<semaphore_mem>>
        %dma_start3A = tpu.memref_slice %arg3[%mul3A_70] : memref<160000xi32, #tpu.memory_space<hbm>> -> memref<2000xi32, #tpu.memory_space<hbm>>
        %dma_start3A_85 = tpu.memref_slice %arg3[%mul3A_70] : memref<160000xi32, #tpu.memory_space<hbm>> -> memref<2000xi32, #tpu.memory_space<hbm>>
        tpu.enqueue_dma source(%dma_start3A_85 : memref<2000xi32, #tpu.memory_space<hbm>>) target(%arg7 : memref<2000xi32, #tpu.memory_space<vmem>>) target_semaphore(%run_scoped3A : memref<!tpu.dma_semaphore, #tpu.memory_space<semaphore_mem>>)
        %dma_wait3A = tpu.memref_slice %arg3[%mul3A_70] : memref<160000xi32, #tpu.memory_space<hbm>> -> memref<2000xi32, #tpu.memory_space<hbm>>
        %dma_wait3A_86 = tpu.memref_slice %arg3[%mul3A_70] : memref<160000xi32, #tpu.memory_space<hbm>> -> memref<2000xi32, #tpu.memory_space<hbm>>
        tpu.wait_dma2 semaphore(%run_scoped3A : memref<!tpu.dma_semaphore, #tpu.memory_space<semaphore_mem>>) src(%dma_wait3A_86 : memref<2000xi32, #tpu.memory_space<hbm>>) dst(%arg7 : memref<2000xi32, #tpu.memory_space<vmem>>)
        tpu.yield
      }) : () -> ()
      %while3A_71 = arith.constant 0 : i32
      %while3A_72 = arith.constant 125 : i32
      %while3A_73 = arith.constant 0 : i64
      %while3A_74 = arith.subi %while3A_72, %while3A_71 : i32
      %while3A_75 = arith.addi %while3A_71, %while3A_74 : i32
      %while3A_76 = arith.constant 1 : i32
      %while3A_77 = arith.divsi %while3A_74, %while3A_76 : i32
      %while3A_78 = arith.muli %while3A_77, %while3A_76 : i32
      %while3A_79 = arith.addi %while3A_71, %while3A_78 : i32
      %while3A_80 = arith.constant 1 : i32
      %while3A_81 = scf.for %while3A_85 = %while3A_71 to %while3A_79 step %while3A_80 iter_args(%while3A_86 = %while3A_73) -> (i64)  : i32 {
        %mul3A_87 = arith.constant 16 : i32
        %mul3A_88 = arith.muli %while3A_85, %mul3A_87 : i32
        %get3A = arith.index_cast %mul3A_88 : i32 to index
        %get3A_89 = tpu.vector_load %arg6[%get3A] {strides = array<i32>} : memref<2000xf32, #tpu.memory_space<vmem>>, vector<16xf32>,
        %mul3A_90 = arith.constant 16 : i32
        %mul3A_91 = arith.muli %while3A_85, %mul3A_90 : i32
        %get3A_92 = arith.index_cast %mul3A_91 : i32 to index
        %get3A_93 = tpu.vector_load %arg7[%get3A_92] {strides = array<i32>} : memref<2000xi32, #tpu.memory_space<vmem>>, vector<16xi32>,
        %ge3A = vector.broadcast %mul3A_2 : i32 to vector<16xi32>
        %ge3A_94 = arith.cmpi sge, %get3A_93, %ge3A : vector<16xi32>
        %add3A_95 = arith.constant 320 : i32
        %add3A_96 = arith.addi %mul3A_2, %add3A_95 : i32
        %lt3A = vector.broadcast %add3A_96 : i32 to vector<16xi32>
        %lt3A_97 = arith.cmpi slt, %get3A_93, %lt3A : vector<16xi32>
        %and3A = arith.andi %ge3A_94, %lt3A_97 : vector<16xi1>
        %sub3A = vector.broadcast %mul3A_2 : i32 to vector<16xi32>
        %sub3A_98 = arith.subi %get3A_93, %sub3A : vector<16xi32>
        %jit3A = arith.constant 0 : i64
        %convert_element_type3A = arith.trunci %jit3A : i64 to i32
        %broadcast_in_dim3A = vector.broadcast %convert_element_type3A : i32 to vector<16xi32>
        %select_n3A = arith.select %and3A, %sub3A_98, %broadcast_in_dim3A : vector<16xi1>, vector<16xi32>
        %gather3A = tpu.vector_load_idx %arg10[%select_n3A] masked %and3A : memref<320xf32, #tpu.memory_space<vmem>>[vector<16xi32>], vector<16xf32>, vector<16xi1>
        %sub3A_99 = arith.subf %get3A_89, %gather3A : vector<16xf32>
        %exp3A = math.exp %sub3A_99 : vector<16xf32>
        %jit3A_100 = arith.constant 0.000000e+00 : f32
        %broadcast_in_dim3A_101 = vector.broadcast %jit3A_100 : f32 to vector<16xf32>
        %select_n3A_102 = arith.select %and3A, %exp3A, %broadcast_in_dim3A_101 : vector<16xi1>, vector<16xf32>
        tpu.vector_store_idx %arg9[%select_n3A, %iota3A], %select_n3A_102 masked %and3A {add = true} : memref<320x16xf32, #tpu.memory_space<vmem>>[vector<16xi32>, vector<16xi32>], vector<16xf32>, vector<16xi1>
        %while3A_103 = arith.constant 0 : i64
        scf.yield %while3A_103 : i64
      }
      %while3A_82 = arith.constant 1 : i32
      %while3A_83 = scf.for %while3A_85 = %while3A_79 to %while3A_75 step %while3A_82 iter_args(%while3A_86 = %while3A_81) -> (i64)  : i32 {
        %mul3A_87 = arith.constant 16 : i32
        %mul3A_88 = arith.muli %while3A_85, %mul3A_87 : i32
        %get3A = arith.index_cast %mul3A_88 : i32 to index
        %get3A_89 = tpu.vector_load %arg6[%get3A] {strides = array<i32>} : memref<2000xf32, #tpu.memory_space<vmem>>, vector<16xf32>,
        %mul3A_90 = arith.constant 16 : i32
        %mul3A_91 = arith.muli %while3A_85, %mul3A_90 : i32
        %get3A_92 = arith.index_cast %mul3A_91 : i32 to index
        %get3A_93 = tpu.vector_load %arg7[%get3A_92] {strides = array<i32>} : memref<2000xi32, #tpu.memory_space<vmem>>, vector<16xi32>,
        %ge3A = vector.broadcast %mul3A_2 : i32 to vector<16xi32>
        %ge3A_94 = arith.cmpi sge, %get3A_93, %ge3A : vector<16xi32>
        %add3A_95 = arith.constant 320 : i32
        %add3A_96 = arith.addi %mul3A_2, %add3A_95 : i32
        %lt3A = vector.broadcast %add3A_96 : i32 to vector<16xi32>
        %lt3A_97 = arith.cmpi slt, %get3A_93, %lt3A : vector<16xi32>
        %and3A = arith.andi %ge3A_94, %lt3A_97 : vector<16xi1>
        %sub3A = vector.broadcast %mul3A_2 : i32 to vector<16xi32>
        %sub3A_98 = arith.subi %get3A_93, %sub3A : vector<16xi32>
        %jit3A = arith.constant 0 : i64
        %convert_element_type3A = arith.trunci %jit3A : i64 to i32
        %broadcast_in_dim3A = vector.broadcast %convert_element_type3A : i32 to vector<16xi32>
        %select_n3A = arith.select %and3A, %sub3A_98, %broadcast_in_dim3A : vector<16xi1>, vector<16xi32>
        %gather3A = tpu.vector_load_idx %arg10[%select_n3A] masked %and3A : memref<320xf32, #tpu.memory_space<vmem>>[vector<16xi32>], vector<16xf32>, vector<16xi1>
        %sub3A_99 = arith.subf %get3A_89, %gather3A : vector<16xf32>
        %exp3A = math.exp %sub3A_99 : vector<16xf32>
        %jit3A_100 = arith.constant 0.000000e+00 : f32
        %broadcast_in_dim3A_101 = vector.broadcast %jit3A_100 : f32 to vector<16xf32>
        %select_n3A_102 = arith.select %and3A, %exp3A, %broadcast_in_dim3A_101 : vector<16xi1>, vector<16xf32>
        tpu.vector_store_idx %arg9[%select_n3A, %iota3A], %select_n3A_102 masked %and3A {add = true} : memref<320x16xf32, #tpu.memory_space<vmem>>[vector<16xi32>, vector<16xi32>], vector<16xf32>, vector<16xi1>
        %while3A_103 = arith.constant 0 : i64
        scf.yield %while3A_103 : i64
      }
      %while3A_84 = arith.constant 0 : i64
      scf.yield %while3A_84 : i64
    }
    %while3A_54 = arith.constant 0 : i32
    %while3A_55 = arith.constant 20 : i32
    %while3A_56 = arith.constant 0 : i64
    %while3A_57 = arith.subi %while3A_55, %while3A_54 : i32
    %while3A_58 = arith.addi %while3A_54, %while3A_57 : i32
    %while3A_59 = arith.constant 1 : i32
    %while3A_60 = arith.divsi %while3A_57, %while3A_59 : i32
    %while3A_61 = arith.muli %while3A_60, %while3A_59 : i32
    %while3A_62 = arith.addi %while3A_54, %while3A_61 : i32
    %while3A_63 = arith.constant 1 : i32
    %while3A_64 = scf.for %while3A_67 = %while3A_54 to %while3A_62 step %while3A_63 iter_args(%while3A_68 = %while3A_56) -> (i64)  : i32 {
      %iota3A_69 = tpu.iota {dimensions = array<i32: 0>} : vector<16xi32>
      %mul3A_70 = arith.constant 16 : i32
      %mul3A_71 = arith.muli %while3A_67, %mul3A_70 : i32
      %add3A_72 = vector.broadcast %mul3A_71 : i32 to vector<16xi32>
      %add3A_73 = arith.addi %iota3A_69, %add3A_72 : vector<16xi32>
      %broadcast_in_dim3A = arith.constant 0.000000e+00 : f32
      %broadcast_in_dim3A_74 = vector.broadcast %broadcast_in_dim3A : f32 to vector<16xf32>
      %while3A_75 = arith.constant 0 : i32
      %while3A_76 = arith.constant 16 : i32
      %while3A_77 = arith.subi %while3A_76, %while3A_75 : i32
      %while3A_78 = arith.addi %while3A_75, %while3A_77 : i32
      %while3A_79 = arith.constant 1 : i32
      %while3A_80 = arith.divsi %while3A_77, %while3A_79 : i32
      %while3A_81 = arith.muli %while3A_80, %while3A_79 : i32
      %while3A_82 = arith.addi %while3A_75, %while3A_81 : i32
      %while3A_83 = arith.constant 1 : i32
      %while3A_84 = scf.for %while3A_91 = %while3A_75 to %while3A_82 step %while3A_83 iter_args(%while3A_92 = %broadcast_in_dim3A_74) -> (vector<16xf32>)  : i32 {
        %broadcast_in_dim3A_93 = arith.constant 0 : i32
        %broadcast_in_dim3A_94 = vector.broadcast %broadcast_in_dim3A_93 : i32 to vector<16xi32>
        %add3A_95 = vector.broadcast %while3A_91 : i32 to vector<16xi32>
        %add3A_96 = arith.addi %broadcast_in_dim3A_94, %add3A_95 : vector<16xi32>
        %gather3A = tpu.vector_load_idx %arg9[%add3A_73, %add3A_96] : memref<320x16xf32, #tpu.memory_space<vmem>>[vector<16xi32>, vector<16xi32>], vector<16xf32>,
        %add3A_97 = arith.addf %while3A_92, %gather3A : vector<16xf32>
        scf.yield %add3A_97 : vector<16xf32>
      }
      %while3A_85 = arith.constant 1 : i32
      %while3A_86 = scf.for %while3A_91 = %while3A_82 to %while3A_78 step %while3A_85 iter_args(%while3A_92 = %while3A_84) -> (vector<16xf32>)  : i32 {
        %broadcast_in_dim3A_93 = arith.constant 0 : i32
        %broadcast_in_dim3A_94 = vector.broadcast %broadcast_in_dim3A_93 : i32 to vector<16xi32>
        %add3A_95 = vector.broadcast %while3A_91 : i32 to vector<16xi32>
        %add3A_96 = arith.addi %broadcast_in_dim3A_94, %add3A_95 : vector<16xi32>
        %gather3A = tpu.vector_load_idx %arg9[%add3A_73, %add3A_96] : memref<320x16xf32, #tpu.memory_space<vmem>>[vector<16xi32>, vector<16xi32>], vector<16xf32>,
        %add3A_97 = arith.addf %while3A_92, %gather3A : vector<16xf32>
        scf.yield %add3A_97 : vector<16xf32>
      }
      %mul3A_87 = arith.constant 16 : i32
      %mul3A_88 = arith.muli %while3A_67, %mul3A_87 : i32
      %swap3A = arith.index_cast %mul3A_88 : i32 to index
      %swap3A_89 = tpu.vector_load %arg11[%swap3A] {strides = array<i32>} : memref<320xf32, #tpu.memory_space<vmem>>, vector<16xf32>,
      tpu.vector_store %arg11[%swap3A], %while3A_86 {strides = array<i32>} : memref<320xf32, #tpu.memory_space<vmem>>, vector<16xf32>,
      %while3A_90 = arith.constant 0 : i64
      scf.yield %while3A_90 : i64
    }
    %while3A_65 = arith.constant 1 : i32
    %while3A_66 = scf.for %while3A_67 = %while3A_62 to %while3A_58 step %while3A_65 iter_args(%while3A_68 = %while3A_64) -> (i64)  : i32 {
      %iota3A_69 = tpu.iota {dimensions = array<i32: 0>} : vector<16xi32>
      %mul3A_70 = arith.constant 16 : i32
      %mul3A_71 = arith.muli %while3A_67, %mul3A_70 : i32
      %add3A_72 = vector.broadcast %mul3A_71 : i32 to vector<16xi32>
      %add3A_73 = arith.addi %iota3A_69, %add3A_72 : vector<16xi32>
      %broadcast_in_dim3A = arith.constant 0.000000e+00 : f32
      %broadcast_in_dim3A_74 = vector.broadcast %broadcast_in_dim3A : f32 to vector<16xf32>
      %while3A_75 = arith.constant 0 : i32
      %while3A_76 = arith.constant 16 : i32
      %while3A_77 = arith.subi %while3A_76, %while3A_75 : i32
      %while3A_78 = arith.addi %while3A_75, %while3A_77 : i32
      %while3A_79 = arith.constant 1 : i32
      %while3A_80 = arith.divsi %while3A_77, %while3A_79 : i32
      %while3A_81 = arith.muli %while3A_80, %while3A_79 : i32
      %while3A_82 = arith.addi %while3A_75, %while3A_81 : i32
      %while3A_83 = arith.constant 1 : i32
      %while3A_84 = scf.for %while3A_91 = %while3A_75 to %while3A_82 step %while3A_83 iter_args(%while3A_92 = %broadcast_in_dim3A_74) -> (vector<16xf32>)  : i32 {
        %broadcast_in_dim3A_93 = arith.constant 0 : i32
        %broadcast_in_dim3A_94 = vector.broadcast %broadcast_in_dim3A_93 : i32 to vector<16xi32>
        %add3A_95 = vector.broadcast %while3A_91 : i32 to vector<16xi32>
        %add3A_96 = arith.addi %broadcast_in_dim3A_94, %add3A_95 : vector<16xi32>
        %gather3A = tpu.vector_load_idx %arg9[%add3A_73, %add3A_96] : memref<320x16xf32, #tpu.memory_space<vmem>>[vector<16xi32>, vector<16xi32>], vector<16xf32>,
        %add3A_97 = arith.addf %while3A_92, %gather3A : vector<16xf32>
        scf.yield %add3A_97 : vector<16xf32>
      }
      %while3A_85 = arith.constant 1 : i32
      %while3A_86 = scf.for %while3A_91 = %while3A_82 to %while3A_78 step %while3A_85 iter_args(%while3A_92 = %while3A_84) -> (vector<16xf32>)  : i32 {
        %broadcast_in_dim3A_93 = arith.constant 0 : i32
        %broadcast_in_dim3A_94 = vector.broadcast %broadcast_in_dim3A_93 : i32 to vector<16xi32>
        %add3A_95 = vector.broadcast %while3A_91 : i32 to vector<16xi32>
        %add3A_96 = arith.addi %broadcast_in_dim3A_94, %add3A_95 : vector<16xi32>
        %gather3A = tpu.vector_load_idx %arg9[%add3A_73, %add3A_96] : memref<320x16xf32, #tpu.memory_space<vmem>>[vector<16xi32>, vector<16xi32>], vector<16xf32>,
        %add3A_97 = arith.addf %while3A_92, %gather3A : vector<16xf32>
        scf.yield %add3A_97 : vector<16xf32>
      }
      %mul3A_87 = arith.constant 16 : i32
      %mul3A_88 = arith.muli %while3A_67, %mul3A_87 : i32
      %swap3A = arith.index_cast %mul3A_88 : i32 to index
      %swap3A_89 = tpu.vector_load %arg11[%swap3A] {strides = array<i32>} : memref<320xf32, #tpu.memory_space<vmem>>, vector<16xf32>,
      tpu.vector_store %arg11[%swap3A], %while3A_86 {strides = array<i32>} : memref<320xf32, #tpu.memory_space<vmem>>, vector<16xf32>,
      %while3A_90 = arith.constant 0 : i64
      scf.yield %while3A_90 : i64
    }
    "tpu.region"() ({
      %run_scoped3A = tpu.sem_alloc : memref<!tpu.dma_semaphore, #tpu.memory_space<semaphore_mem>>
      %dma_start3A = tpu.memref_slice %arg4[%mul3A_2] : memref<10240xf32, #tpu.memory_space<hbm>> -> memref<320xf32, #tpu.memory_space<hbm>>
      %dma_start3A_67 = tpu.memref_slice %arg4[%mul3A_2] : memref<10240xf32, #tpu.memory_space<hbm>> -> memref<320xf32, #tpu.memory_space<hbm>>
      tpu.enqueue_dma source(%arg10 : memref<320xf32, #tpu.memory_space<vmem>>) target(%dma_start3A_67 : memref<320xf32, #tpu.memory_space<hbm>>) target_semaphore(%run_scoped3A : memref<!tpu.dma_semaphore, #tpu.memory_space<semaphore_mem>>)
      %dma_wait3A = tpu.memref_slice %arg4[%mul3A_2] : memref<10240xf32, #tpu.memory_space<hbm>> -> memref<320xf32, #tpu.memory_space<hbm>>
      %dma_wait3A_68 = tpu.memref_slice %arg4[%mul3A_2] : memref<10240xf32, #tpu.memory_space<hbm>> -> memref<320xf32, #tpu.memory_space<hbm>>
      tpu.wait_dma2 semaphore(%run_scoped3A : memref<!tpu.dma_semaphore, #tpu.memory_space<semaphore_mem>>) src(%arg10 : memref<320xf32, #tpu.memory_space<vmem>>) dst(%dma_wait3A_68 : memref<320xf32, #tpu.memory_space<hbm>>)
      tpu.yield
    }) : () -> ()
    "tpu.region"() ({
      %run_scoped3A = tpu.sem_alloc : memref<!tpu.dma_semaphore, #tpu.memory_space<semaphore_mem>>
      %dma_start3A = tpu.memref_slice %arg5[%mul3A_2] : memref<10240xf32, #tpu.memory_space<hbm>> -> memref<320xf32, #tpu.memory_space<hbm>>
      %dma_start3A_67 = tpu.memref_slice %arg5[%mul3A_2] : memref<10240xf32, #tpu.memory_space<hbm>> -> memref<320xf32, #tpu.memory_space<hbm>>
      tpu.enqueue_dma source(%arg11 : memref<320xf32, #tpu.memory_space<vmem>>) target(%dma_start3A_67 : memref<320xf32, #tpu.memory_space<hbm>>) target_semaphore(%run_scoped3A : memref<!tpu.dma_semaphore, #tpu.memory_space<semaphore_mem>>)
      %dma_wait3A = tpu.memref_slice %arg5[%mul3A_2] : memref<10240xf32, #tpu.memory_space<hbm>> -> memref<320xf32, #tpu.memory_space<hbm>>
      %dma_wait3A_68 = tpu.memref_slice %arg5[%mul3A_2] : memref<10240xf32, #tpu.memory_space<hbm>> -> memref<320xf32, #tpu.memory_space<hbm>>
      tpu.wait_dma2 semaphore(%run_scoped3A : memref<!tpu.dma_semaphore, #tpu.memory_space<semaphore_mem>>) src(%arg11 : memref<320xf32, #tpu.memory_space<vmem>>) dst(%dma_wait3A_68 : memref<320xf32, #tpu.memory_space<hbm>>)
      tpu.yield
    }) : () -> ()
    return
  }
}

#map = affine_map<(d0, d1) -> (0, 0)>
#map1 = affine_map<(d0, d1) -> (0)>
module attributes {stable_mosaic.version = 14 : i64} {
  func.func @gk(%arg0: i32, %arg1: i32, %arg2: memref<10000x256xf32, #tpu.memory_space<hbm>>, %arg3: memref<160000xi32, #tpu.memory_space<hbm>>, %arg4: memref<160000x256xf32, #tpu.memory_space<hbm>>, %arg5: memref<128xi32, #tpu.memory_space<vmem>>, %arg6: memref<128xi32, #tpu.memory_space<vmem>>, %arg7: memref<128x256xf32, #tpu.memory_space<vmem>>, %arg8: memref<128x256xf32, #tpu.memory_space<vmem>>, %arg9: memref<!tpu.dma_semaphore, #tpu.memory_space<semaphore_mem>>, %arg10: memref<!tpu.dma_semaphore, #tpu.memory_space<semaphore_mem>>) attributes {dimension_semantics = [#tpu.dimension_semantics<core_parallel>, #tpu.dimension_semantics<subcore_parallel>], iteration_bounds = array<i64: 2, 16>, scalar_prefetch = 0 : i64, scratch_operands = 6 : i64, tpu.core_type = #tpu.core_type<sc_vector_subcore>, window_params = [{transform_indices = #map}, {transform_indices = #map1}, {transform_indices = #map}]} {
    %mul3A = arith.constant 2 : i32
    %mul3A_0 = arith.muli %arg1, %mul3A : i32
    %add3A = arith.addi %mul3A_0, %arg0 : i32
    %while3A = arith.constant 0 : i32
    %while3A_1 = arith.constant 20 : i32
    %while3A_2 = arith.constant 0 : i64
    %while3A_3 = arith.subi %while3A_1, %while3A : i32
    %while3A_4 = arith.addi %while3A, %while3A_3 : i32
    %while3A_5 = arith.constant 1 : i32
    %while3A_6 = arith.divsi %while3A_3, %while3A_5 : i32
    %while3A_7 = arith.muli %while3A_6, %while3A_5 : i32
    %while3A_8 = arith.addi %while3A, %while3A_7 : i32
    %while3A_9 = arith.constant 1 : i32
    %while3A_10 = scf.for %while3A_13 = %while3A to %while3A_8 step %while3A_9 iter_args(%while3A_14 = %while3A_2) -> (i64)  : i32 {
      %mul3A_15 = arith.constant 2 : i32
      %mul3A_16 = arith.muli %while3A_13, %mul3A_15 : i32
      %mul3A_17 = arith.constant 32 : i32
      %mul3A_18 = arith.muli %mul3A_16, %mul3A_17 : i32
      %add3A_19 = arith.addi %mul3A_18, %add3A : i32
      %mul3A_20 = arith.constant 2 : i32
      %mul3A_21 = arith.muli %while3A_13, %mul3A_20 : i32
      %add3A_22 = arith.constant 1 : i32
      %add3A_23 = arith.addi %mul3A_21, %add3A_22 : i32
      %mul3A_24 = arith.constant 32 : i32
      %mul3A_25 = arith.muli %add3A_23, %mul3A_24 : i32
      %add3A_26 = arith.addi %mul3A_25, %add3A : i32
      %lt3A = arith.constant 1250 : i32
      %lt3A_27 = arith.cmpi slt, %add3A_19, %lt3A : i32
      %convert_element_type3A = arith.extui %lt3A_27 : i1 to i32
      %cond3A = arith.constant 0 : i32
      %cond3A_28 = arith.cmpi ne, %convert_element_type3A, %cond3A : i32
      scf.if %cond3A_28 {
        %mul3A_45 = arith.constant 128 : i32
        %mul3A_46 = arith.muli %add3A_19, %mul3A_45 : i32
        "tpu.region"() ({
          %run_scoped3A = tpu.sem_alloc : memref<!tpu.dma_semaphore, #tpu.memory_space<semaphore_mem>>
          %dma_start3A_49 = tpu.memref_slice %arg3[%mul3A_46] : memref<160000xi32, #tpu.memory_space<hbm>> -> memref<128xi32, #tpu.memory_space<hbm>>
          %dma_start3A_50 = tpu.memref_slice %arg3[%mul3A_46] : memref<160000xi32, #tpu.memory_space<hbm>> -> memref<128xi32, #tpu.memory_space<hbm>>
          tpu.enqueue_dma source(%dma_start3A_50 : memref<128xi32, #tpu.memory_space<hbm>>) target(%arg5 : memref<128xi32, #tpu.memory_space<vmem>>) target_semaphore(%run_scoped3A : memref<!tpu.dma_semaphore, #tpu.memory_space<semaphore_mem>>)
          %dma_wait3A = tpu.memref_slice %arg3[%mul3A_46] : memref<160000xi32, #tpu.memory_space<hbm>> -> memref<128xi32, #tpu.memory_space<hbm>>
          %dma_wait3A_51 = tpu.memref_slice %arg3[%mul3A_46] : memref<160000xi32, #tpu.memory_space<hbm>> -> memref<128xi32, #tpu.memory_space<hbm>>
          tpu.wait_dma2 semaphore(%run_scoped3A : memref<!tpu.dma_semaphore, #tpu.memory_space<semaphore_mem>>) src(%dma_wait3A_51 : memref<128xi32, #tpu.memory_space<hbm>>) dst(%arg5 : memref<128xi32, #tpu.memory_space<vmem>>)
          tpu.yield
        }) : () -> ()
        %dma_start3A = arith.constant 0 : i32
        %dma_start3A_47 = arith.constant 0 : i32
        %dma_start3A_48 = tpu.memref_slice %arg2[%dma_start3A, %dma_start3A_47] : memref<10000x256xf32, #tpu.memory_space<hbm>> -> memref<10000x256xf32, #tpu.memory_space<hbm>>
        tpu.enqueue_indirect_dma source(%dma_start3A_48 : memref<10000x256xf32, #tpu.memory_space<hbm>>) target(%arg7 : memref<128x256xf32, #tpu.memory_space<vmem>>) offsets(%arg5 : memref<128xi32, #tpu.memory_space<vmem>>) semaphore(%arg9 : memref<!tpu.dma_semaphore, #tpu.memory_space<semaphore_mem>>)
      } else {
      }
      %lt3A_29 = arith.constant 1250 : i32
      %lt3A_30 = arith.cmpi slt, %add3A_26, %lt3A_29 : i32
      %convert_element_type3A_31 = arith.extui %lt3A_30 : i1 to i32
      %cond3A_32 = arith.constant 0 : i32
      %cond3A_33 = arith.cmpi ne, %convert_element_type3A_31, %cond3A_32 : i32
      scf.if %cond3A_33 {
        %mul3A_45 = arith.constant 128 : i32
        %mul3A_46 = arith.muli %add3A_26, %mul3A_45 : i32
        "tpu.region"() ({
          %run_scoped3A = tpu.sem_alloc : memref<!tpu.dma_semaphore, #tpu.memory_space<semaphore_mem>>
          %dma_start3A_49 = tpu.memref_slice %arg3[%mul3A_46] : memref<160000xi32, #tpu.memory_space<hbm>> -> memref<128xi32, #tpu.memory_space<hbm>>
          %dma_start3A_50 = tpu.memref_slice %arg3[%mul3A_46] : memref<160000xi32, #tpu.memory_space<hbm>> -> memref<128xi32, #tpu.memory_space<hbm>>
          tpu.enqueue_dma source(%dma_start3A_50 : memref<128xi32, #tpu.memory_space<hbm>>) target(%arg6 : memref<128xi32, #tpu.memory_space<vmem>>) target_semaphore(%run_scoped3A : memref<!tpu.dma_semaphore, #tpu.memory_space<semaphore_mem>>)
          %dma_wait3A = tpu.memref_slice %arg3[%mul3A_46] : memref<160000xi32, #tpu.memory_space<hbm>> -> memref<128xi32, #tpu.memory_space<hbm>>
          %dma_wait3A_51 = tpu.memref_slice %arg3[%mul3A_46] : memref<160000xi32, #tpu.memory_space<hbm>> -> memref<128xi32, #tpu.memory_space<hbm>>
          tpu.wait_dma2 semaphore(%run_scoped3A : memref<!tpu.dma_semaphore, #tpu.memory_space<semaphore_mem>>) src(%dma_wait3A_51 : memref<128xi32, #tpu.memory_space<hbm>>) dst(%arg6 : memref<128xi32, #tpu.memory_space<vmem>>)
          tpu.yield
        }) : () -> ()
        %dma_start3A = arith.constant 0 : i32
        %dma_start3A_47 = arith.constant 0 : i32
        %dma_start3A_48 = tpu.memref_slice %arg2[%dma_start3A, %dma_start3A_47] : memref<10000x256xf32, #tpu.memory_space<hbm>> -> memref<10000x256xf32, #tpu.memory_space<hbm>>
        tpu.enqueue_indirect_dma source(%dma_start3A_48 : memref<10000x256xf32, #tpu.memory_space<hbm>>) target(%arg8 : memref<128x256xf32, #tpu.memory_space<vmem>>) offsets(%arg6 : memref<128xi32, #tpu.memory_space<vmem>>) semaphore(%arg10 : memref<!tpu.dma_semaphore, #tpu.memory_space<semaphore_mem>>)
      } else {
      }
      %lt3A_34 = arith.constant 1250 : i32
      %lt3A_35 = arith.cmpi slt, %add3A_19, %lt3A_34 : i32
      %convert_element_type3A_36 = arith.extui %lt3A_35 : i1 to i32
      %cond3A_37 = arith.constant 0 : i32
      %cond3A_38 = arith.cmpi ne, %convert_element_type3A_36, %cond3A_37 : i32
      scf.if %cond3A_38 {
        %mul3A_45 = arith.constant 128 : i32
        %mul3A_46 = arith.muli %add3A_19, %mul3A_45 : i32
        %dma_wait3A = arith.constant 0 : i32
        %dma_wait3A_47 = arith.constant 0 : i32
        %dma_wait3A_48 = tpu.memref_slice %arg2[%dma_wait3A, %dma_wait3A_47] : memref<10000x256xf32, #tpu.memory_space<hbm>> -> memref<10000x256xf32, #tpu.memory_space<hbm>>
        tpu.wait_indirect_dma semaphore(%arg9 : memref<!tpu.dma_semaphore, #tpu.memory_space<semaphore_mem>>) src(%dma_wait3A_48 : memref<10000x256xf32, #tpu.memory_space<hbm>>) dst(%arg7 : memref<128x256xf32, #tpu.memory_space<vmem>>)
        "tpu.region"() ({
          %run_scoped3A = tpu.sem_alloc : memref<!tpu.dma_semaphore, #tpu.memory_space<semaphore_mem>>
          %dma_start3A = arith.constant 0 : i32
          %dma_start3A_49 = tpu.memref_slice %arg4[%mul3A_46, %dma_start3A] : memref<160000x256xf32, #tpu.memory_space<hbm>> -> memref<128x256xf32, #tpu.memory_space<hbm>>
          %dma_start3A_50 = arith.constant 0 : i32
          %dma_start3A_51 = tpu.memref_slice %arg4[%mul3A_46, %dma_start3A_50] : memref<160000x256xf32, #tpu.memory_space<hbm>> -> memref<128x256xf32, #tpu.memory_space<hbm>>
          tpu.enqueue_dma source(%arg7 : memref<128x256xf32, #tpu.memory_space<vmem>>) target(%dma_start3A_51 : memref<128x256xf32, #tpu.memory_space<hbm>>) target_semaphore(%run_scoped3A : memref<!tpu.dma_semaphore, #tpu.memory_space<semaphore_mem>>)
          %dma_wait3A_52 = arith.constant 0 : i32
          %dma_wait3A_53 = tpu.memref_slice %arg4[%mul3A_46, %dma_wait3A_52] : memref<160000x256xf32, #tpu.memory_space<hbm>> -> memref<128x256xf32, #tpu.memory_space<hbm>>
          %dma_wait3A_54 = arith.constant 0 : i32
          %dma_wait3A_55 = tpu.memref_slice %arg4[%mul3A_46, %dma_wait3A_54] : memref<160000x256xf32, #tpu.memory_space<hbm>> -> memref<128x256xf32, #tpu.memory_space<hbm>>
          tpu.wait_dma2 semaphore(%run_scoped3A : memref<!tpu.dma_semaphore, #tpu.memory_space<semaphore_mem>>) src(%arg7 : memref<128x256xf32, #tpu.memory_space<vmem>>) dst(%dma_wait3A_55 : memref<128x256xf32, #tpu.memory_space<hbm>>)
          tpu.yield
        }) : () -> ()
      } else {
      }
      %lt3A_39 = arith.constant 1250 : i32
      %lt3A_40 = arith.cmpi slt, %add3A_26, %lt3A_39 : i32
      %convert_element_type3A_41 = arith.extui %lt3A_40 : i1 to i32
      %cond3A_42 = arith.constant 0 : i32
      %cond3A_43 = arith.cmpi ne, %convert_element_type3A_41, %cond3A_42 : i32
      scf.if %cond3A_43 {
        %mul3A_45 = arith.constant 128 : i32
        %mul3A_46 = arith.muli %add3A_26, %mul3A_45 : i32
        %dma_wait3A = arith.constant 0 : i32
        %dma_wait3A_47 = arith.constant 0 : i32
        %dma_wait3A_48 = tpu.memref_slice %arg2[%dma_wait3A, %dma_wait3A_47] : memref<10000x256xf32, #tpu.memory_space<hbm>> -> memref<10000x256xf32, #tpu.memory_space<hbm>>
        tpu.wait_indirect_dma semaphore(%arg10 : memref<!tpu.dma_semaphore, #tpu.memory_space<semaphore_mem>>) src(%dma_wait3A_48 : memref<10000x256xf32, #tpu.memory_space<hbm>>) dst(%arg8 : memref<128x256xf32, #tpu.memory_space<vmem>>)
        "tpu.region"() ({
          %run_scoped3A = tpu.sem_alloc : memref<!tpu.dma_semaphore, #tpu.memory_space<semaphore_mem>>
          %dma_start3A = arith.constant 0 : i32
          %dma_start3A_49 = tpu.memref_slice %arg4[%mul3A_46, %dma_start3A] : memref<160000x256xf32, #tpu.memory_space<hbm>> -> memref<128x256xf32, #tpu.memory_space<hbm>>
          %dma_start3A_50 = arith.constant 0 : i32
          %dma_start3A_51 = tpu.memref_slice %arg4[%mul3A_46, %dma_start3A_50] : memref<160000x256xf32, #tpu.memory_space<hbm>> -> memref<128x256xf32, #tpu.memory_space<hbm>>
          tpu.enqueue_dma source(%arg8 : memref<128x256xf32, #tpu.memory_space<vmem>>) target(%dma_start3A_51 : memref<128x256xf32, #tpu.memory_space<hbm>>) target_semaphore(%run_scoped3A : memref<!tpu.dma_semaphore, #tpu.memory_space<semaphore_mem>>)
          %dma_wait3A_52 = arith.constant 0 : i32
          %dma_wait3A_53 = tpu.memref_slice %arg4[%mul3A_46, %dma_wait3A_52] : memref<160000x256xf32, #tpu.memory_space<hbm>> -> memref<128x256xf32, #tpu.memory_space<hbm>>
          %dma_wait3A_54 = arith.constant 0 : i32
          %dma_wait3A_55 = tpu.memref_slice %arg4[%mul3A_46, %dma_wait3A_54] : memref<160000x256xf32, #tpu.memory_space<hbm>> -> memref<128x256xf32, #tpu.memory_space<hbm>>
          tpu.wait_dma2 semaphore(%run_scoped3A : memref<!tpu.dma_semaphore, #tpu.memory_space<semaphore_mem>>) src(%arg8 : memref<128x256xf32, #tpu.memory_space<vmem>>) dst(%dma_wait3A_55 : memref<128x256xf32, #tpu.memory_space<hbm>>)
          tpu.yield
        }) : () -> ()
      } else {
      }
      %while3A_44 = arith.constant 0 : i64
      scf.yield %while3A_44 : i64
    }
    %while3A_11 = arith.constant 1 : i32
    %while3A_12 = scf.for %while3A_13 = %while3A_8 to %while3A_4 step %while3A_11 iter_args(%while3A_14 = %while3A_10) -> (i64)  : i32 {
      %mul3A_15 = arith.constant 2 : i32
      %mul3A_16 = arith.muli %while3A_13, %mul3A_15 : i32
      %mul3A_17 = arith.constant 32 : i32
      %mul3A_18 = arith.muli %mul3A_16, %mul3A_17 : i32
      %add3A_19 = arith.addi %mul3A_18, %add3A : i32
      %mul3A_20 = arith.constant 2 : i32
      %mul3A_21 = arith.muli %while3A_13, %mul3A_20 : i32
      %add3A_22 = arith.constant 1 : i32
      %add3A_23 = arith.addi %mul3A_21, %add3A_22 : i32
      %mul3A_24 = arith.constant 32 : i32
      %mul3A_25 = arith.muli %add3A_23, %mul3A_24 : i32
      %add3A_26 = arith.addi %mul3A_25, %add3A : i32
      %lt3A = arith.constant 1250 : i32
      %lt3A_27 = arith.cmpi slt, %add3A_19, %lt3A : i32
      %convert_element_type3A = arith.extui %lt3A_27 : i1 to i32
      %cond3A = arith.constant 0 : i32
      %cond3A_28 = arith.cmpi ne, %convert_element_type3A, %cond3A : i32
      scf.if %cond3A_28 {
        %mul3A_45 = arith.constant 128 : i32
        %mul3A_46 = arith.muli %add3A_19, %mul3A_45 : i32
        "tpu.region"() ({
          %run_scoped3A = tpu.sem_alloc : memref<!tpu.dma_semaphore, #tpu.memory_space<semaphore_mem>>
          %dma_start3A_49 = tpu.memref_slice %arg3[%mul3A_46] : memref<160000xi32, #tpu.memory_space<hbm>> -> memref<128xi32, #tpu.memory_space<hbm>>
          %dma_start3A_50 = tpu.memref_slice %arg3[%mul3A_46] : memref<160000xi32, #tpu.memory_space<hbm>> -> memref<128xi32, #tpu.memory_space<hbm>>
          tpu.enqueue_dma source(%dma_start3A_50 : memref<128xi32, #tpu.memory_space<hbm>>) target(%arg5 : memref<128xi32, #tpu.memory_space<vmem>>) target_semaphore(%run_scoped3A : memref<!tpu.dma_semaphore, #tpu.memory_space<semaphore_mem>>)
          %dma_wait3A = tpu.memref_slice %arg3[%mul3A_46] : memref<160000xi32, #tpu.memory_space<hbm>> -> memref<128xi32, #tpu.memory_space<hbm>>
          %dma_wait3A_51 = tpu.memref_slice %arg3[%mul3A_46] : memref<160000xi32, #tpu.memory_space<hbm>> -> memref<128xi32, #tpu.memory_space<hbm>>
          tpu.wait_dma2 semaphore(%run_scoped3A : memref<!tpu.dma_semaphore, #tpu.memory_space<semaphore_mem>>) src(%dma_wait3A_51 : memref<128xi32, #tpu.memory_space<hbm>>) dst(%arg5 : memref<128xi32, #tpu.memory_space<vmem>>)
          tpu.yield
        }) : () -> ()
        %dma_start3A = arith.constant 0 : i32
        %dma_start3A_47 = arith.constant 0 : i32
        %dma_start3A_48 = tpu.memref_slice %arg2[%dma_start3A, %dma_start3A_47] : memref<10000x256xf32, #tpu.memory_space<hbm>> -> memref<10000x256xf32, #tpu.memory_space<hbm>>
        tpu.enqueue_indirect_dma source(%dma_start3A_48 : memref<10000x256xf32, #tpu.memory_space<hbm>>) target(%arg7 : memref<128x256xf32, #tpu.memory_space<vmem>>) offsets(%arg5 : memref<128xi32, #tpu.memory_space<vmem>>) semaphore(%arg9 : memref<!tpu.dma_semaphore, #tpu.memory_space<semaphore_mem>>)
      } else {
      }
      %lt3A_29 = arith.constant 1250 : i32
      %lt3A_30 = arith.cmpi slt, %add3A_26, %lt3A_29 : i32
      %convert_element_type3A_31 = arith.extui %lt3A_30 : i1 to i32
      %cond3A_32 = arith.constant 0 : i32
      %cond3A_33 = arith.cmpi ne, %convert_element_type3A_31, %cond3A_32 : i32
      scf.if %cond3A_33 {
        %mul3A_45 = arith.constant 128 : i32
        %mul3A_46 = arith.muli %add3A_26, %mul3A_45 : i32
        "tpu.region"() ({
          %run_scoped3A = tpu.sem_alloc : memref<!tpu.dma_semaphore, #tpu.memory_space<semaphore_mem>>
          %dma_start3A_49 = tpu.memref_slice %arg3[%mul3A_46] : memref<160000xi32, #tpu.memory_space<hbm>> -> memref<128xi32, #tpu.memory_space<hbm>>
          %dma_start3A_50 = tpu.memref_slice %arg3[%mul3A_46] : memref<160000xi32, #tpu.memory_space<hbm>> -> memref<128xi32, #tpu.memory_space<hbm>>
          tpu.enqueue_dma source(%dma_start3A_50 : memref<128xi32, #tpu.memory_space<hbm>>) target(%arg6 : memref<128xi32, #tpu.memory_space<vmem>>) target_semaphore(%run_scoped3A : memref<!tpu.dma_semaphore, #tpu.memory_space<semaphore_mem>>)
          %dma_wait3A = tpu.memref_slice %arg3[%mul3A_46] : memref<160000xi32, #tpu.memory_space<hbm>> -> memref<128xi32, #tpu.memory_space<hbm>>
          %dma_wait3A_51 = tpu.memref_slice %arg3[%mul3A_46] : memref<160000xi32, #tpu.memory_space<hbm>> -> memref<128xi32, #tpu.memory_space<hbm>>
          tpu.wait_dma2 semaphore(%run_scoped3A : memref<!tpu.dma_semaphore, #tpu.memory_space<semaphore_mem>>) src(%dma_wait3A_51 : memref<128xi32, #tpu.memory_space<hbm>>) dst(%arg6 : memref<128xi32, #tpu.memory_space<vmem>>)
          tpu.yield
        }) : () -> ()
        %dma_start3A = arith.constant 0 : i32
        %dma_start3A_47 = arith.constant 0 : i32
        %dma_start3A_48 = tpu.memref_slice %arg2[%dma_start3A, %dma_start3A_47] : memref<10000x256xf32, #tpu.memory_space<hbm>> -> memref<10000x256xf32, #tpu.memory_space<hbm>>
        tpu.enqueue_indirect_dma source(%dma_start3A_48 : memref<10000x256xf32, #tpu.memory_space<hbm>>) target(%arg8 : memref<128x256xf32, #tpu.memory_space<vmem>>) offsets(%arg6 : memref<128xi32, #tpu.memory_space<vmem>>) semaphore(%arg10 : memref<!tpu.dma_semaphore, #tpu.memory_space<semaphore_mem>>)
      } else {
      }
      %lt3A_34 = arith.constant 1250 : i32
      %lt3A_35 = arith.cmpi slt, %add3A_19, %lt3A_34 : i32
      %convert_element_type3A_36 = arith.extui %lt3A_35 : i1 to i32
      %cond3A_37 = arith.constant 0 : i32
      %cond3A_38 = arith.cmpi ne, %convert_element_type3A_36, %cond3A_37 : i32
      scf.if %cond3A_38 {
        %mul3A_45 = arith.constant 128 : i32
        %mul3A_46 = arith.muli %add3A_19, %mul3A_45 : i32
        %dma_wait3A = arith.constant 0 : i32
        %dma_wait3A_47 = arith.constant 0 : i32
        %dma_wait3A_48 = tpu.memref_slice %arg2[%dma_wait3A, %dma_wait3A_47] : memref<10000x256xf32, #tpu.memory_space<hbm>> -> memref<10000x256xf32, #tpu.memory_space<hbm>>
        tpu.wait_indirect_dma semaphore(%arg9 : memref<!tpu.dma_semaphore, #tpu.memory_space<semaphore_mem>>) src(%dma_wait3A_48 : memref<10000x256xf32, #tpu.memory_space<hbm>>) dst(%arg7 : memref<128x256xf32, #tpu.memory_space<vmem>>)
        "tpu.region"() ({
          %run_scoped3A = tpu.sem_alloc : memref<!tpu.dma_semaphore, #tpu.memory_space<semaphore_mem>>
          %dma_start3A = arith.constant 0 : i32
          %dma_start3A_49 = tpu.memref_slice %arg4[%mul3A_46, %dma_start3A] : memref<160000x256xf32, #tpu.memory_space<hbm>> -> memref<128x256xf32, #tpu.memory_space<hbm>>
          %dma_start3A_50 = arith.constant 0 : i32
          %dma_start3A_51 = tpu.memref_slice %arg4[%mul3A_46, %dma_start3A_50] : memref<160000x256xf32, #tpu.memory_space<hbm>> -> memref<128x256xf32, #tpu.memory_space<hbm>>
          tpu.enqueue_dma source(%arg7 : memref<128x256xf32, #tpu.memory_space<vmem>>) target(%dma_start3A_51 : memref<128x256xf32, #tpu.memory_space<hbm>>) target_semaphore(%run_scoped3A : memref<!tpu.dma_semaphore, #tpu.memory_space<semaphore_mem>>)
          %dma_wait3A_52 = arith.constant 0 : i32
          %dma_wait3A_53 = tpu.memref_slice %arg4[%mul3A_46, %dma_wait3A_52] : memref<160000x256xf32, #tpu.memory_space<hbm>> -> memref<128x256xf32, #tpu.memory_space<hbm>>
          %dma_wait3A_54 = arith.constant 0 : i32
          %dma_wait3A_55 = tpu.memref_slice %arg4[%mul3A_46, %dma_wait3A_54] : memref<160000x256xf32, #tpu.memory_space<hbm>> -> memref<128x256xf32, #tpu.memory_space<hbm>>
          tpu.wait_dma2 semaphore(%run_scoped3A : memref<!tpu.dma_semaphore, #tpu.memory_space<semaphore_mem>>) src(%arg7 : memref<128x256xf32, #tpu.memory_space<vmem>>) dst(%dma_wait3A_55 : memref<128x256xf32, #tpu.memory_space<hbm>>)
          tpu.yield
        }) : () -> ()
      } else {
      }
      %lt3A_39 = arith.constant 1250 : i32
      %lt3A_40 = arith.cmpi slt, %add3A_26, %lt3A_39 : i32
      %convert_element_type3A_41 = arith.extui %lt3A_40 : i1 to i32
      %cond3A_42 = arith.constant 0 : i32
      %cond3A_43 = arith.cmpi ne, %convert_element_type3A_41, %cond3A_42 : i32
      scf.if %cond3A_43 {
        %mul3A_45 = arith.constant 128 : i32
        %mul3A_46 = arith.muli %add3A_26, %mul3A_45 : i32
        %dma_wait3A = arith.constant 0 : i32
        %dma_wait3A_47 = arith.constant 0 : i32
        %dma_wait3A_48 = tpu.memref_slice %arg2[%dma_wait3A, %dma_wait3A_47] : memref<10000x256xf32, #tpu.memory_space<hbm>> -> memref<10000x256xf32, #tpu.memory_space<hbm>>
        tpu.wait_indirect_dma semaphore(%arg10 : memref<!tpu.dma_semaphore, #tpu.memory_space<semaphore_mem>>) src(%dma_wait3A_48 : memref<10000x256xf32, #tpu.memory_space<hbm>>) dst(%arg8 : memref<128x256xf32, #tpu.memory_space<vmem>>)
        "tpu.region"() ({
          %run_scoped3A = tpu.sem_alloc : memref<!tpu.dma_semaphore, #tpu.memory_space<semaphore_mem>>
          %dma_start3A = arith.constant 0 : i32
          %dma_start3A_49 = tpu.memref_slice %arg4[%mul3A_46, %dma_start3A] : memref<160000x256xf32, #tpu.memory_space<hbm>> -> memref<128x256xf32, #tpu.memory_space<hbm>>
          %dma_start3A_50 = arith.constant 0 : i32
          %dma_start3A_51 = tpu.memref_slice %arg4[%mul3A_46, %dma_start3A_50] : memref<160000x256xf32, #tpu.memory_space<hbm>> -> memref<128x256xf32, #tpu.memory_space<hbm>>
          tpu.enqueue_dma source(%arg8 : memref<128x256xf32, #tpu.memory_space<vmem>>) target(%dma_start3A_51 : memref<128x256xf32, #tpu.memory_space<hbm>>) target_semaphore(%run_scoped3A : memref<!tpu.dma_semaphore, #tpu.memory_space<semaphore_mem>>)
          %dma_wait3A_52 = arith.constant 0 : i32
          %dma_wait3A_53 = tpu.memref_slice %arg4[%mul3A_46, %dma_wait3A_52] : memref<160000x256xf32, #tpu.memory_space<hbm>> -> memref<128x256xf32, #tpu.memory_space<hbm>>
          %dma_wait3A_54 = arith.constant 0 : i32
          %dma_wait3A_55 = tpu.memref_slice %arg4[%mul3A_46, %dma_wait3A_54] : memref<160000x256xf32, #tpu.memory_space<hbm>> -> memref<128x256xf32, #tpu.memory_space<hbm>>
          tpu.wait_dma2 semaphore(%run_scoped3A : memref<!tpu.dma_semaphore, #tpu.memory_space<semaphore_mem>>) src(%arg8 : memref<128x256xf32, #tpu.memory_space<vmem>>) dst(%dma_wait3A_55 : memref<128x256xf32, #tpu.memory_space<hbm>>)
          tpu.yield
        }) : () -> ()
      } else {
      }
      %while3A_44 = arith.constant 0 : i64
      scf.yield %while3A_44 : i64
    }
    return
  }
}

#map = affine_map<(d0, d1) -> (0)>
module attributes {stable_mosaic.version = 14 : i64} {
  func.func @wk(%arg0: i32, %arg1: i32, %arg2: memref<160000xf32, #tpu.memory_space<hbm>>, %arg3: memref<160000xi32, #tpu.memory_space<hbm>>, %arg4: memref<10240xf32, #tpu.memory_space<hbm>>, %arg5: memref<10240xf32, #tpu.memory_space<hbm>>, %arg6: memref<160000xf32, #tpu.memory_space<hbm>>, %arg7: memref<128xf32, #tpu.memory_space<vmem>>, %arg8: memref<128xi32, #tpu.memory_space<vmem>>, %arg9: memref<128xf32, #tpu.memory_space<vmem>>, %arg10: memref<128xf32, #tpu.memory_space<vmem>>, %arg11: memref<128xf32, #tpu.memory_space<vmem>>, %arg12: memref<!tpu.dma_semaphore, #tpu.memory_space<semaphore_mem>>) attributes {dimension_semantics = [#tpu.dimension_semantics<core_parallel>, #tpu.dimension_semantics<subcore_parallel>], iteration_bounds = array<i64: 2, 16>, scalar_prefetch = 0 : i64, scratch_operands = 6 : i64, tpu.core_type = #tpu.core_type<sc_vector_subcore>, window_params = [{transform_indices = #map}, {transform_indices = #map}, {transform_indices = #map}, {transform_indices = #map}, {transform_indices = #map}]} {
    %mul3A = arith.constant 2 : i32
    %mul3A_0 = arith.muli %arg1, %mul3A : i32
    %add3A = arith.addi %mul3A_0, %arg0 : i32
    %while3A = arith.constant 0 : i32
    %while3A_1 = arith.constant 40 : i32
    %while3A_2 = arith.constant 0 : i64
    %while3A_3 = arith.subi %while3A_1, %while3A : i32
    %while3A_4 = arith.addi %while3A, %while3A_3 : i32
    %while3A_5 = arith.constant 1 : i32
    %while3A_6 = arith.divsi %while3A_3, %while3A_5 : i32
    %while3A_7 = arith.muli %while3A_6, %while3A_5 : i32
    %while3A_8 = arith.addi %while3A, %while3A_7 : i32
    %while3A_9 = arith.constant 1 : i32
    %while3A_10 = scf.for %while3A_13 = %while3A to %while3A_8 step %while3A_9 iter_args(%while3A_14 = %while3A_2) -> (i64)  : i32 {
      %mul3A_15 = arith.constant 32 : i32
      %mul3A_16 = arith.muli %while3A_13, %mul3A_15 : i32
      %add3A_17 = arith.addi %mul3A_16, %add3A : i32
      %lt3A = arith.constant 1250 : i32
      %lt3A_18 = arith.cmpi slt, %add3A_17, %lt3A : i32
      %convert_element_type3A = arith.extui %lt3A_18 : i1 to i32
      %cond3A = arith.constant 0 : i32
      %cond3A_19 = arith.cmpi ne, %convert_element_type3A, %cond3A : i32
      scf.if %cond3A_19 {
        %mul3A_21 = arith.constant 128 : i32
        %mul3A_22 = arith.muli %add3A_17, %mul3A_21 : i32
        "tpu.region"() ({
          %run_scoped3A = tpu.sem_alloc : memref<!tpu.dma_semaphore, #tpu.memory_space<semaphore_mem>>
          %dma_start3A_42 = tpu.memref_slice %arg2[%mul3A_22] : memref<160000xf32, #tpu.memory_space<hbm>> -> memref<128xf32, #tpu.memory_space<hbm>>
          %dma_start3A_43 = tpu.memref_slice %arg2[%mul3A_22] : memref<160000xf32, #tpu.memory_space<hbm>> -> memref<128xf32, #tpu.memory_space<hbm>>
          tpu.enqueue_dma source(%dma_start3A_43 : memref<128xf32, #tpu.memory_space<hbm>>) target(%arg7 : memref<128xf32, #tpu.memory_space<vmem>>) target_semaphore(%run_scoped3A : memref<!tpu.dma_semaphore, #tpu.memory_space<semaphore_mem>>)
          %dma_wait3A_44 = tpu.memref_slice %arg2[%mul3A_22] : memref<160000xf32, #tpu.memory_space<hbm>> -> memref<128xf32, #tpu.memory_space<hbm>>
          %dma_wait3A_45 = tpu.memref_slice %arg2[%mul3A_22] : memref<160000xf32, #tpu.memory_space<hbm>> -> memref<128xf32, #tpu.memory_space<hbm>>
          tpu.wait_dma2 semaphore(%run_scoped3A : memref<!tpu.dma_semaphore, #tpu.memory_space<semaphore_mem>>) src(%dma_wait3A_45 : memref<128xf32, #tpu.memory_space<hbm>>) dst(%arg7 : memref<128xf32, #tpu.memory_space<vmem>>)
          tpu.yield
        }) : () -> ()
        "tpu.region"() ({
          %run_scoped3A = tpu.sem_alloc : memref<!tpu.dma_semaphore, #tpu.memory_space<semaphore_mem>>
          %dma_start3A_42 = tpu.memref_slice %arg3[%mul3A_22] : memref<160000xi32, #tpu.memory_space<hbm>> -> memref<128xi32, #tpu.memory_space<hbm>>
          %dma_start3A_43 = tpu.memref_slice %arg3[%mul3A_22] : memref<160000xi32, #tpu.memory_space<hbm>> -> memref<128xi32, #tpu.memory_space<hbm>>
          tpu.enqueue_dma source(%dma_start3A_43 : memref<128xi32, #tpu.memory_space<hbm>>) target(%arg8 : memref<128xi32, #tpu.memory_space<vmem>>) target_semaphore(%run_scoped3A : memref<!tpu.dma_semaphore, #tpu.memory_space<semaphore_mem>>)
          %dma_wait3A_44 = tpu.memref_slice %arg3[%mul3A_22] : memref<160000xi32, #tpu.memory_space<hbm>> -> memref<128xi32, #tpu.memory_space<hbm>>
          %dma_wait3A_45 = tpu.memref_slice %arg3[%mul3A_22] : memref<160000xi32, #tpu.memory_space<hbm>> -> memref<128xi32, #tpu.memory_space<hbm>>
          tpu.wait_dma2 semaphore(%run_scoped3A : memref<!tpu.dma_semaphore, #tpu.memory_space<semaphore_mem>>) src(%dma_wait3A_45 : memref<128xi32, #tpu.memory_space<hbm>>) dst(%arg8 : memref<128xi32, #tpu.memory_space<vmem>>)
          tpu.yield
        }) : () -> ()
        %dma_start3A = arith.constant 0 : i32
        %dma_start3A_23 = tpu.memref_slice %arg4[%dma_start3A] : memref<10240xf32, #tpu.memory_space<hbm>> -> memref<10240xf32, #tpu.memory_space<hbm>>
        tpu.enqueue_indirect_dma source(%dma_start3A_23 : memref<10240xf32, #tpu.memory_space<hbm>>) target(%arg9 : memref<128xf32, #tpu.memory_space<vmem>>) offsets(%arg8 : memref<128xi32, #tpu.memory_space<vmem>>) semaphore(%arg12 : memref<!tpu.dma_semaphore, #tpu.memory_space<semaphore_mem>>)
        %dma_wait3A = arith.constant 0 : i32
        %dma_wait3A_24 = tpu.memref_slice %arg4[%dma_wait3A] : memref<10240xf32, #tpu.memory_space<hbm>> -> memref<10240xf32, #tpu.memory_space<hbm>>
        tpu.wait_indirect_dma semaphore(%arg12 : memref<!tpu.dma_semaphore, #tpu.memory_space<semaphore_mem>>) src(%dma_wait3A_24 : memref<10240xf32, #tpu.memory_space<hbm>>) dst(%arg9 : memref<128xf32, #tpu.memory_space<vmem>>)
        %dma_start3A_25 = arith.constant 0 : i32
        %dma_start3A_26 = tpu.memref_slice %arg5[%dma_start3A_25] : memref<10240xf32, #tpu.memory_space<hbm>> -> memref<10240xf32, #tpu.memory_space<hbm>>
        tpu.enqueue_indirect_dma source(%dma_start3A_26 : memref<10240xf32, #tpu.memory_space<hbm>>) target(%arg10 : memref<128xf32, #tpu.memory_space<vmem>>) offsets(%arg8 : memref<128xi32, #tpu.memory_space<vmem>>) semaphore(%arg12 : memref<!tpu.dma_semaphore, #tpu.memory_space<semaphore_mem>>)
        %dma_wait3A_27 = arith.constant 0 : i32
        %dma_wait3A_28 = tpu.memref_slice %arg5[%dma_wait3A_27] : memref<10240xf32, #tpu.memory_space<hbm>> -> memref<10240xf32, #tpu.memory_space<hbm>>
        tpu.wait_indirect_dma semaphore(%arg12 : memref<!tpu.dma_semaphore, #tpu.memory_space<semaphore_mem>>) src(%dma_wait3A_28 : memref<10240xf32, #tpu.memory_space<hbm>>) dst(%arg10 : memref<128xf32, #tpu.memory_space<vmem>>)
        %while3A_29 = arith.constant 0 : i32
        %while3A_30 = arith.constant 8 : i32
        %while3A_31 = arith.constant 0 : i64
        %while3A_32 = arith.subi %while3A_30, %while3A_29 : i32
        %while3A_33 = arith.addi %while3A_29, %while3A_32 : i32
        %while3A_34 = arith.constant 1 : i32
        %while3A_35 = arith.divsi %while3A_32, %while3A_34 : i32
        %while3A_36 = arith.muli %while3A_35, %while3A_34 : i32
        %while3A_37 = arith.addi %while3A_29, %while3A_36 : i32
        %while3A_38 = arith.constant 1 : i32
        %while3A_39 = scf.for %while3A_42 = %while3A_29 to %while3A_37 step %while3A_38 iter_args(%while3A_43 = %while3A_31) -> (i64)  : i32 {
          %mul3A_44 = arith.constant 16 : i32
          %mul3A_45 = arith.muli %while3A_42, %mul3A_44 : i32
          %get3A = arith.index_cast %mul3A_45 : i32 to index
          %get3A_46 = tpu.vector_load %arg7[%get3A] {strides = array<i32>} : memref<128xf32, #tpu.memory_space<vmem>>, vector<16xf32>,
          %get3A_47 = arith.index_cast %mul3A_45 : i32 to index
          %get3A_48 = tpu.vector_load %arg9[%get3A_47] {strides = array<i32>} : memref<128xf32, #tpu.memory_space<vmem>>, vector<16xf32>,
          %sub3A = arith.subf %get3A_46, %get3A_48 : vector<16xf32>
          %exp3A = math.exp %sub3A : vector<16xf32>
          %get3A_49 = arith.index_cast %mul3A_45 : i32 to index
          %get3A_50 = tpu.vector_load %arg10[%get3A_49] {strides = array<i32>} : memref<128xf32, #tpu.memory_space<vmem>>, vector<16xf32>,
          %div3A = arith.divf %exp3A, %get3A_50 : vector<16xf32>
          %swap3A = arith.index_cast %mul3A_45 : i32 to index
          %swap3A_51 = tpu.vector_load %arg11[%swap3A] {strides = array<i32>} : memref<128xf32, #tpu.memory_space<vmem>>, vector<16xf32>,
          tpu.vector_store %arg11[%swap3A], %div3A {strides = array<i32>} : memref<128xf32, #tpu.memory_space<vmem>>, vector<16xf32>,
          %while3A_52 = arith.constant 0 : i64
          scf.yield %while3A_52 : i64
        }
        %while3A_40 = arith.constant 1 : i32
        %while3A_41 = scf.for %while3A_42 = %while3A_37 to %while3A_33 step %while3A_40 iter_args(%while3A_43 = %while3A_39) -> (i64)  : i32 {
          %mul3A_44 = arith.constant 16 : i32
          %mul3A_45 = arith.muli %while3A_42, %mul3A_44 : i32
          %get3A = arith.index_cast %mul3A_45 : i32 to index
          %get3A_46 = tpu.vector_load %arg7[%get3A] {strides = array<i32>} : memref<128xf32, #tpu.memory_space<vmem>>, vector<16xf32>,
          %get3A_47 = arith.index_cast %mul3A_45 : i32 to index
          %get3A_48 = tpu.vector_load %arg9[%get3A_47] {strides = array<i32>} : memref<128xf32, #tpu.memory_space<vmem>>, vector<16xf32>,
          %sub3A = arith.subf %get3A_46, %get3A_48 : vector<16xf32>
          %exp3A = math.exp %sub3A : vector<16xf32>
          %get3A_49 = arith.index_cast %mul3A_45 : i32 to index
          %get3A_50 = tpu.vector_load %arg10[%get3A_49] {strides = array<i32>} : memref<128xf32, #tpu.memory_space<vmem>>, vector<16xf32>,
          %div3A = arith.divf %exp3A, %get3A_50 : vector<16xf32>
          %swap3A = arith.index_cast %mul3A_45 : i32 to index
          %swap3A_51 = tpu.vector_load %arg11[%swap3A] {strides = array<i32>} : memref<128xf32, #tpu.memory_space<vmem>>, vector<16xf32>,
          tpu.vector_store %arg11[%swap3A], %div3A {strides = array<i32>} : memref<128xf32, #tpu.memory_space<vmem>>, vector<16xf32>,
          %while3A_52 = arith.constant 0 : i64
          scf.yield %while3A_52 : i64
        }
        "tpu.region"() ({
          %run_scoped3A = tpu.sem_alloc : memref<!tpu.dma_semaphore, #tpu.memory_space<semaphore_mem>>
          %dma_start3A_42 = tpu.memref_slice %arg6[%mul3A_22] : memref<160000xf32, #tpu.memory_space<hbm>> -> memref<128xf32, #tpu.memory_space<hbm>>
          %dma_start3A_43 = tpu.memref_slice %arg6[%mul3A_22] : memref<160000xf32, #tpu.memory_space<hbm>> -> memref<128xf32, #tpu.memory_space<hbm>>
          tpu.enqueue_dma source(%arg11 : memref<128xf32, #tpu.memory_space<vmem>>) target(%dma_start3A_43 : memref<128xf32, #tpu.memory_space<hbm>>) target_semaphore(%run_scoped3A : memref<!tpu.dma_semaphore, #tpu.memory_space<semaphore_mem>>)
          %dma_wait3A_44 = tpu.memref_slice %arg6[%mul3A_22] : memref<160000xf32, #tpu.memory_space<hbm>> -> memref<128xf32, #tpu.memory_space<hbm>>
          %dma_wait3A_45 = tpu.memref_slice %arg6[%mul3A_22] : memref<160000xf32, #tpu.memory_space<hbm>> -> memref<128xf32, #tpu.memory_space<hbm>>
          tpu.wait_dma2 semaphore(%run_scoped3A : memref<!tpu.dma_semaphore, #tpu.memory_space<semaphore_mem>>) src(%arg11 : memref<128xf32, #tpu.memory_space<vmem>>) dst(%dma_wait3A_45 : memref<128xf32, #tpu.memory_space<hbm>>)
          tpu.yield
        }) : () -> ()
      } else {
      }
      %while3A_20 = arith.constant 0 : i64
      scf.yield %while3A_20 : i64
    }
    %while3A_11 = arith.constant 1 : i32
    %while3A_12 = scf.for %while3A_13 = %while3A_8 to %while3A_4 step %while3A_11 iter_args(%while3A_14 = %while3A_10) -> (i64)  : i32 {
      %mul3A_15 = arith.constant 32 : i32
      %mul3A_16 = arith.muli %while3A_13, %mul3A_15 : i32
      %add3A_17 = arith.addi %mul3A_16, %add3A : i32
      %lt3A = arith.constant 1250 : i32
      %lt3A_18 = arith.cmpi slt, %add3A_17, %lt3A : i32
      %convert_element_type3A = arith.extui %lt3A_18 : i1 to i32
      %cond3A = arith.constant 0 : i32
      %cond3A_19 = arith.cmpi ne, %convert_element_type3A, %cond3A : i32
      scf.if %cond3A_19 {
        %mul3A_21 = arith.constant 128 : i32
        %mul3A_22 = arith.muli %add3A_17, %mul3A_21 : i32
        "tpu.region"() ({
          %run_scoped3A = tpu.sem_alloc : memref<!tpu.dma_semaphore, #tpu.memory_space<semaphore_mem>>
          %dma_start3A_42 = tpu.memref_slice %arg2[%mul3A_22] : memref<160000xf32, #tpu.memory_space<hbm>> -> memref<128xf32, #tpu.memory_space<hbm>>
          %dma_start3A_43 = tpu.memref_slice %arg2[%mul3A_22] : memref<160000xf32, #tpu.memory_space<hbm>> -> memref<128xf32, #tpu.memory_space<hbm>>
          tpu.enqueue_dma source(%dma_start3A_43 : memref<128xf32, #tpu.memory_space<hbm>>) target(%arg7 : memref<128xf32, #tpu.memory_space<vmem>>) target_semaphore(%run_scoped3A : memref<!tpu.dma_semaphore, #tpu.memory_space<semaphore_mem>>)
          %dma_wait3A_44 = tpu.memref_slice %arg2[%mul3A_22] : memref<160000xf32, #tpu.memory_space<hbm>> -> memref<128xf32, #tpu.memory_space<hbm>>
          %dma_wait3A_45 = tpu.memref_slice %arg2[%mul3A_22] : memref<160000xf32, #tpu.memory_space<hbm>> -> memref<128xf32, #tpu.memory_space<hbm>>
          tpu.wait_dma2 semaphore(%run_scoped3A : memref<!tpu.dma_semaphore, #tpu.memory_space<semaphore_mem>>) src(%dma_wait3A_45 : memref<128xf32, #tpu.memory_space<hbm>>) dst(%arg7 : memref<128xf32, #tpu.memory_space<vmem>>)
          tpu.yield
        }) : () -> ()
        "tpu.region"() ({
          %run_scoped3A = tpu.sem_alloc : memref<!tpu.dma_semaphore, #tpu.memory_space<semaphore_mem>>
          %dma_start3A_42 = tpu.memref_slice %arg3[%mul3A_22] : memref<160000xi32, #tpu.memory_space<hbm>> -> memref<128xi32, #tpu.memory_space<hbm>>
          %dma_start3A_43 = tpu.memref_slice %arg3[%mul3A_22] : memref<160000xi32, #tpu.memory_space<hbm>> -> memref<128xi32, #tpu.memory_space<hbm>>
          tpu.enqueue_dma source(%dma_start3A_43 : memref<128xi32, #tpu.memory_space<hbm>>) target(%arg8 : memref<128xi32, #tpu.memory_space<vmem>>) target_semaphore(%run_scoped3A : memref<!tpu.dma_semaphore, #tpu.memory_space<semaphore_mem>>)
          %dma_wait3A_44 = tpu.memref_slice %arg3[%mul3A_22] : memref<160000xi32, #tpu.memory_space<hbm>> -> memref<128xi32, #tpu.memory_space<hbm>>
          %dma_wait3A_45 = tpu.memref_slice %arg3[%mul3A_22] : memref<160000xi32, #tpu.memory_space<hbm>> -> memref<128xi32, #tpu.memory_space<hbm>>
          tpu.wait_dma2 semaphore(%run_scoped3A : memref<!tpu.dma_semaphore, #tpu.memory_space<semaphore_mem>>) src(%dma_wait3A_45 : memref<128xi32, #tpu.memory_space<hbm>>) dst(%arg8 : memref<128xi32, #tpu.memory_space<vmem>>)
          tpu.yield
        }) : () -> ()
        %dma_start3A = arith.constant 0 : i32
        %dma_start3A_23 = tpu.memref_slice %arg4[%dma_start3A] : memref<10240xf32, #tpu.memory_space<hbm>> -> memref<10240xf32, #tpu.memory_space<hbm>>
        tpu.enqueue_indirect_dma source(%dma_start3A_23 : memref<10240xf32, #tpu.memory_space<hbm>>) target(%arg9 : memref<128xf32, #tpu.memory_space<vmem>>) offsets(%arg8 : memref<128xi32, #tpu.memory_space<vmem>>) semaphore(%arg12 : memref<!tpu.dma_semaphore, #tpu.memory_space<semaphore_mem>>)
        %dma_wait3A = arith.constant 0 : i32
        %dma_wait3A_24 = tpu.memref_slice %arg4[%dma_wait3A] : memref<10240xf32, #tpu.memory_space<hbm>> -> memref<10240xf32, #tpu.memory_space<hbm>>
        tpu.wait_indirect_dma semaphore(%arg12 : memref<!tpu.dma_semaphore, #tpu.memory_space<semaphore_mem>>) src(%dma_wait3A_24 : memref<10240xf32, #tpu.memory_space<hbm>>) dst(%arg9 : memref<128xf32, #tpu.memory_space<vmem>>)
        %dma_start3A_25 = arith.constant 0 : i32
        %dma_start3A_26 = tpu.memref_slice %arg5[%dma_start3A_25] : memref<10240xf32, #tpu.memory_space<hbm>> -> memref<10240xf32, #tpu.memory_space<hbm>>
        tpu.enqueue_indirect_dma source(%dma_start3A_26 : memref<10240xf32, #tpu.memory_space<hbm>>) target(%arg10 : memref<128xf32, #tpu.memory_space<vmem>>) offsets(%arg8 : memref<128xi32, #tpu.memory_space<vmem>>) semaphore(%arg12 : memref<!tpu.dma_semaphore, #tpu.memory_space<semaphore_mem>>)
        %dma_wait3A_27 = arith.constant 0 : i32
        %dma_wait3A_28 = tpu.memref_slice %arg5[%dma_wait3A_27] : memref<10240xf32, #tpu.memory_space<hbm>> -> memref<10240xf32, #tpu.memory_space<hbm>>
        tpu.wait_indirect_dma semaphore(%arg12 : memref<!tpu.dma_semaphore, #tpu.memory_space<semaphore_mem>>) src(%dma_wait3A_28 : memref<10240xf32, #tpu.memory_space<hbm>>) dst(%arg10 : memref<128xf32, #tpu.memory_space<vmem>>)
        %while3A_29 = arith.constant 0 : i32
        %while3A_30 = arith.constant 8 : i32
        %while3A_31 = arith.constant 0 : i64
        %while3A_32 = arith.subi %while3A_30, %while3A_29 : i32
        %while3A_33 = arith.addi %while3A_29, %while3A_32 : i32
        %while3A_34 = arith.constant 1 : i32
        %while3A_35 = arith.divsi %while3A_32, %while3A_34 : i32
        %while3A_36 = arith.muli %while3A_35, %while3A_34 : i32
        %while3A_37 = arith.addi %while3A_29, %while3A_36 : i32
        %while3A_38 = arith.constant 1 : i32
        %while3A_39 = scf.for %while3A_42 = %while3A_29 to %while3A_37 step %while3A_38 iter_args(%while3A_43 = %while3A_31) -> (i64)  : i32 {
          %mul3A_44 = arith.constant 16 : i32
          %mul3A_45 = arith.muli %while3A_42, %mul3A_44 : i32
          %get3A = arith.index_cast %mul3A_45 : i32 to index
          %get3A_46 = tpu.vector_load %arg7[%get3A] {strides = array<i32>} : memref<128xf32, #tpu.memory_space<vmem>>, vector<16xf32>,
          %get3A_47 = arith.index_cast %mul3A_45 : i32 to index
          %get3A_48 = tpu.vector_load %arg9[%get3A_47] {strides = array<i32>} : memref<128xf32, #tpu.memory_space<vmem>>, vector<16xf32>,
          %sub3A = arith.subf %get3A_46, %get3A_48 : vector<16xf32>
          %exp3A = math.exp %sub3A : vector<16xf32>
          %get3A_49 = arith.index_cast %mul3A_45 : i32 to index
          %get3A_50 = tpu.vector_load %arg10[%get3A_49] {strides = array<i32>} : memref<128xf32, #tpu.memory_space<vmem>>, vector<16xf32>,
          %div3A = arith.divf %exp3A, %get3A_50 : vector<16xf32>
          %swap3A = arith.index_cast %mul3A_45 : i32 to index
          %swap3A_51 = tpu.vector_load %arg11[%swap3A] {strides = array<i32>} : memref<128xf32, #tpu.memory_space<vmem>>, vector<16xf32>,
          tpu.vector_store %arg11[%swap3A], %div3A {strides = array<i32>} : memref<128xf32, #tpu.memory_space<vmem>>, vector<16xf32>,
          %while3A_52 = arith.constant 0 : i64
          scf.yield %while3A_52 : i64
        }
        %while3A_40 = arith.constant 1 : i32
        %while3A_41 = scf.for %while3A_42 = %while3A_37 to %while3A_33 step %while3A_40 iter_args(%while3A_43 = %while3A_39) -> (i64)  : i32 {
          %mul3A_44 = arith.constant 16 : i32
          %mul3A_45 = arith.muli %while3A_42, %mul3A_44 : i32
          %get3A = arith.index_cast %mul3A_45 : i32 to index
          %get3A_46 = tpu.vector_load %arg7[%get3A] {strides = array<i32>} : memref<128xf32, #tpu.memory_space<vmem>>, vector<16xf32>,
          %get3A_47 = arith.index_cast %mul3A_45 : i32 to index
          %get3A_48 = tpu.vector_load %arg9[%get3A_47] {strides = array<i32>} : memref<128xf32, #tpu.memory_space<vmem>>, vector<16xf32>,
          %sub3A = arith.subf %get3A_46, %get3A_48 : vector<16xf32>
          %exp3A = math.exp %sub3A : vector<16xf32>
          %get3A_49 = arith.index_cast %mul3A_45 : i32 to index
          %get3A_50 = tpu.vector_load %arg10[%get3A_49] {strides = array<i32>} : memref<128xf32, #tpu.memory_space<vmem>>, vector<16xf32>,
          %div3A = arith.divf %exp3A, %get3A_50 : vector<16xf32>
          %swap3A = arith.index_cast %mul3A_45 : i32 to index
          %swap3A_51 = tpu.vector_load %arg11[%swap3A] {strides = array<i32>} : memref<128xf32, #tpu.memory_space<vmem>>, vector<16xf32>,
          tpu.vector_store %arg11[%swap3A], %div3A {strides = array<i32>} : memref<128xf32, #tpu.memory_space<vmem>>, vector<16xf32>,
          %while3A_52 = arith.constant 0 : i64
          scf.yield %while3A_52 : i64
        }
        "tpu.region"() ({
          %run_scoped3A = tpu.sem_alloc : memref<!tpu.dma_semaphore, #tpu.memory_space<semaphore_mem>>
          %dma_start3A_42 = tpu.memref_slice %arg6[%mul3A_22] : memref<160000xf32, #tpu.memory_space<hbm>> -> memref<128xf32, #tpu.memory_space<hbm>>
          %dma_start3A_43 = tpu.memref_slice %arg6[%mul3A_22] : memref<160000xf32, #tpu.memory_space<hbm>> -> memref<128xf32, #tpu.memory_space<hbm>>
          tpu.enqueue_dma source(%arg11 : memref<128xf32, #tpu.memory_space<vmem>>) target(%dma_start3A_43 : memref<128xf32, #tpu.memory_space<hbm>>) target_semaphore(%run_scoped3A : memref<!tpu.dma_semaphore, #tpu.memory_space<semaphore_mem>>)
          %dma_wait3A_44 = tpu.memref_slice %arg6[%mul3A_22] : memref<160000xf32, #tpu.memory_space<hbm>> -> memref<128xf32, #tpu.memory_space<hbm>>
          %dma_wait3A_45 = tpu.memref_slice %arg6[%mul3A_22] : memref<160000xf32, #tpu.memory_space<hbm>> -> memref<128xf32, #tpu.memory_space<hbm>>
          tpu.wait_dma2 semaphore(%run_scoped3A : memref<!tpu.dma_semaphore, #tpu.memory_space<semaphore_mem>>) src(%arg11 : memref<128xf32, #tpu.memory_space<vmem>>) dst(%dma_wait3A_45 : memref<128xf32, #tpu.memory_space<hbm>>)
          tpu.yield
        }) : () -> ()
      } else {
      }
      %while3A_20 = arith.constant 0 : i64
      scf.yield %while3A_20 : i64
    }
    return
  }
}

#map = affine_map<(d0, d1) -> (0, 0)>
#map1 = affine_map<(d0, d1) -> (0)>
module attributes {stable_mosaic.version = 14 : i64} {
  func.func @rk(%arg0: i32, %arg1: i32, %arg2: memref<160000x256xf32, #tpu.memory_space<hbm>>, %arg3: memref<160000xi32, #tpu.memory_space<hbm>>, %arg4: memref<10240x256xf32, #tpu.memory_space<hbm>>, %arg5: memref<128xi32, #tpu.memory_space<vmem>>, %arg6: memref<128xi32, #tpu.memory_space<vmem>>, %arg7: memref<128x128xf32, #tpu.memory_space<vmem>>, %arg8: memref<128x128xf32, #tpu.memory_space<vmem>>, %arg9: memref<10240x128xf32, #tpu.memory_space<vmem_shared>>, %arg10: memref<!tpu.dma_semaphore, #tpu.memory_space<semaphore_mem>>, %arg11: memref<!tpu.dma_semaphore, #tpu.memory_space<semaphore_mem>>) attributes {dimension_semantics = [#tpu.dimension_semantics<core_parallel>, #tpu.dimension_semantics<subcore_parallel>], iteration_bounds = array<i64: 2, 16>, scalar_prefetch = 0 : i64, scratch_operands = 7 : i64, tpu.core_type = #tpu.core_type<sc_vector_subcore>, window_params = [{transform_indices = #map}, {transform_indices = #map1}, {transform_indices = #map}]} {
    %mul3A = arith.constant 128 : i32
    %mul3A_0 = arith.muli %arg0, %mul3A : i32
    %while3A = arith.constant 0 : i32
    %while3A_1 = arith.constant 128 : i32
    %while3A_2 = arith.constant 0 : i64
    %while3A_3 = arith.subi %while3A_1, %while3A : i32
    %while3A_4 = arith.addi %while3A, %while3A_3 : i32
    %while3A_5 = arith.constant 1 : i32
    %while3A_6 = arith.divsi %while3A_3, %while3A_5 : i32
    %while3A_7 = arith.muli %while3A_6, %while3A_5 : i32
    %while3A_8 = arith.addi %while3A, %while3A_7 : i32
    %while3A_9 = arith.constant 1 : i32
    %while3A_10 = scf.for %while3A_44 = %while3A to %while3A_8 step %while3A_9 iter_args(%while3A_45 = %while3A_2) -> (i64)  : i32 {
      %while3A_46 = arith.constant 0 : i32
      %while3A_47 = arith.constant 8 : i32
      %while3A_48 = arith.constant 0 : i64
      %while3A_49 = arith.subi %while3A_47, %while3A_46 : i32
      %while3A_50 = arith.addi %while3A_46, %while3A_49 : i32
      %while3A_51 = arith.constant 1 : i32
      %while3A_52 = arith.divsi %while3A_49, %while3A_51 : i32
      %while3A_53 = arith.muli %while3A_52, %while3A_51 : i32
      %while3A_54 = arith.addi %while3A_46, %while3A_53 : i32
      %while3A_55 = arith.constant 1 : i32
      %while3A_56 = scf.for %while3A_60 = %while3A_46 to %while3A_54 step %while3A_55 iter_args(%while3A_61 = %while3A_48) -> (i64)  : i32 {
        %broadcast_in_dim3A = arith.constant 0.000000e+00 : f32
        %broadcast_in_dim3A_62 = vector.broadcast %broadcast_in_dim3A : f32 to vector<16xf32>
        %mul3A_63 = arith.constant 16 : i32
        %mul3A_64 = arith.muli %while3A_60, %mul3A_63 : i32
        %swap3A = arith.index_cast %while3A_44 : i32 to index
        %swap3A_65 = arith.index_cast %mul3A_64 : i32 to index
        %swap3A_66 = tpu.vector_load %arg7[%swap3A, %swap3A_65] {strides = array<i32>} : memref<128x128xf32, #tpu.memory_space<vmem>>, vector<16xf32>,
        tpu.vector_store %arg7[%swap3A, %swap3A_65], %broadcast_in_dim3A_62 {strides = array<i32>} : memref<128x128xf32, #tpu.memory_space<vmem>>, vector<16xf32>,
        %while3A_67 = arith.constant 0 : i64
        scf.yield %while3A_67 : i64
      }
      %while3A_57 = arith.constant 1 : i32
      %while3A_58 = scf.for %while3A_60 = %while3A_54 to %while3A_50 step %while3A_57 iter_args(%while3A_61 = %while3A_56) -> (i64)  : i32 {
        %broadcast_in_dim3A = arith.constant 0.000000e+00 : f32
        %broadcast_in_dim3A_62 = vector.broadcast %broadcast_in_dim3A : f32 to vector<16xf32>
        %mul3A_63 = arith.constant 16 : i32
        %mul3A_64 = arith.muli %while3A_60, %mul3A_63 : i32
        %swap3A = arith.index_cast %while3A_44 : i32 to index
        %swap3A_65 = arith.index_cast %mul3A_64 : i32 to index
        %swap3A_66 = tpu.vector_load %arg7[%swap3A, %swap3A_65] {strides = array<i32>} : memref<128x128xf32, #tpu.memory_space<vmem>>, vector<16xf32>,
        tpu.vector_store %arg7[%swap3A, %swap3A_65], %broadcast_in_dim3A_62 {strides = array<i32>} : memref<128x128xf32, #tpu.memory_space<vmem>>, vector<16xf32>,
        %while3A_67 = arith.constant 0 : i64
        scf.yield %while3A_67 : i64
      }
      %while3A_59 = arith.constant 0 : i64
      scf.yield %while3A_59 : i64
    }
    %while3A_11 = arith.constant 1 : i32
    %while3A_12 = scf.for %while3A_44 = %while3A_8 to %while3A_4 step %while3A_11 iter_args(%while3A_45 = %while3A_10) -> (i64)  : i32 {
      %while3A_46 = arith.constant 0 : i32
      %while3A_47 = arith.constant 8 : i32
      %while3A_48 = arith.constant 0 : i64
      %while3A_49 = arith.subi %while3A_47, %while3A_46 : i32
      %while3A_50 = arith.addi %while3A_46, %while3A_49 : i32
      %while3A_51 = arith.constant 1 : i32
      %while3A_52 = arith.divsi %while3A_49, %while3A_51 : i32
      %while3A_53 = arith.muli %while3A_52, %while3A_51 : i32
      %while3A_54 = arith.addi %while3A_46, %while3A_53 : i32
      %while3A_55 = arith.constant 1 : i32
      %while3A_56 = scf.for %while3A_60 = %while3A_46 to %while3A_54 step %while3A_55 iter_args(%while3A_61 = %while3A_48) -> (i64)  : i32 {
        %broadcast_in_dim3A = arith.constant 0.000000e+00 : f32
        %broadcast_in_dim3A_62 = vector.broadcast %broadcast_in_dim3A : f32 to vector<16xf32>
        %mul3A_63 = arith.constant 16 : i32
        %mul3A_64 = arith.muli %while3A_60, %mul3A_63 : i32
        %swap3A = arith.index_cast %while3A_44 : i32 to index
        %swap3A_65 = arith.index_cast %mul3A_64 : i32 to index
        %swap3A_66 = tpu.vector_load %arg7[%swap3A, %swap3A_65] {strides = array<i32>} : memref<128x128xf32, #tpu.memory_space<vmem>>, vector<16xf32>,
        tpu.vector_store %arg7[%swap3A, %swap3A_65], %broadcast_in_dim3A_62 {strides = array<i32>} : memref<128x128xf32, #tpu.memory_space<vmem>>, vector<16xf32>,
        %while3A_67 = arith.constant 0 : i64
        scf.yield %while3A_67 : i64
      }
      %while3A_57 = arith.constant 1 : i32
      %while3A_58 = scf.for %while3A_60 = %while3A_54 to %while3A_50 step %while3A_57 iter_args(%while3A_61 = %while3A_56) -> (i64)  : i32 {
        %broadcast_in_dim3A = arith.constant 0.000000e+00 : f32
        %broadcast_in_dim3A_62 = vector.broadcast %broadcast_in_dim3A : f32 to vector<16xf32>
        %mul3A_63 = arith.constant 16 : i32
        %mul3A_64 = arith.muli %while3A_60, %mul3A_63 : i32
        %swap3A = arith.index_cast %while3A_44 : i32 to index
        %swap3A_65 = arith.index_cast %mul3A_64 : i32 to index
        %swap3A_66 = tpu.vector_load %arg7[%swap3A, %swap3A_65] {strides = array<i32>} : memref<128x128xf32, #tpu.memory_space<vmem>>, vector<16xf32>,
        tpu.vector_store %arg7[%swap3A, %swap3A_65], %broadcast_in_dim3A_62 {strides = array<i32>} : memref<128x128xf32, #tpu.memory_space<vmem>>, vector<16xf32>,
        %while3A_67 = arith.constant 0 : i64
        scf.yield %while3A_67 : i64
      }
      %while3A_59 = arith.constant 0 : i64
      scf.yield %while3A_59 : i64
    }
    %while3A_13 = arith.constant 0 : i32
    %while3A_14 = arith.constant 5 : i32
    %while3A_15 = arith.constant 0 : i64
    %while3A_16 = arith.subi %while3A_14, %while3A_13 : i32
    %while3A_17 = arith.addi %while3A_13, %while3A_16 : i32
    %while3A_18 = arith.constant 1 : i32
    %while3A_19 = arith.divsi %while3A_16, %while3A_18 : i32
    %while3A_20 = arith.muli %while3A_19, %while3A_18 : i32
    %while3A_21 = arith.addi %while3A_13, %while3A_20 : i32
    %while3A_22 = arith.constant 1 : i32
    %while3A_23 = scf.for %while3A_44 = %while3A_13 to %while3A_21 step %while3A_22 iter_args(%while3A_45 = %while3A_15) -> (i64)  : i32 {
      %mul3A_46 = arith.constant 640 : i32
      %mul3A_47 = arith.muli %arg1, %mul3A_46 : i32
      %mul3A_48 = arith.constant 128 : i32
      %mul3A_49 = arith.muli %while3A_44, %mul3A_48 : i32
      %add3A = arith.addi %mul3A_47, %mul3A_49 : i32
      "tpu.region"() ({
        %run_scoped3A = tpu.sem_alloc : memref<!tpu.dma_semaphore, #tpu.memory_space<semaphore_mem>>
        %dma_start3A = arith.constant 0 : i32
        %dma_start3A_51 = tpu.memref_slice %arg9[%add3A, %dma_start3A] : memref<10240x128xf32, #tpu.memory_space<vmem_shared>> -> memref<128x128xf32, #tpu.memory_space<vmem_shared>>
        %dma_start3A_52 = arith.constant 0 : i32
        %dma_start3A_53 = tpu.memref_slice %arg9[%add3A, %dma_start3A_52] : memref<10240x128xf32, #tpu.memory_space<vmem_shared>> -> memref<128x128xf32, #tpu.memory_space<vmem_shared>>
        tpu.enqueue_dma source(%arg7 : memref<128x128xf32, #tpu.memory_space<vmem>>) target(%dma_start3A_53 : memref<128x128xf32, #tpu.memory_space<vmem_shared>>) target_semaphore(%run_scoped3A : memref<!tpu.dma_semaphore, #tpu.memory_space<semaphore_mem>>)
        %dma_wait3A = arith.constant 0 : i32
        %dma_wait3A_54 = tpu.memref_slice %arg9[%add3A, %dma_wait3A] : memref<10240x128xf32, #tpu.memory_space<vmem_shared>> -> memref<128x128xf32, #tpu.memory_space<vmem_shared>>
        %dma_wait3A_55 = arith.constant 0 : i32
        %dma_wait3A_56 = tpu.memref_slice %arg9[%add3A, %dma_wait3A_55] : memref<10240x128xf32, #tpu.memory_space<vmem_shared>> -> memref<128x128xf32, #tpu.memory_space<vmem_shared>>
        tpu.wait_dma2 semaphore(%run_scoped3A : memref<!tpu.dma_semaphore, #tpu.memory_space<semaphore_mem>>) src(%arg7 : memref<128x128xf32, #tpu.memory_space<vmem>>) dst(%dma_wait3A_56 : memref<128x128xf32, #tpu.memory_space<vmem_shared>>)
        tpu.yield
      }) : () -> ()
      %while3A_50 = arith.constant 0 : i64
      scf.yield %while3A_50 : i64
    }
    %while3A_24 = arith.constant 1 : i32
    %while3A_25 = scf.for %while3A_44 = %while3A_21 to %while3A_17 step %while3A_24 iter_args(%while3A_45 = %while3A_23) -> (i64)  : i32 {
      %mul3A_46 = arith.constant 640 : i32
      %mul3A_47 = arith.muli %arg1, %mul3A_46 : i32
      %mul3A_48 = arith.constant 128 : i32
      %mul3A_49 = arith.muli %while3A_44, %mul3A_48 : i32
      %add3A = arith.addi %mul3A_47, %mul3A_49 : i32
      "tpu.region"() ({
        %run_scoped3A = tpu.sem_alloc : memref<!tpu.dma_semaphore, #tpu.memory_space<semaphore_mem>>
        %dma_start3A = arith.constant 0 : i32
        %dma_start3A_51 = tpu.memref_slice %arg9[%add3A, %dma_start3A] : memref<10240x128xf32, #tpu.memory_space<vmem_shared>> -> memref<128x128xf32, #tpu.memory_space<vmem_shared>>
        %dma_start3A_52 = arith.constant 0 : i32
        %dma_start3A_53 = tpu.memref_slice %arg9[%add3A, %dma_start3A_52] : memref<10240x128xf32, #tpu.memory_space<vmem_shared>> -> memref<128x128xf32, #tpu.memory_space<vmem_shared>>
        tpu.enqueue_dma source(%arg7 : memref<128x128xf32, #tpu.memory_space<vmem>>) target(%dma_start3A_53 : memref<128x128xf32, #tpu.memory_space<vmem_shared>>) target_semaphore(%run_scoped3A : memref<!tpu.dma_semaphore, #tpu.memory_space<semaphore_mem>>)
        %dma_wait3A = arith.constant 0 : i32
        %dma_wait3A_54 = tpu.memref_slice %arg9[%add3A, %dma_wait3A] : memref<10240x128xf32, #tpu.memory_space<vmem_shared>> -> memref<128x128xf32, #tpu.memory_space<vmem_shared>>
        %dma_wait3A_55 = arith.constant 0 : i32
        %dma_wait3A_56 = tpu.memref_slice %arg9[%add3A, %dma_wait3A_55] : memref<10240x128xf32, #tpu.memory_space<vmem_shared>> -> memref<128x128xf32, #tpu.memory_space<vmem_shared>>
        tpu.wait_dma2 semaphore(%run_scoped3A : memref<!tpu.dma_semaphore, #tpu.memory_space<semaphore_mem>>) src(%arg7 : memref<128x128xf32, #tpu.memory_space<vmem>>) dst(%dma_wait3A_56 : memref<128x128xf32, #tpu.memory_space<vmem_shared>>)
        tpu.yield
      }) : () -> ()
      %while3A_50 = arith.constant 0 : i64
      scf.yield %while3A_50 : i64
    }
    %barrier3A = arith.constant 0 : index
    tpu.barrier barrier_id(%barrier3A)
    %while3A_26 = arith.constant 0 : i32
    %while3A_27 = arith.constant 40 : i32
    %while3A_28 = arith.constant 0 : i64
    %while3A_29 = arith.subi %while3A_27, %while3A_26 : i32
    %while3A_30 = arith.addi %while3A_26, %while3A_29 : i32
    %while3A_31 = arith.constant 1 : i32
    %while3A_32 = arith.divsi %while3A_29, %while3A_31 : i32
    %while3A_33 = arith.muli %while3A_32, %while3A_31 : i32
    %while3A_34 = arith.addi %while3A_26, %while3A_33 : i32
    %while3A_35 = arith.constant 1 : i32
    %while3A_36 = scf.for %while3A_44 = %while3A_26 to %while3A_34 step %while3A_35 iter_args(%while3A_45 = %while3A_28) -> (i64)  : i32 {
      %mul3A_46 = arith.constant 2 : i32
      %mul3A_47 = arith.muli %while3A_44, %mul3A_46 : i32
      %mul3A_48 = arith.constant 16 : i32
      %mul3A_49 = arith.muli %mul3A_47, %mul3A_48 : i32
      %add3A = arith.addi %mul3A_49, %arg1 : i32
      %mul3A_50 = arith.constant 2 : i32
      %mul3A_51 = arith.muli %while3A_44, %mul3A_50 : i32
      %add3A_52 = arith.constant 1 : i32
      %add3A_53 = arith.addi %mul3A_51, %add3A_52 : i32
      %mul3A_54 = arith.constant 16 : i32
      %mul3A_55 = arith.muli %add3A_53, %mul3A_54 : i32
      %add3A_56 = arith.addi %mul3A_55, %arg1 : i32
      %lt3A = arith.constant 1250 : i32
      %lt3A_57 = arith.cmpi slt, %add3A, %lt3A : i32
      %convert_element_type3A = arith.extui %lt3A_57 : i1 to i32
      %cond3A = arith.constant 0 : i32
      %cond3A_58 = arith.cmpi ne, %convert_element_type3A, %cond3A : i32
      scf.if %cond3A_58 {
        %mul3A_75 = arith.constant 128 : i32
        %mul3A_76 = arith.muli %add3A, %mul3A_75 : i32
        "tpu.region"() ({
          %run_scoped3A = tpu.sem_alloc : memref<!tpu.dma_semaphore, #tpu.memory_space<semaphore_mem>>
          %dma_start3A_78 = tpu.memref_slice %arg3[%mul3A_76] : memref<160000xi32, #tpu.memory_space<hbm>> -> memref<128xi32, #tpu.memory_space<hbm>>
          %dma_start3A_79 = tpu.memref_slice %arg3[%mul3A_76] : memref<160000xi32, #tpu.memory_space<hbm>> -> memref<128xi32, #tpu.memory_space<hbm>>
          tpu.enqueue_dma source(%dma_start3A_79 : memref<128xi32, #tpu.memory_space<hbm>>) target(%arg5 : memref<128xi32, #tpu.memory_space<vmem>>) target_semaphore(%run_scoped3A : memref<!tpu.dma_semaphore, #tpu.memory_space<semaphore_mem>>)
          %dma_wait3A = tpu.memref_slice %arg3[%mul3A_76] : memref<160000xi32, #tpu.memory_space<hbm>> -> memref<128xi32, #tpu.memory_space<hbm>>
          %dma_wait3A_80 = tpu.memref_slice %arg3[%mul3A_76] : memref<160000xi32, #tpu.memory_space<hbm>> -> memref<128xi32, #tpu.memory_space<hbm>>
          tpu.wait_dma2 semaphore(%run_scoped3A : memref<!tpu.dma_semaphore, #tpu.memory_space<semaphore_mem>>) src(%dma_wait3A_80 : memref<128xi32, #tpu.memory_space<hbm>>) dst(%arg5 : memref<128xi32, #tpu.memory_space<vmem>>)
          tpu.yield
        }) : () -> ()
        %dma_start3A = tpu.memref_slice %arg2[%mul3A_76, %mul3A_0] : memref<160000x256xf32, #tpu.memory_space<hbm>> -> memref<128x128xf32, #tpu.memory_space<hbm>>
        %dma_start3A_77 = tpu.memref_slice %arg2[%mul3A_76, %mul3A_0] : memref<160000x256xf32, #tpu.memory_space<hbm>> -> memref<128x128xf32, #tpu.memory_space<hbm>>
        tpu.enqueue_dma source(%dma_start3A_77 : memref<128x128xf32, #tpu.memory_space<hbm>>) target(%arg7 : memref<128x128xf32, #tpu.memory_space<vmem>>) target_semaphore(%arg10 : memref<!tpu.dma_semaphore, #tpu.memory_space<semaphore_mem>>)
      } else {
      }
      %lt3A_59 = arith.constant 1250 : i32
      %lt3A_60 = arith.cmpi slt, %add3A_56, %lt3A_59 : i32
      %convert_element_type3A_61 = arith.extui %lt3A_60 : i1 to i32
      %cond3A_62 = arith.constant 0 : i32
      %cond3A_63 = arith.cmpi ne, %convert_element_type3A_61, %cond3A_62 : i32
      scf.if %cond3A_63 {
        %mul3A_75 = arith.constant 128 : i32
        %mul3A_76 = arith.muli %add3A_56, %mul3A_75 : i32
        "tpu.region"() ({
          %run_scoped3A = tpu.sem_alloc : memref<!tpu.dma_semaphore, #tpu.memory_space<semaphore_mem>>
          %dma_start3A_78 = tpu.memref_slice %arg3[%mul3A_76] : memref<160000xi32, #tpu.memory_space<hbm>> -> memref<128xi32, #tpu.memory_space<hbm>>
          %dma_start3A_79 = tpu.memref_slice %arg3[%mul3A_76] : memref<160000xi32, #tpu.memory_space<hbm>> -> memref<128xi32, #tpu.memory_space<hbm>>
          tpu.enqueue_dma source(%dma_start3A_79 : memref<128xi32, #tpu.memory_space<hbm>>) target(%arg6 : memref<128xi32, #tpu.memory_space<vmem>>) target_semaphore(%run_scoped3A : memref<!tpu.dma_semaphore, #tpu.memory_space<semaphore_mem>>)
          %dma_wait3A = tpu.memref_slice %arg3[%mul3A_76] : memref<160000xi32, #tpu.memory_space<hbm>> -> memref<128xi32, #tpu.memory_space<hbm>>
          %dma_wait3A_80 = tpu.memref_slice %arg3[%mul3A_76] : memref<160000xi32, #tpu.memory_space<hbm>> -> memref<128xi32, #tpu.memory_space<hbm>>
          tpu.wait_dma2 semaphore(%run_scoped3A : memref<!tpu.dma_semaphore, #tpu.memory_space<semaphore_mem>>) src(%dma_wait3A_80 : memref<128xi32, #tpu.memory_space<hbm>>) dst(%arg6 : memref<128xi32, #tpu.memory_space<vmem>>)
          tpu.yield
        }) : () -> ()
        %dma_start3A = tpu.memref_slice %arg2[%mul3A_76, %mul3A_0] : memref<160000x256xf32, #tpu.memory_space<hbm>> -> memref<128x128xf32, #tpu.memory_space<hbm>>
        %dma_start3A_77 = tpu.memref_slice %arg2[%mul3A_76, %mul3A_0] : memref<160000x256xf32, #tpu.memory_space<hbm>> -> memref<128x128xf32, #tpu.memory_space<hbm>>
        tpu.enqueue_dma source(%dma_start3A_77 : memref<128x128xf32, #tpu.memory_space<hbm>>) target(%arg8 : memref<128x128xf32, #tpu.memory_space<vmem>>) target_semaphore(%arg11 : memref<!tpu.dma_semaphore, #tpu.memory_space<semaphore_mem>>)
      } else {
      }
      %lt3A_64 = arith.constant 1250 : i32
      %lt3A_65 = arith.cmpi slt, %add3A, %lt3A_64 : i32
      %convert_element_type3A_66 = arith.extui %lt3A_65 : i1 to i32
      %cond3A_67 = arith.constant 0 : i32
      %cond3A_68 = arith.cmpi ne, %convert_element_type3A_66, %cond3A_67 : i32
      scf.if %cond3A_68 {
        %mul3A_75 = arith.constant 128 : i32
        %mul3A_76 = arith.muli %add3A, %mul3A_75 : i32
        %dma_wait3A = tpu.memref_slice %arg2[%mul3A_76, %mul3A_0] : memref<160000x256xf32, #tpu.memory_space<hbm>> -> memref<128x128xf32, #tpu.memory_space<hbm>>
        %dma_wait3A_77 = tpu.memref_slice %arg2[%mul3A_76, %mul3A_0] : memref<160000x256xf32, #tpu.memory_space<hbm>> -> memref<128x128xf32, #tpu.memory_space<hbm>>
        tpu.wait_dma2 semaphore(%arg10 : memref<!tpu.dma_semaphore, #tpu.memory_space<semaphore_mem>>) src(%dma_wait3A_77 : memref<128x128xf32, #tpu.memory_space<hbm>>) dst(%arg7 : memref<128x128xf32, #tpu.memory_space<vmem>>)
        "tpu.region"() ({
          %run_scoped3A = tpu.sem_alloc : memref<!tpu.dma_semaphore, #tpu.memory_space<semaphore_mem>>
          %dma_start3A = arith.constant 0 : i32
          %dma_start3A_78 = arith.constant 0 : i32
          %dma_start3A_79 = tpu.memref_slice %arg9[%dma_start3A, %dma_start3A_78] : memref<10240x128xf32, #tpu.memory_space<vmem_shared>> -> memref<10240x128xf32, #tpu.memory_space<vmem_shared>>
          tpu.enqueue_indirect_dma source(%arg7 : memref<128x128xf32, #tpu.memory_space<vmem>>) target(%dma_start3A_79 : memref<10240x128xf32, #tpu.memory_space<vmem_shared>>) offsets(%arg5 : memref<128xi32, #tpu.memory_space<vmem>>) semaphore(%run_scoped3A : memref<!tpu.dma_semaphore, #tpu.memory_space<semaphore_mem>>) {add = true}
          %dma_wait3A_80 = arith.constant 0 : i32
          %dma_wait3A_81 = arith.constant 0 : i32
          %dma_wait3A_82 = tpu.memref_slice %arg9[%dma_wait3A_80, %dma_wait3A_81] : memref<10240x128xf32, #tpu.memory_space<vmem_shared>> -> memref<10240x128xf32, #tpu.memory_space<vmem_shared>>
          tpu.wait_indirect_dma semaphore(%run_scoped3A : memref<!tpu.dma_semaphore, #tpu.memory_space<semaphore_mem>>) src(%arg7 : memref<128x128xf32, #tpu.memory_space<vmem>>) dst(%dma_wait3A_82 : memref<10240x128xf32, #tpu.memory_space<vmem_shared>>)
          tpu.yield
        }) : () -> ()
      } else {
      }
      %lt3A_69 = arith.constant 1250 : i32
      %lt3A_70 = arith.cmpi slt, %add3A_56, %lt3A_69 : i32
      %convert_element_type3A_71 = arith.extui %lt3A_70 : i1 to i32
      %cond3A_72 = arith.constant 0 : i32
      %cond3A_73 = arith.cmpi ne, %convert_element_type3A_71, %cond3A_72 : i32
      scf.if %cond3A_73 {
        %mul3A_75 = arith.constant 128 : i32
        %mul3A_76 = arith.muli %add3A_56, %mul3A_75 : i32
        %dma_wait3A = tpu.memref_slice %arg2[%mul3A_76, %mul3A_0] : memref<160000x256xf32, #tpu.memory_space<hbm>> -> memref<128x128xf32, #tpu.memory_space<hbm>>
        %dma_wait3A_77 = tpu.memref_slice %arg2[%mul3A_76, %mul3A_0] : memref<160000x256xf32, #tpu.memory_space<hbm>> -> memref<128x128xf32, #tpu.memory_space<hbm>>
        tpu.wait_dma2 semaphore(%arg11 : memref<!tpu.dma_semaphore, #tpu.memory_space<semaphore_mem>>) src(%dma_wait3A_77 : memref<128x128xf32, #tpu.memory_space<hbm>>) dst(%arg8 : memref<128x128xf32, #tpu.memory_space<vmem>>)
        "tpu.region"() ({
          %run_scoped3A = tpu.sem_alloc : memref<!tpu.dma_semaphore, #tpu.memory_space<semaphore_mem>>
          %dma_start3A = arith.constant 0 : i32
          %dma_start3A_78 = arith.constant 0 : i32
          %dma_start3A_79 = tpu.memref_slice %arg9[%dma_start3A, %dma_start3A_78] : memref<10240x128xf32, #tpu.memory_space<vmem_shared>> -> memref<10240x128xf32, #tpu.memory_space<vmem_shared>>
          tpu.enqueue_indirect_dma source(%arg8 : memref<128x128xf32, #tpu.memory_space<vmem>>) target(%dma_start3A_79 : memref<10240x128xf32, #tpu.memory_space<vmem_shared>>) offsets(%arg6 : memref<128xi32, #tpu.memory_space<vmem>>) semaphore(%run_scoped3A : memref<!tpu.dma_semaphore, #tpu.memory_space<semaphore_mem>>) {add = true}
          %dma_wait3A_80 = arith.constant 0 : i32
          %dma_wait3A_81 = arith.constant 0 : i32
          %dma_wait3A_82 = tpu.memref_slice %arg9[%dma_wait3A_80, %dma_wait3A_81] : memref<10240x128xf32, #tpu.memory_space<vmem_shared>> -> memref<10240x128xf32, #tpu.memory_space<vmem_shared>>
          tpu.wait_indirect_dma semaphore(%run_scoped3A : memref<!tpu.dma_semaphore, #tpu.memory_space<semaphore_mem>>) src(%arg8 : memref<128x128xf32, #tpu.memory_space<vmem>>) dst(%dma_wait3A_82 : memref<10240x128xf32, #tpu.memory_space<vmem_shared>>)
          tpu.yield
        }) : () -> ()
      } else {
      }
      %while3A_74 = arith.constant 0 : i64
      scf.yield %while3A_74 : i64
    }
    %while3A_37 = arith.constant 1 : i32
    %while3A_38 = scf.for %while3A_44 = %while3A_34 to %while3A_30 step %while3A_37 iter_args(%while3A_45 = %while3A_36) -> (i64)  : i32 {
      %mul3A_46 = arith.constant 2 : i32
      %mul3A_47 = arith.muli %while3A_44, %mul3A_46 : i32
      %mul3A_48 = arith.constant 16 : i32
      %mul3A_49 = arith.muli %mul3A_47, %mul3A_48 : i32
      %add3A = arith.addi %mul3A_49, %arg1 : i32
      %mul3A_50 = arith.constant 2 : i32
      %mul3A_51 = arith.muli %while3A_44, %mul3A_50 : i32
      %add3A_52 = arith.constant 1 : i32
      %add3A_53 = arith.addi %mul3A_51, %add3A_52 : i32
      %mul3A_54 = arith.constant 16 : i32
      %mul3A_55 = arith.muli %add3A_53, %mul3A_54 : i32
      %add3A_56 = arith.addi %mul3A_55, %arg1 : i32
      %lt3A = arith.constant 1250 : i32
      %lt3A_57 = arith.cmpi slt, %add3A, %lt3A : i32
      %convert_element_type3A = arith.extui %lt3A_57 : i1 to i32
      %cond3A = arith.constant 0 : i32
      %cond3A_58 = arith.cmpi ne, %convert_element_type3A, %cond3A : i32
      scf.if %cond3A_58 {
        %mul3A_75 = arith.constant 128 : i32
        %mul3A_76 = arith.muli %add3A, %mul3A_75 : i32
        "tpu.region"() ({
          %run_scoped3A = tpu.sem_alloc : memref<!tpu.dma_semaphore, #tpu.memory_space<semaphore_mem>>
          %dma_start3A_78 = tpu.memref_slice %arg3[%mul3A_76] : memref<160000xi32, #tpu.memory_space<hbm>> -> memref<128xi32, #tpu.memory_space<hbm>>
          %dma_start3A_79 = tpu.memref_slice %arg3[%mul3A_76] : memref<160000xi32, #tpu.memory_space<hbm>> -> memref<128xi32, #tpu.memory_space<hbm>>
          tpu.enqueue_dma source(%dma_start3A_79 : memref<128xi32, #tpu.memory_space<hbm>>) target(%arg5 : memref<128xi32, #tpu.memory_space<vmem>>) target_semaphore(%run_scoped3A : memref<!tpu.dma_semaphore, #tpu.memory_space<semaphore_mem>>)
          %dma_wait3A = tpu.memref_slice %arg3[%mul3A_76] : memref<160000xi32, #tpu.memory_space<hbm>> -> memref<128xi32, #tpu.memory_space<hbm>>
          %dma_wait3A_80 = tpu.memref_slice %arg3[%mul3A_76] : memref<160000xi32, #tpu.memory_space<hbm>> -> memref<128xi32, #tpu.memory_space<hbm>>
          tpu.wait_dma2 semaphore(%run_scoped3A : memref<!tpu.dma_semaphore, #tpu.memory_space<semaphore_mem>>) src(%dma_wait3A_80 : memref<128xi32, #tpu.memory_space<hbm>>) dst(%arg5 : memref<128xi32, #tpu.memory_space<vmem>>)
          tpu.yield
        }) : () -> ()
        %dma_start3A = tpu.memref_slice %arg2[%mul3A_76, %mul3A_0] : memref<160000x256xf32, #tpu.memory_space<hbm>> -> memref<128x128xf32, #tpu.memory_space<hbm>>
        %dma_start3A_77 = tpu.memref_slice %arg2[%mul3A_76, %mul3A_0] : memref<160000x256xf32, #tpu.memory_space<hbm>> -> memref<128x128xf32, #tpu.memory_space<hbm>>
        tpu.enqueue_dma source(%dma_start3A_77 : memref<128x128xf32, #tpu.memory_space<hbm>>) target(%arg7 : memref<128x128xf32, #tpu.memory_space<vmem>>) target_semaphore(%arg10 : memref<!tpu.dma_semaphore, #tpu.memory_space<semaphore_mem>>)
      } else {
      }
      %lt3A_59 = arith.constant 1250 : i32
      %lt3A_60 = arith.cmpi slt, %add3A_56, %lt3A_59 : i32
      %convert_element_type3A_61 = arith.extui %lt3A_60 : i1 to i32
      %cond3A_62 = arith.constant 0 : i32
      %cond3A_63 = arith.cmpi ne, %convert_element_type3A_61, %cond3A_62 : i32
      scf.if %cond3A_63 {
        %mul3A_75 = arith.constant 128 : i32
        %mul3A_76 = arith.muli %add3A_56, %mul3A_75 : i32
        "tpu.region"() ({
          %run_scoped3A = tpu.sem_alloc : memref<!tpu.dma_semaphore, #tpu.memory_space<semaphore_mem>>
          %dma_start3A_78 = tpu.memref_slice %arg3[%mul3A_76] : memref<160000xi32, #tpu.memory_space<hbm>> -> memref<128xi32, #tpu.memory_space<hbm>>
          %dma_start3A_79 = tpu.memref_slice %arg3[%mul3A_76] : memref<160000xi32, #tpu.memory_space<hbm>> -> memref<128xi32, #tpu.memory_space<hbm>>
          tpu.enqueue_dma source(%dma_start3A_79 : memref<128xi32, #tpu.memory_space<hbm>>) target(%arg6 : memref<128xi32, #tpu.memory_space<vmem>>) target_semaphore(%run_scoped3A : memref<!tpu.dma_semaphore, #tpu.memory_space<semaphore_mem>>)
          %dma_wait3A = tpu.memref_slice %arg3[%mul3A_76] : memref<160000xi32, #tpu.memory_space<hbm>> -> memref<128xi32, #tpu.memory_space<hbm>>
          %dma_wait3A_80 = tpu.memref_slice %arg3[%mul3A_76] : memref<160000xi32, #tpu.memory_space<hbm>> -> memref<128xi32, #tpu.memory_space<hbm>>
          tpu.wait_dma2 semaphore(%run_scoped3A : memref<!tpu.dma_semaphore, #tpu.memory_space<semaphore_mem>>) src(%dma_wait3A_80 : memref<128xi32, #tpu.memory_space<hbm>>) dst(%arg6 : memref<128xi32, #tpu.memory_space<vmem>>)
          tpu.yield
        }) : () -> ()
        %dma_start3A = tpu.memref_slice %arg2[%mul3A_76, %mul3A_0] : memref<160000x256xf32, #tpu.memory_space<hbm>> -> memref<128x128xf32, #tpu.memory_space<hbm>>
        %dma_start3A_77 = tpu.memref_slice %arg2[%mul3A_76, %mul3A_0] : memref<160000x256xf32, #tpu.memory_space<hbm>> -> memref<128x128xf32, #tpu.memory_space<hbm>>
        tpu.enqueue_dma source(%dma_start3A_77 : memref<128x128xf32, #tpu.memory_space<hbm>>) target(%arg8 : memref<128x128xf32, #tpu.memory_space<vmem>>) target_semaphore(%arg11 : memref<!tpu.dma_semaphore, #tpu.memory_space<semaphore_mem>>)
      } else {
      }
      %lt3A_64 = arith.constant 1250 : i32
      %lt3A_65 = arith.cmpi slt, %add3A, %lt3A_64 : i32
      %convert_element_type3A_66 = arith.extui %lt3A_65 : i1 to i32
      %cond3A_67 = arith.constant 0 : i32
      %cond3A_68 = arith.cmpi ne, %convert_element_type3A_66, %cond3A_67 : i32
      scf.if %cond3A_68 {
        %mul3A_75 = arith.constant 128 : i32
        %mul3A_76 = arith.muli %add3A, %mul3A_75 : i32
        %dma_wait3A = tpu.memref_slice %arg2[%mul3A_76, %mul3A_0] : memref<160000x256xf32, #tpu.memory_space<hbm>> -> memref<128x128xf32, #tpu.memory_space<hbm>>
        %dma_wait3A_77 = tpu.memref_slice %arg2[%mul3A_76, %mul3A_0] : memref<160000x256xf32, #tpu.memory_space<hbm>> -> memref<128x128xf32, #tpu.memory_space<hbm>>
        tpu.wait_dma2 semaphore(%arg10 : memref<!tpu.dma_semaphore, #tpu.memory_space<semaphore_mem>>) src(%dma_wait3A_77 : memref<128x128xf32, #tpu.memory_space<hbm>>) dst(%arg7 : memref<128x128xf32, #tpu.memory_space<vmem>>)
        "tpu.region"() ({
          %run_scoped3A = tpu.sem_alloc : memref<!tpu.dma_semaphore, #tpu.memory_space<semaphore_mem>>
          %dma_start3A = arith.constant 0 : i32
          %dma_start3A_78 = arith.constant 0 : i32
          %dma_start3A_79 = tpu.memref_slice %arg9[%dma_start3A, %dma_start3A_78] : memref<10240x128xf32, #tpu.memory_space<vmem_shared>> -> memref<10240x128xf32, #tpu.memory_space<vmem_shared>>
          tpu.enqueue_indirect_dma source(%arg7 : memref<128x128xf32, #tpu.memory_space<vmem>>) target(%dma_start3A_79 : memref<10240x128xf32, #tpu.memory_space<vmem_shared>>) offsets(%arg5 : memref<128xi32, #tpu.memory_space<vmem>>) semaphore(%run_scoped3A : memref<!tpu.dma_semaphore, #tpu.memory_space<semaphore_mem>>) {add = true}
          %dma_wait3A_80 = arith.constant 0 : i32
          %dma_wait3A_81 = arith.constant 0 : i32
          %dma_wait3A_82 = tpu.memref_slice %arg9[%dma_wait3A_80, %dma_wait3A_81] : memref<10240x128xf32, #tpu.memory_space<vmem_shared>> -> memref<10240x128xf32, #tpu.memory_space<vmem_shared>>
          tpu.wait_indirect_dma semaphore(%run_scoped3A : memref<!tpu.dma_semaphore, #tpu.memory_space<semaphore_mem>>) src(%arg7 : memref<128x128xf32, #tpu.memory_space<vmem>>) dst(%dma_wait3A_82 : memref<10240x128xf32, #tpu.memory_space<vmem_shared>>)
          tpu.yield
        }) : () -> ()
      } else {
      }
      %lt3A_69 = arith.constant 1250 : i32
      %lt3A_70 = arith.cmpi slt, %add3A_56, %lt3A_69 : i32
      %convert_element_type3A_71 = arith.extui %lt3A_70 : i1 to i32
      %cond3A_72 = arith.constant 0 : i32
      %cond3A_73 = arith.cmpi ne, %convert_element_type3A_71, %cond3A_72 : i32
      scf.if %cond3A_73 {
        %mul3A_75 = arith.constant 128 : i32
        %mul3A_76 = arith.muli %add3A_56, %mul3A_75 : i32
        %dma_wait3A = tpu.memref_slice %arg2[%mul3A_76, %mul3A_0] : memref<160000x256xf32, #tpu.memory_space<hbm>> -> memref<128x128xf32, #tpu.memory_space<hbm>>
        %dma_wait3A_77 = tpu.memref_slice %arg2[%mul3A_76, %mul3A_0] : memref<160000x256xf32, #tpu.memory_space<hbm>> -> memref<128x128xf32, #tpu.memory_space<hbm>>
        tpu.wait_dma2 semaphore(%arg11 : memref<!tpu.dma_semaphore, #tpu.memory_space<semaphore_mem>>) src(%dma_wait3A_77 : memref<128x128xf32, #tpu.memory_space<hbm>>) dst(%arg8 : memref<128x128xf32, #tpu.memory_space<vmem>>)
        "tpu.region"() ({
          %run_scoped3A = tpu.sem_alloc : memref<!tpu.dma_semaphore, #tpu.memory_space<semaphore_mem>>
          %dma_start3A = arith.constant 0 : i32
          %dma_start3A_78 = arith.constant 0 : i32
          %dma_start3A_79 = tpu.memref_slice %arg9[%dma_start3A, %dma_start3A_78] : memref<10240x128xf32, #tpu.memory_space<vmem_shared>> -> memref<10240x128xf32, #tpu.memory_space<vmem_shared>>
          tpu.enqueue_indirect_dma source(%arg8 : memref<128x128xf32, #tpu.memory_space<vmem>>) target(%dma_start3A_79 : memref<10240x128xf32, #tpu.memory_space<vmem_shared>>) offsets(%arg6 : memref<128xi32, #tpu.memory_space<vmem>>) semaphore(%run_scoped3A : memref<!tpu.dma_semaphore, #tpu.memory_space<semaphore_mem>>) {add = true}
          %dma_wait3A_80 = arith.constant 0 : i32
          %dma_wait3A_81 = arith.constant 0 : i32
          %dma_wait3A_82 = tpu.memref_slice %arg9[%dma_wait3A_80, %dma_wait3A_81] : memref<10240x128xf32, #tpu.memory_space<vmem_shared>> -> memref<10240x128xf32, #tpu.memory_space<vmem_shared>>
          tpu.wait_indirect_dma semaphore(%run_scoped3A : memref<!tpu.dma_semaphore, #tpu.memory_space<semaphore_mem>>) src(%arg8 : memref<128x128xf32, #tpu.memory_space<vmem>>) dst(%dma_wait3A_82 : memref<10240x128xf32, #tpu.memory_space<vmem_shared>>)
          tpu.yield
        }) : () -> ()
      } else {
      }
      %while3A_74 = arith.constant 0 : i64
      scf.yield %while3A_74 : i64
    }
    %barrier3A_39 = arith.constant 0 : index
    tpu.barrier barrier_id(%barrier3A_39)
    %mul3A_40 = arith.constant 640 : i32
    %mul3A_41 = arith.muli %arg1, %mul3A_40 : i32
    %mul3A_42 = arith.constant 640 : i32
    %mul3A_43 = arith.muli %arg1, %mul3A_42 : i32
    "tpu.region"() ({
      %run_scoped3A = tpu.sem_alloc : memref<!tpu.dma_semaphore, #tpu.memory_space<semaphore_mem>>
      %dma_start3A = tpu.memref_slice %arg4[%mul3A_43, %mul3A_0] : memref<10240x256xf32, #tpu.memory_space<hbm>> -> memref<640x128xf32, #tpu.memory_space<hbm>>
      %dma_start3A_44 = arith.constant 0 : i32
      %dma_start3A_45 = tpu.memref_slice %arg9[%mul3A_41, %dma_start3A_44] : memref<10240x128xf32, #tpu.memory_space<vmem_shared>> -> memref<640x128xf32, #tpu.memory_space<vmem_shared>>
      tpu.enqueue_dma source(%dma_start3A_45 : memref<640x128xf32, #tpu.memory_space<vmem_shared>>) target(%dma_start3A : memref<640x128xf32, #tpu.memory_space<hbm>>) target_semaphore(%run_scoped3A : memref<!tpu.dma_semaphore, #tpu.memory_space<semaphore_mem>>)
      %dma_wait3A = tpu.memref_slice %arg4[%mul3A_43, %mul3A_0] : memref<10240x256xf32, #tpu.memory_space<hbm>> -> memref<640x128xf32, #tpu.memory_space<hbm>>
      %dma_wait3A_46 = arith.constant 0 : i32
      %dma_wait3A_47 = tpu.memref_slice %arg9[%mul3A_41, %dma_wait3A_46] : memref<10240x128xf32, #tpu.memory_space<vmem_shared>> -> memref<640x128xf32, #tpu.memory_space<vmem_shared>>
      tpu.wait_dma2 semaphore(%run_scoped3A : memref<!tpu.dma_semaphore, #tpu.memory_space<semaphore_mem>>) src(%dma_wait3A_47 : memref<640x128xf32, #tpu.memory_space<vmem_shared>>) dst(%dma_wait3A : memref<640x128xf32, #tpu.memory_space<hbm>>)
      tpu.yield
    }) : () -> ()
    return
  }
}

module attributes {stable_mosaic.version = 14 : i64} {
  func.func @_dot_body(%arg0: i32, %arg1: memref<1x128x256xf32, #tpu.memory_space<vmem>>, %arg2: memref<1x128x256xf32, #tpu.memory_space<vmem>>, %arg3: memref<1x1x128xf32, #tpu.memory_space<vmem>>) attributes {dimension_semantics = [#tpu.dimension_semantics<arbitrary>], iteration_bounds = array<i64: 1250>, scalar_prefetch = 0 : i64, scratch_operands = 0 : i64, tpu.core_type = #tpu.core_type<tc>, window_params = [{transform_indices = @transform_0, window_bounds = array<i64: 1, 128, 256>}, {transform_indices = @transform_1, window_bounds = array<i64: 1, 128, 256>}, {transform_indices = @transform_2, window_bounds = array<i64: 1, 1, 128>}]} {
    %get3A = arith.constant 0 : index
    %get3A_0 = arith.constant 0 : index
    %get3A_1 = arith.constant 0 : index
    %get3A_2 = vector.load %arg1[%get3A, %get3A_0, %get3A_1] : memref<1x128x256xf32, #tpu.memory_space<vmem>>, vector<1x128x256xf32>
    %get3A_3 = arith.constant 0 : index
    %get3A_4 = arith.constant 0 : index
    %get3A_5 = arith.constant 0 : index
    %get3A_6 = vector.load %arg2[%get3A_3, %get3A_4, %get3A_5] : memref<1x128x256xf32, #tpu.memory_space<vmem>>, vector<1x128x256xf32>
    %mul3A = arith.mulf %get3A_2, %get3A_6 : vector<1x128x256xf32>
    %reduce_sum3A = arith.constant dense<0.000000e+00> : vector<1x128xf32>
    %reduce_sum3A_7 = vector.multi_reduction <add>, %mul3A, %reduce_sum3A [2] : vector<1x128x256xf32> to vector<1x128xf32>
    %broadcast_in_dim3A = vector.shape_cast %reduce_sum3A_7 : vector<1x128xf32> to vector<1x128x1xf32>
    %reshape3A = vector.shape_cast %broadcast_in_dim3A : vector<1x128x1xf32> to vector<1x1x128xf32>
    %swap3A = arith.constant 0 : index
    %swap3A_8 = arith.constant 0 : index
    %swap3A_9 = arith.constant 0 : index
    %swap3A_10 = vector.load %arg3[%swap3A, %swap3A_8, %swap3A_9] : memref<1x1x128xf32, #tpu.memory_space<vmem>>, vector<1x1x128xf32>
    tpu.vector_store %arg3[%swap3A, %swap3A_8, %swap3A_9], %reshape3A {strides = array<i32>} : memref<1x1x128xf32, #tpu.memory_space<vmem>>, vector<1x1x128xf32>,
    return
  }
  func.func @transform_0(%arg0: i32) -> (i32, i32, i32) {
    %c0_i32 = arith.constant 0 : i32
    %c0_i32_0 = arith.constant 0 : i32
    %c0_i32_1 = arith.constant 0 : i32
    return %arg0, %c0_i32, %c0_i32_0 : i32, i32, i32
  }
  func.func @transform_1(%arg0: i32) -> (i32, i32, i32) {
    %c0_i32 = arith.constant 0 : i32
    %c0_i32_0 = arith.constant 0 : i32
    %c0_i32_1 = arith.constant 0 : i32
    return %arg0, %c0_i32, %c0_i32_0 : i32, i32, i32
  }
  func.func @transform_2(%arg0: i32) -> (i32, i32, i32) {
    %c0_i32 = arith.constant 0 : i32
    %c0_i32_0 = arith.constant 0 : i32
    %c0_i32_1 = arith.constant 0 : i32
    return %arg0, %c0_i32, %c0_i32_0 : i32, i32, i32
  }
}

module attributes {stable_mosaic.version = 14 : i64} {
  func.func @_mm_body(%arg0: memref<10000x256xf32, #tpu.memory_space<vmem>>, %arg1: memref<256x256xf32, #tpu.memory_space<vmem>>, %arg2: memref<10000x256xf32, #tpu.memory_space<vmem>>) attributes {dimension_semantics = [], scalar_prefetch = 0 : i64, scratch_operands = 0 : i64, tpu.core_type = #tpu.core_type<tc>} {
    %get3A = arith.constant 0 : index
    %get3A_0 = arith.constant 0 : index
    %get3A_1 = vector.load %arg0[%get3A, %get3A_0] : memref<10000x256xf32, #tpu.memory_space<vmem>>, vector<10000x256xf32>
    %get3A_2 = arith.constant 0 : index
    %get3A_3 = arith.constant 0 : index
    %get3A_4 = vector.load %arg1[%get3A_2, %get3A_3] : memref<256x256xf32, #tpu.memory_space<vmem>>, vector<256x256xf32>
    %dot_general3A = arith.constant dense<0.000000e+00> : vector<10000x256xf32>
    %dot_general3A_5 = tpu.matmul %get3A_1, %get3A_4, %dot_general3A {dimension_numbers = #tpu.dot_dimension_numbers<[1], [0], [0], [1], [0, 0, 1, 1], [], []>, transpose_lhs_hint = false} : vector<10000x256xf32>, vector<256x256xf32>, vector<10000x256xf32> -> vector<10000x256xf32>
    %swap3A = arith.constant 0 : index
    %swap3A_6 = arith.constant 0 : index
    %swap3A_7 = vector.load %arg2[%swap3A, %swap3A_6] : memref<10000x256xf32, #tpu.memory_space<vmem>>, vector<10000x256xf32>
    tpu.vector_store %arg2[%swap3A, %swap3A_6], %dot_general3A_5 {strides = array<i32>} : memref<10000x256xf32, #tpu.memory_space<vmem>>, vector<10000x256xf32>,
    return
  }
}

module attributes {stable_mosaic.version = 14 : i64} {
  func.func @_attn_body(%arg0: i32, %arg1: memref<1x128x256xf32, #tpu.memory_space<vmem>>, %arg2: memref<1x1x128xf32, #tpu.memory_space<vmem>>, %arg3: memref<1x128x256xf32, #tpu.memory_space<vmem>>) attributes {dimension_semantics = [#tpu.dimension_semantics<arbitrary>], iteration_bounds = array<i64: 1250>, scalar_prefetch = 0 : i64, scratch_operands = 0 : i64, tpu.core_type = #tpu.core_type<tc>, window_params = [{transform_indices = @transform_0, window_bounds = array<i64: 1, 128, 256>}, {transform_indices = @transform_1, window_bounds = array<i64: 1, 1, 128>}, {transform_indices = @transform_2, window_bounds = array<i64: 1, 128, 256>}]} {
    %get3A = arith.constant 0 : index
    %get3A_0 = arith.constant 0 : index
    %get3A_1 = arith.constant 0 : index
    %get3A_2 = vector.load %arg1[%get3A, %get3A_0, %get3A_1] : memref<1x128x256xf32, #tpu.memory_space<vmem>>, vector<1x128x256xf32>
    %get3A_3 = arith.constant 0 : index
    %get3A_4 = arith.constant 0 : index
    %get3A_5 = arith.constant 0 : index
    %get3A_6 = vector.load %arg2[%get3A_3, %get3A_4, %get3A_5] : memref<1x1x128xf32, #tpu.memory_space<vmem>>, vector<1x1x128xf32>
    %reshape3A = vector.shape_cast %get3A_6 : vector<1x1x128xf32> to vector<1x128x1xf32>
    %mul3A = vector.broadcast %reshape3A : vector<1x128x1xf32> to vector<1x128x256xf32>
    %mul3A_7 = arith.mulf %get3A_2, %mul3A : vector<1x128x256xf32>
    %swap3A = arith.constant 0 : index
    %swap3A_8 = arith.constant 0 : index
    %swap3A_9 = arith.constant 0 : index
    %swap3A_10 = vector.load %arg3[%swap3A, %swap3A_8, %swap3A_9] : memref<1x128x256xf32, #tpu.memory_space<vmem>>, vector<1x128x256xf32>
    tpu.vector_store %arg3[%swap3A, %swap3A_8, %swap3A_9], %mul3A_7 {strides = array<i32>} : memref<1x128x256xf32, #tpu.memory_space<vmem>>, vector<1x128x256xf32>,
    return
  }
  func.func @transform_0(%arg0: i32) -> (i32, i32, i32) {
    %c0_i32 = arith.constant 0 : i32
    %c0_i32_0 = arith.constant 0 : i32
    %c0_i32_1 = arith.constant 0 : i32
    return %arg0, %c0_i32, %c0_i32_0 : i32, i32, i32
  }
  func.func @transform_1(%arg0: i32) -> (i32, i32, i32) {
    %c0_i32 = arith.constant 0 : i32
    %c0_i32_0 = arith.constant 0 : i32
    %c0_i32_1 = arith.constant 0 : i32
    return %arg0, %c0_i32, %c0_i32_0 : i32, i32, i32
  }
  func.func @transform_2(%arg0: i32) -> (i32, i32, i32) {
    %c0_i32 = arith.constant 0 : i32
    %c0_i32_0 = arith.constant 0 : i32
    %c0_i32_1 = arith.constant 0 : i32
    return %arg0, %c0_i32, %c0_i32_0 : i32, i32, i32
  }
}

</mosaic_0001>

<sc_bundles>
// kernel: kernel.10.cloned.1.call-start
scs
__scs_entry_jumppad:
0x0: {  	(pc) =	sbr.rel $0x88, $3  }
0x1: {  	(tag) =	ssettag $0x0;
	lr =	simm.s32 $0x1  }
0x2: {  	[smem:$0x3F9E] =	sst lr;
	_ =	strace $0xD0000000  }
0x3: {  	_ = 	snop  }
0x4: {  	_ = 	snop  }
0x5: {  	_ = 	snop  }
0x6: {  	_ = 	snop  }
0x7: {  	_ = 	snop  }
__scs_overlays_trampoline_lowered:
0x8: {  	[smem:$0x3FAD] =	sst s0  }
0x9: {  	[smem:$0x3FAE] =	sst s1  }
0xa: {  	[smem:$0x3FAF] =	sst s2  }
0xb: {  	[smem:$0x3FB0] =	sst s3  }
0xc: {  	[smem:$0x3FB1] =	sst s4  }
0xd: {  	[smem:$0x3FB2] =	sst s5  }
0xe: {  	[smem:$0x3FB3] =	sst s6  }
0xf: {  	[smem:$0x3FB4] =	sst s7  }
0x10: {  	[smem:$0x3FB5] =	sst s8  }
0x11: {  	[smem:$0x3FB6] =	sst s9;
	s0 =	simm.s32 @!p0 $0x0  }
0x12: {  	s1 =	sld [smem:$0x3F9C];
	s0 =	simm.s32 @p0 $0x1  }
0x13: {  	[smem:$0x3FB7] =	sst s0;
	s0 =	simm.s32 @!p1 $0x0  }
0x14: {  	s2 =	sld [smem:$0x3F9B];
	s0 =	simm.s32 @p1 $0x1  }
0x15: {  	[smem:$0x3FB8] =	sst s0;
	s0 =	simm.s32 @!p2 $0x0  }
0x16: {  	s3 =	sld [smem:$0x3FDB];
	s0 =	simm.s32 @p2 $0x1  }
0x17: {  	s4 =	simm.s32 $0x1BF5;
	[smem:$0x3FBA] =	sst s0  }
0x18: {  	s0 =	sld [smem:$0x3F9D];
	_ =	swait.ge [sflag:s4], $0x0  }
0x19: {  	s7 =	sld [smem:$0x3F9E]  }
0x1a: {  	s8 =	sadd.s32 $0xFFFFE003, lr  }
0x1b: {  	s9 =	sadd.s32 $0xFFFFFEF7, lr;
	s5 =	simm.s32 $0xFFFFFFFF;
	p2 =	slt.u32 s8, $0xFFFFF086  }
0x1c: {  	p1 =	slt.u32 s9, $0xF7A;
	s5 =	simm.s32 @!p2 $0x0  }
0x1d: {  	s5 =	simm.s32 @p1 $0x1;
	p0 =	seq.s32 s7, s2  }
0x1e: {  	s7 =	smul.u32 @!p0 $0xF7A, s2;
	p2 =	seq.s32 @!p0 s5, $0x0  }
0x1f: {  	s9 =	smul.u32 $0xF7A, s1;
	s8 =	simm.s32 @!p0 $0x1BF5;
	p2 =	por !p2, p0  }
0x20: {  	[sflag:s8] =	ssyncset.s32 @!p0 $0xFFFFF086;
	s6 =	sadd.s32 @!p0 s3, s7;
	s7 =	simm.s32 @!p0 $0x108  }
0x21: {  	s3 =	sadd.s32 s3, s9;
	s6 =	sadd.s32 @!p0 $0x88, s6;
	s7 =	simm.s32 @p2 $0x1082  }
0x22: {  	[simem:s7], [sflag:s8] =	dma.local @!p0 [hbm:s6], $0xF7A  }
0x23: {  	s9 =	sor.u32 $0xD0000000, s2;
	s6 =	simm.s32 $0x108;
	_ =	swait.ge @!p0 [sflag:s8], $0x0  }
0x24: {  	s3 =	sadd.s32 $0x88, s3;
	s6 =	simm.s32 @!p1 $0x1082;
	[sflag:s4] =	ssyncset.s32 $0xFFFFF086  }
0x25: {  	[simem:s6], [sflag:s4] =	dma.local [hbm:s3], $0xF7A  }
0x26: {  	[smem:$0x3F9E] =	sst s1;
	(tag) =	ssettag s2;
	_ =	strace s9  }
0x27: {  	s1 =	sld [smem:$0x3FAE]  }
0x28: {  	s2 =	sld [smem:$0x3FAF]  }
0x29: {  	s4 =	sld [smem:$0x3FB1]  }
0x2a: {  	p0 =	seq.s32 s5, $0x0;
	s5 =	sld [smem:$0x3FB2]  }
0x2b: {  	s6 =	sld [smem:$0x3FB3]  }
0x2c: {  	s7 =	sld [smem:$0x3FB4]  }
0x2d: {  	s3 =	simm.s32 $0x108;
	s8 =	sld [smem:$0x3FB5]  }
0x2e: {  	s3 =	simm.s32 @!p0 $0x1082;
	s9 =	sld [smem:$0x3FB6]  }
0x2f: {  	lr =	sadd.s32 s0, s3;
	s0 =	sld [smem:$0x3FAD]  }
0x30: {  	s3 =	sld [smem:$0x3FB0]  }
0x31: {  	[smem:$0x3FB9] =	sst s10  }
0x32: {  	s10 =	sld [smem:$0x3FB7];
	_ =	sdelay $0x3  }
0x33: {  	p0 =	seq.s32 s10, $0x1;
	s10 =	sld [smem:$0x3FB9];
	_ =	sdelay $0x3  }
0x34: {  	[smem:$0x3FB9] =	sst s10  }
0x35: {  	s10 =	sld [smem:$0x3FB8];
	_ =	sdelay $0x3  }
0x36: {  	p1 =	seq.s32 s10, $0x1;
	s10 =	sld [smem:$0x3FB9];
	_ =	sdelay $0x3  }
0x37: {  	[smem:$0x3FB9] =	sst s10  }
0x38: {  	s10 =	sld [smem:$0x3FBA]  }
0x39: {  	_ = 	snop;
	(pc) =	sbr.ind lr, $3  }
0x3a: {  	_ = 	snop  }
0x3b: {  	_ = 	snop  }
0x3c: {  	p2 =	seq.s32 s10, $0x1;
	s10 =	sld [smem:$0x3FB9]  }
0x3d: {  	_ =	shalt  }
0x3e: {  	_ =	shalt  }
0x3f: {  	_ =	shalt  }
0x40: {  	_ =	shalt  }
0x41: {  	_ =	shalt  }
0x42: {  	_ =	shalt  }
0x43: {  	_ =	shalt  }
0x44: {  	_ =	shalt  }
0x45: {  	_ =	shalt  }
0x46: {  	_ =	shalt  }
0x47: {  	_ =	shalt  }
0x48: {  	_ =	shalt  }
0x49: {  	_ =	shalt  }
0x4a: {  	_ =	shalt  }
0x4b: {  	_ =	shalt  }
0x4c: {  	_ =	shalt  }
0x4d: {  	_ =	shalt  }
0x4e: {  	_ =	shalt  }
0x4f: {  	_ =	shalt  }
0x50: {  	_ =	shalt  }
0x51: {  	_ =	shalt  }
0x52: {  	_ =	shalt  }
0x53: {  	_ =	shalt  }
0x54: {  	_ =	shalt  }
0x55: {  	_ =	shalt  }
0x56: {  	_ =	shalt  }
0x57: {  	_ =	shalt  }
0x58: {  	_ =	shalt  }
0x59: {  	_ =	shalt  }
0x5a: {  	_ =	shalt  }
0x5b: {  	_ =	shalt  }
0x5c: {  	_ =	shalt  }
0x5d: {  	_ =	shalt  }
0x5e: {  	_ =	shalt  }
0x5f: {  	_ =	shalt  }
0x60: {  	_ =	shalt  }
0x61: {  	_ =	shalt  }
0x62: {  	_ =	shalt  }
0x63: {  	_ =	shalt  }
0x64: {  	_ =	shalt  }
0x65: {  	_ =	shalt  }
0x66: {  	_ =	shalt  }
0x67: {  	_ =	shalt  }
0x68: {  	_ =	shalt  }
0x69: {  	_ =	shalt  }
0x6a: {  	_ =	shalt  }
0x6b: {  	_ =	shalt  }
0x6c: {  	_ =	shalt  }
0x6d: {  	_ =	shalt  }
0x6e: {  	_ =	shalt  }
0x6f: {  	_ =	shalt  }
0x70: {  	_ =	shalt  }
0x71: {  	_ =	shalt  }
0x72: {  	_ =	shalt  }
0x73: {  	_ =	shalt  }
0x74: {  	_ =	shalt  }
0x75: {  	_ =	shalt  }
0x76: {  	_ =	shalt  }
0x77: {  	_ =	shalt  }
0x78: {  	_ =	shalt  }
0x79: {  	_ =	shalt  }
0x7a: {  	_ =	shalt  }
0x7b: {  	_ =	shalt  }
0x7c: {  	_ =	shalt  }
0x7d: {  	_ =	shalt  }
0x7e: {  	_ =	shalt  }
0x7f: {  	_ =	shalt  }
0x80: {  	_ =	shalt  }
0x81: {  	_ =	shalt  }
0x82: {  	_ =	shalt  }
0x83: {  	_ =	shalt  }
0x84: {  	_ =	shalt  }
0x85: {  	_ =	shalt  }
0x86: {  	_ =	shalt  }
0x87: {  	_ =	shalt  }
.Lfunc_end0:
.L_simem_size_0:
called_computation_lowered:
.L_overlay_start_0:
0x88: {  	s2 =	sld [smem:$0x3FD9]  }
0x89: {  	s3 =	sld [smem:$0x3FFE];
	_ =	sdelay $0x1  }
0x8a: {  	s1 =	srdreg.scid  }
0x8b: {  	s0 =	sand.u32 $0x1, s1  }
0x8c: {  	s17 =	sshll.u32 s0, $0xA;
	s2 =	sadd.s32 s3, s2  }
0x8d: {  	s2 =	sadd.s32 s2, s17  }
0x8e: {  	[smem:$0x3FC5] =	sst s2  }
0x8f: {  	_ = 	snop  }
0x90: {  	s2 =	sld [smem:$0x3FD0];
	(tm) =	ssettm $0x1  }
0x91: {  	s18 =	sld [smem:$0x3FFB];
	_ =	sdelay $0x3  }
0x92: {  	_ =	strace s18  }
0x93: {  	s3 =	sld [smem:$0x3FFC];
	_ =	sdelay $0x3  }
0x94: {  	_ =	strace s3  }
0x95: {  	s3 =	sld [smem:$0x3FFD];
	_ =	sdelay $0x3  }
0x96: {  	_ =	strace s3  }
0x97: {  	_ =	strace $0x8FFFFFFF  }
0x98: {  	s19 =	sld [smem:$0x3FDB];
	_ =	sdelay $0x1  }
0x99: {  	s4 =	simm.s32 $_scs_section_size  }
0x9a: {  	s5 =	simm.s32 $_size__tile_overlayer_lowered;
	s6 =	simm.s32 $_tile_overlayer_lowered  }
0x9b: {  	s22 =	simm.s32 $0x1BFF;
	s21 =	sshll.u32 s6, $0x1;
	s3 =	sadd.s32 s4, s19  }
0x9c: {  	s7 =	simm.s32 $0x0;
	s20 =	sshll.u32 s5, $0x1;
	s5 =	sadd.s32 s21, s3  }
0x9d: {  	[timem:s7], [sflag:s22] =	dma.local [hbm:s5], s20  }
0x9e: {  	_ =	swait.ge [sflag:s22], s20  }
0x9f: {  	s4 =	ssub.s32 $0x0, s20;
	[sflag:s22] =	ssyncset.done $0x0  }
0xa0: {  	[sflag:s22] =	ssyncadd.s32 s4;
	_ =	sdelay $0x1  }
0xa1: {  	s23 =	simm.s32 $0x1B8B  }
0xa2: {  	_ =	swait.ge [sflag:s23], $0x1  }
0xa3: {  	[sflag:s23] =	ssyncset.done $0x0  }
0xa4: {  	s25 =	simm.s32 $0x1B8E;
	s24 =	sld [smem:$0x3FFE];
	[sflag:s23] =	ssyncadd.s32 $0xFFFFFFFF  }
0xa5: {  	s26 =	simm.s32 $execute0_lowered;
	[smem:$0x3FD2] =	sst s25  }
0xa6: {  	s5 =	sshll.u32 s26, $0x1;
	_ =	strace $0x80000046;
	[dreg:$0x1] =	wrdreg $0xFFFFFFFF  }
0xa7: {  	s28 =	simm.s32 $_size_execute0_lowered;
	s3 =	sadd.s32 s3, s5;
	[dreg:$0x0] =	wrdreg $0x0  }
0xa8: {  	s5 =	sshll.u32 s28, $0x1;
	[dreg:$0x2] =	wrdreg s3  }
0xa9: {  	[dreg:$0x3] =	wrdreg s5  }
0xaa: {  	[dreg:$0x4] =	wrdreg $0xC0  }
0xab: {  	_ =	task [dreg:s7], $0x5FFFF  }
0xac: {  	[dreg:$0x1] =	wrdreg $0xFFFFFFFF  }
0xad: {  	[dreg:$0x0] =	wrdreg $0x60  }
0xae: {  	[dreg:$0x2] =	wrdreg s2  }
0xaf: {  	[dreg:$0x3] =	wrdreg s24  }
0xb0: {  	[dreg:$0x4] =	wrdreg $0x9  }
0xb1: {  	_ =	task.clear_ibuf [dreg:s7], $0x5FFFF;
	_ =	strace $0x90000046  }
0xb2: {  	s29 =	simm.s32 $0x9;
	_ =	strace $0x80000048  }
0xb3: {  	_ =	swait.ge [sflag:s29], $0x1  }
0xb4: {  	[sflag:s29] =	ssyncadd.s32 $0xFFFFFFFF  }
0xb5: {  	_ =	strace $0x90000048  }
0xb6: {  	_ =	sfence  }
0xb7: {  	s30 =	sld [smem:$0x0];
	_ =	sdelay $0x2  }
0xb8: {  	s31 =	sshll.u32 s1, $0xD;
	s1 =	sshrl.u32 s1, $0x2  }
0xb9: {  	s3 =	sand.u32 $0x4000, s31;
	s1 =	sadd.s32 s1, s30  }
0xba: {  	s0 =	sor.u32 s3, s0;
	s1 =	sshll.u32 s1, $0x11  }
0xbb: {  	s0 =	sor.u32 s1, s0  }
0xbc: {  	s0 =	sadd.s32 $0x8F2B, s0  }
0xbd: {  	[sflag:s0] =	ssyncadd.remote.s32 $0x1  }
0xbe: {  	_ =	sfence.sel $0xFFFF  }
0xbf: {  	[dreg:$0x0] =	wrdreg $0xFFFFFFFF;
	(pc) =	sbr.abs _section_cstart, $3  }
0xc0: {  	[dreg:$0x1] =	wrdreg $0xFFFFFFFF  }
0xc1: {  	_ =	task.clear_ibuf [dreg:s7], $0x2FFFF;
	_ =	strace $0x9FFFFFFF  }
0xc2: {  	(tm) =	ssettm $0x7FFFFFFF  }
0xc3: {  	_ =	shalt  }
tec
execute0_lowered:
.L_overlay_start_1:
0x0: {  	(tag) =	ssettag $0x1  }
0x1: {  	s1 =	rddreg [dreg:$0x0]  }
0x2: {  	s0 =	rddreg [dreg:$0x1];
	s3 =	simm.s32 $0x0;
	s2 =	srdreg.scid  }
0x3: {  	s8 =	stileid.u32;
	s9 =	simm.s32 $0x100;
	s10 =	simm.s32 $0x900  }
0x4: {  	s11 =	simm.s32 $0x1100;
	s12 =	simm.s32 $0x1900;
	s13 =	simm.s32 $0x2100  }
0x5: {  	s14 =	simm.s32 $0x2900;
	s15 =	simm.s32 $0x3100;
	s16 =	simm.s32 $0x3900  }
0x6: {  	s17 =	simm.s32 $0x4100;
	s18 =	simm.s32 $0x4900;
	s19 =	simm.s32 $0x5100  }
0x7: {  	s20 =	simm.s32 $0x5900;
	s21 =	simm.s32 $0x6100;
	s28 =	simm.s32 $0xE100  }
0x8: {  	s29 =	simm.s32 $0xE900;
	s30 =	simm.s32 $0xF100;
	s31 =	simm.s32 $0xF900  }
0x9: {  	[smem:$0x7FF] =	sst s3;
	s2 =	sand.u32 $0x1, s2;
	s4 =	sshll.u32 s8, $0x5  }
0xa: {  	s6 =	sshll.u32 s8, $0xD;
	s22 =	sshll.u32 s8, $0x1;
	s8 =	simm.s32 $0x4  }
0xb: {  	_ =	strace $0x80000047;
	s5 =	ssub.s32 $0x2, s2;
	s4 =	sadd.s32 s4, s0  }
0xc: {  	s0 =	sadd.s32 s6, s0;
	s23 =	sshll.u32 s2, $0xC;
	s24 =	sshll.u32 s2, $0x4  }
0xd: {  	s2 =	sor.u32 s2, s22;
	s22 =	simm.s32 $0x6900;
	s7 =	sshrl.u32 s5, $0x1  }
.Ltmp0:
0xe: {  	s0 =	sadd.s32 s23, s0;
	s4 =	sadd.s32 s24, s4;
	(pc) =	sbr.rel .LBB2_1-.Ltmp0, $4  }
0xf: {  	s26 =	sor.u32 $0x20, s2;
	s23 =	simm.s32 $0x7100;
	s24 =	simm.s32 $0x7900  }
0x10: {  	v2 =	vlaneseq.u32;
	s5 =	ssub.s32 s5, s7;
	s25 =	sadd.s32 $0x1000, s4;
	[dreg:$0x5] =	wrdreg s26  }
0x11: {  	vm0 =	vmmov $0xffff;
	v1 =	vshrl.u32 v2, $0x3;
	s4 =	simm.s32 $0x0;
	s5 =	smax.u32 s5, $0x1;
	[dreg:$0x4] =	wrdreg s25  }
0x12: {  	v0 =	vand.u32 $0x7, v2;
	v2 =	vor.u32 $0x8, v2;
	v1 =	vmul.u32 $0x8, v1;
	[dreg:$0x3] =	wrdreg s5;
	s5 =	sadd.s32 $0xB000, s0;
	s0 =	simm.s32 $0x1  }
.LBB2_5:
0x13: {  	s4 =	rddreg [dreg:$0x6]  }
0x14: {  	s2 =	rddreg [dreg:$0x3];
	s4 =	sadd.s32 $0x1, s4  }
0x15: {  	p0 =	sne.s32 s4, s2  }
.Ltmp1:
0x16: {  	_ = 	snop;
	(pc) =	sbr.rel @!p0 .LBB2_6-.Ltmp1, $1  }
0x17: {  	_ =	sdelay $0x3  }
.LBB2_1:
.Ltmp2:
0x18: {  	(pc) =	sbr.rel .LBB2_2-.Ltmp2, $4  }
0x19: {  	_ = 	snop  }
0x1a: {  	[dreg:$0x6] =	wrdreg s4  }
0x1b: {  	s2 =	rddreg [dreg:$0x5]  }
0x1c: {  	s4 =	rddreg [dreg:$0x4];
	s6 =	simm.s32 $0x0  }
.LBB2_4:
0x1d: {  	_ =	swait.ge [sflag:s0], $0x8000  }
0x1e: {  	[sflag:s0] =	ssyncset.done $0x0  }
0x1f: {  	s7 =	sadd.s32 s6, s5;
	[sflag:s0] =	ssyncadd.s32 $0xFFFF8000  }
0x20: {  	[hbm4b:s7+s3] =	stream.linear.scatter [tilespmem:s9], [sflag:$0x4], $0x8000, $0x38;
	[tilespmem:$0x10100] =	vst v63  }
0x21: {  	_ =	swait.ge [sflag:s8], $0x8000  }
0x22: {  	[sflag:s8] =	ssyncset.done $0x0  }
0x23: {  	s7 =	simm.s32 @!p0 $0x2;
	[sflag:s8] =	ssyncadd.s32 $0xFFFF8000  }
0x24: {  	_ =	swait.ge @!p0 [sflag:s7], $0x8000  }
0x25: {  	s25 =	simm.s32 @!p0 $0x0;
	[sflag:s7] =	ssyncset.done @!p0 $0x0  }
0x26: {  	[sflag:s7] =	ssyncadd.s32 @!p0 $0xFFFF8000;
	s7 =	sadd.s32 @!p0 s6, s5;
	s6 =	sadd.s32 $0x40000, s6  }
0x27: {  	s26 =	simm.s32 @!p0 $0x8100;
	s7 =	sadd.s32 @!p0 $0x20000, s7;
	p1 =	sne.s32 s6, $0x500000  }
0x28: {  	[hbm4b:s7+s25] =	stream.linear.scatter @!p0 [tilespmem:s26], [sflag:$0x3], $0x8000, $0x38;
	[tilespmem:$0x10100] =	vst v63  }
.Ltmp3:
0x29: {  	_ = 	snop;
	(pc) =	sbr.rel @!p1 .LBB2_5-.Ltmp3, $4  }
0x2a: {  	s7 =	simm.s32 @!p0 $0x3  }
0x2b: {  	_ =	swait.ge @!p0 [sflag:s7], $0x8000  }
0x2c: {  	[sflag:s7] =	ssyncset.done @!p0 $0x0  }
0x2d: {  	s4 =	sadd.s32 $0x400, s4;
	s2 =	sadd.s32 $0x40, s2;
	[sflag:s7] =	ssyncadd.s32 @!p0 $0xFFFF8000  }
.LBB2_2:
0x2e: {  	[tilespmem:s3], [sflag:$0x4] =	stream.linear.gather [hbm4b:s4+s3], $0x80, $0x38;
	[tilespmem:$0x10100] =	vst v63  }
0x2f: {  	_ =	swait.ge [sflag:s8], $0x80  }
0x30: {  	[sflag:s8] =	ssyncset.done $0x0  }
0x31: {  	[sflag:s8] =	ssyncadd.s32 $0xFFFFFF80  }
0x32: {  	v3 =	vld [tilespmem:$0x0];
	_ =	sdelay $0x4  }
0x33: {  	v4 =	vshll.u32 v3, $0x1  }
0x34: {  	v3 =	vand.u32 $0x7, v3;
	v4 =	vand.u32 $0xFFFFFFF0, v4  }
0x35: {  	v3 =	vor.u32 v3, v4  }
0x36: {  	v4 =	vperm.xlane v3, v0;
	_ =	sdelay $0x1  }
0x37: {  	v3 =	vperm.xlane v3, v2;
	v4 =	vadd.s32 v1, v4;
	_ =	sdelay $0x1  }
0x38: {  	v3 =	vadd.s32 v1, v3;
	_ =	sdelay $0x2  }
0x39: {  	[tilespmem:s9], [sflag:$0x1] =	stream.indirect_vreg.gather [hbm4b:s1+s3], $0x80, v4, vm0, $0xb8;
	[tilespmem:$0x10100] =	vst v63  }
0x3a: {  	_ = 	snop  }
0x3b: {  	[tilespmem:s10], [sflag:$0x1] =	stream.indirect_vreg.gather [hbm4b:s1+s3], $0x80, v3, vm0, $0xb8;
	[tilespmem:$0x10100] =	vst v63  }
0x3c: {  	v3 =	vld [tilespmem:$0x10];
	_ =	sdelay $0x4  }
0x3d: {  	v57 =	vshll.u32 v3, $0x1  }
0x3e: {  	v3 =	vand.u32 $0x7, v3;
	v4 =	vand.u32 $0xFFFFFFF0, v57  }
0x3f: {  	v3 =	vor.u32 v3, v4  }
0x40: {  	v4 =	vperm.xlane v3, v0;
	_ =	sdelay $0x1  }
0x41: {  	v3 =	vperm.xlane v3, v2;
	v4 =	vadd.s32 v1, v4;
	_ =	sdelay $0x1  }
0x42: {  	v3 =	vadd.s32 v1, v3;
	_ =	sdelay $0x2  }
0x43: {  	[tilespmem:s11], [sflag:$0x1] =	stream.indirect_vreg.gather [hbm4b:s1+s3], $0x80, v4, vm0, $0xb8;
	[tilespmem:$0x10100] =	vst v63  }
0x44: {  	_ = 	snop  }
0x45: {  	[tilespmem:s12], [sflag:$0x1] =	stream.indirect_vreg.gather [hbm4b:s1+s3], $0x80, v3, vm0, $0xb8;
	[tilespmem:$0x10100] =	vst v63  }
0x46: {  	v3 =	vld [tilespmem:$0x20];
	_ =	sdelay $0x4  }
0x47: {  	v58 =	vshll.u32 v3, $0x1  }
0x48: {  	v3 =	vand.u32 $0x7, v3;
	v4 =	vand.u32 $0xFFFFFFF0, v58  }
0x49: {  	v3 =	vor.u32 v3, v4  }
0x4a: {  	v4 =	vperm.xlane v3, v0;
	_ =	sdelay $0x1  }
0x4b: {  	v3 =	vperm.xlane v3, v2;
	v4 =	vadd.s32 v1, v4;
	_ =	sdelay $0x1  }
0x4c: {  	v3 =	vadd.s32 v1, v3;
	_ =	sdelay $0x2  }
0x4d: {  	[tilespmem:s13], [sflag:$0x1] =	stream.indirect_vreg.gather [hbm4b:s1+s3], $0x80, v4, vm0, $0xb8;
	[tilespmem:$0x10100] =	vst v63  }
0x4e: {  	_ = 	snop  }
0x4f: {  	[tilespmem:s14], [sflag:$0x1] =	stream.indirect_vreg.gather [hbm4b:s1+s3], $0x80, v3, vm0, $0xb8;
	[tilespmem:$0x10100] =	vst v63  }
0x50: {  	v3 =	vld [tilespmem:$0x30];
	_ =	sdelay $0x4  }
0x51: {  	v59 =	vshll.u32 v3, $0x1  }
0x52: {  	v3 =	vand.u32 $0x7, v3;
	v4 =	vand.u32 $0xFFFFFFF0, v59  }
0x53: {  	v3 =	vor.u32 v3, v4  }
0x54: {  	v4 =	vperm.xlane v3, v0;
	_ =	sdelay $0x1  }
0x55: {  	v3 =	vperm.xlane v3, v2;
	v4 =	vadd.s32 v1, v4;
	_ =	sdelay $0x1  }
0x56: {  	v3 =	vadd.s32 v1, v3;
	_ =	sdelay $0x2  }
0x57: {  	[tilespmem:s15], [sflag:$0x1] =	stream.indirect_vreg.gather [hbm4b:s1+s3], $0x80, v4, vm0, $0xb8;
	[tilespmem:$0x10100] =	vst v63  }
0x58: {  	_ = 	snop  }
0x59: {  	[tilespmem:s16], [sflag:$0x1] =	stream.indirect_vreg.gather [hbm4b:s1+s3], $0x80, v3, vm0, $0xb8;
	[tilespmem:$0x10100] =	vst v63  }
0x5a: {  	v3 =	vld [tilespmem:$0x40];
	_ =	sdelay $0x4  }
0x5b: {  	v60 =	vshll.u32 v3, $0x1  }
0x5c: {  	v3 =	vand.u32 $0x7, v3;
	v4 =	vand.u32 $0xFFFFFFF0, v60  }
0x5d: {  	v3 =	vor.u32 v3, v4  }
0x5e: {  	v4 =	vperm.xlane v3, v0;
	_ =	sdelay $0x1  }
0x5f: {  	v3 =	vperm.xlane v3, v2;
	v4 =	vadd.s32 v1, v4;
	_ =	sdelay $0x1  }
0x60: {  	v3 =	vadd.s32 v1, v3;
	_ =	sdelay $0x2  }
0x61: {  	[tilespmem:s17], [sflag:$0x1] =	stream.indirect_vreg.gather [hbm4b:s1+s3], $0x80, v4, vm0, $0xb8;
	[tilespmem:$0x10100] =	vst v63  }
0x62: {  	_ = 	snop  }
0x63: {  	[tilespmem:s18], [sflag:$0x1] =	stream.indirect_vreg.gather [hbm4b:s1+s3], $0x80, v3, vm0, $0xb8;
	[tilespmem:$0x10100] =	vst v63  }
0x64: {  	v3 =	vld [tilespmem:$0x50];
	_ =	sdelay $0x4  }
0x65: {  	v61 =	vshll.u32 v3, $0x1  }
0x66: {  	v3 =	vand.u32 $0x7, v3;
	v4 =	vand.u32 $0xFFFFFFF0, v61  }
0x67: {  	v3 =	vor.u32 v3, v4  }
0x68: {  	v4 =	vperm.xlane v3, v0;
	_ =	sdelay $0x1  }
0x69: {  	v3 =	vperm.xlane v3, v2;
	v4 =	vadd.s32 v1, v4;
	_ =	sdelay $0x1  }
0x6a: {  	v3 =	vadd.s32 v1, v3;
	_ =	sdelay $0x2  }
0x6b: {  	[tilespmem:s19], [sflag:$0x1] =	stream.indirect_vreg.gather [hbm4b:s1+s3], $0x80, v4, vm0, $0xb8;
	[tilespmem:$0x10100] =	vst v63  }
0x6c: {  	_ = 	snop  }
0x6d: {  	[tilespmem:s20], [sflag:$0x1] =	stream.indirect_vreg.gather [hbm4b:s1+s3], $0x80, v3, vm0, $0xb8;
	[tilespmem:$0x10100] =	vst v63  }
0x6e: {  	v3 =	vld [tilespmem:$0x60];
	_ =	sdelay $0x4  }
0x6f: {  	v62 =	vshll.u32 v3, $0x1  }
0x70: {  	v3 =	vand.u32 $0x7, v3;
	v4 =	vand.u32 $0xFFFFFFF0, v62  }
0x71: {  	v3 =	vor.u32 v3, v4  }
0x72: {  	v4 =	vperm.xlane v3, v0;
	_ =	sdelay $0x1  }
0x73: {  	v3 =	vperm.xlane v3, v2;
	v4 =	vadd.s32 v1, v4;
	_ =	sdelay $0x1  }
0x74: {  	v3 =	vadd.s32 v1, v3;
	_ =	sdelay $0x2  }
0x75: {  	[tilespmem:s21], [sflag:$0x1] =	stream.indirect_vreg.gather [hbm4b:s1+s3], $0x80, v4, vm0, $0xb8;
	[tilespmem:$0x10100] =	vst v63  }
0x76: {  	_ = 	snop  }
0x77: {  	[tilespmem:s22], [sflag:$0x1] =	stream.indirect_vreg.gather [hbm4b:s1+s3], $0x80, v3, vm0, $0xb8;
	[tilespmem:$0x10100] =	vst v63  }
0x78: {  	v3 =	vld [tilespmem:$0x70];
	_ =	sdelay $0x4  }
0x79: {  	v63 =	vshll.u32 v3, $0x1  }
0x7a: {  	v3 =	vand.u32 $0x7, v3;
	v4 =	vand.u32 $0xFFFFFFF0, v63  }
0x7b: {  	v3 =	vor.u32 v3, v4  }
0x7c: {  	v4 =	vperm.xlane v3, v0;
	_ =	sdelay $0x1  }
0x7d: {  	v3 =	vperm.xlane v3, v2;
	v4 =	vadd.s32 v1, v4;
	_ =	sdelay $0x1  }
0x7e: {  	p0 =	sgt.u32 s2, $0x4E1;
	v3 =	vadd.s32 v1, v3  }
.Ltmp4:
0x7f: {  	_ = 	snop;
	(pc) =	sbr.rel @p0 .LBB2_4-.Ltmp4, $4  }
0x80: {  	_ = 	snop  }
0x81: {  	[tilespmem:s23], [sflag:$0x1] =	stream.indirect_vreg.gather [hbm4b:s1+s3], $0x80, v4, vm0, $0xb8;
	[tilespmem:$0x10100] =	vst v63  }
0x82: {  	_ = 	snop  }
0x83: {  	[tilespmem:s24], [sflag:$0x1] =	stream.indirect_vreg.gather [hbm4b:s1+s3], $0x80, v3, vm0, $0xb8;
	[tilespmem:$0x10100] =	vst v63  }
0x84: {  	s7 =	sadd.s32 $0x200, s4;
	s25 =	simm.s32 $0x80  }
0x85: {  	[tilespmem:s25], [sflag:$0x4] =	stream.linear.gather [hbm4b:s7+s3], $0x80, $0x38;
	[tilespmem:$0x10100] =	vst v63  }
0x86: {  	_ =	swait.ge [sflag:s8], $0x80  }
0x87: {  	[sflag:s8] =	ssyncset.done $0x0  }
0x88: {  	[sflag:s8] =	ssyncadd.s32 $0xFFFFFF80  }
0x89: {  	v3 =	vld [tilespmem:$0x80];
	_ =	sdelay $0x4  }
0x8a: {  	v4 =	vshll.u32 v3, $0x1  }
0x8b: {  	v3 =	vand.u32 $0x7, v3;
	v4 =	vand.u32 $0xFFFFFFF0, v4  }
0x8c: {  	v3 =	vor.u32 v3, v4  }
0x8d: {  	v4 =	vperm.xlane v3, v0;
	_ =	sdelay $0x1  }
0x8e: {  	v3 =	vperm.xlane v3, v2;
	v4 =	vadd.s32 v1, v4;
	_ =	sdelay $0x1  }
0x8f: {  	v3 =	vadd.s32 v1, v3;
	_ =	sdelay $0x1  }
0x90: {  	s25 =	simm.s32 $0x8100  }
0x91: {  	[tilespmem:s25], [sflag:$0x2] =	stream.indirect_vreg.gather [hbm4b:s1+s3], $0x80, v4, vm0, $0xb8;
	[tilespmem:$0x10100] =	vst v63  }
0x92: {  	s26 =	simm.s32 $0x8900  }
0x93: {  	[tilespmem:s26], [sflag:$0x2] =	stream.indirect_vreg.gather [hbm4b:s1+s3], $0x80, v3, vm0, $0xb8;
	[tilespmem:$0x10100] =	vst v63  }
0x94: {  	v3 =	vld [tilespmem:$0x90];
	_ =	sdelay $0x4  }
0x95: {  	v57 =	vshll.u32 v3, $0x1  }
0x96: {  	v3 =	vand.u32 $0x7, v3;
	v4 =	vand.u32 $0xFFFFFFF0, v57  }
0x97: {  	v3 =	vor.u32 v3, v4  }
0x98: {  	v4 =	vperm.xlane v3, v0;
	_ =	sdelay $0x1  }
0x99: {  	v3 =	vperm.xlane v3, v2;
	v4 =	vadd.s32 v1, v4;
	_ =	sdelay $0x1  }
0x9a: {  	v3 =	vadd.s32 v1, v3;
	_ =	sdelay $0x1  }
0x9b: {  	s25 =	simm.s32 $0x9100  }
0x9c: {  	[tilespmem:s25], [sflag:$0x2] =	stream.indirect_vreg.gather [hbm4b:s1+s3], $0x80, v4, vm0, $0xb8;
	[tilespmem:$0x10100] =	vst v63  }
0x9d: {  	s26 =	simm.s32 $0x9900  }
0x9e: {  	[tilespmem:s26], [sflag:$0x2] =	stream.indirect_vreg.gather [hbm4b:s1+s3], $0x80, v3, vm0, $0xb8;
	[tilespmem:$0x10100] =	vst v63  }
0x9f: {  	v3 =	vld [tilespmem:$0xA0];
	_ =	sdelay $0x4  }
0xa0: {  	v58 =	vshll.u32 v3, $0x1  }
0xa1: {  	v3 =	vand.u32 $0x7, v3;
	v4 =	vand.u32 $0xFFFFFFF0, v58  }
0xa2: {  	v3 =	vor.u32 v3, v4  }
0xa3: {  	v4 =	vperm.xlane v3, v0;
	_ =	sdelay $0x1  }
0xa4: {  	v3 =	vperm.xlane v3, v2;
	v4 =	vadd.s32 v1, v4;
	_ =	sdelay $0x1  }
0xa5: {  	v3 =	vadd.s32 v1, v3;
	_ =	sdelay $0x1  }
0xa6: {  	s25 =	simm.s32 $0xA100  }
0xa7: {  	[tilespmem:s25], [sflag:$0x2] =	stream.indirect_vreg.gather [hbm4b:s1+s3], $0x80, v4, vm0, $0xb8;
	[tilespmem:$0x10100] =	vst v63  }
0xa8: {  	s26 =	simm.s32 $0xA900  }
0xa9: {  	[tilespmem:s26], [sflag:$0x2] =	stream.indirect_vreg.gather [hbm4b:s1+s3], $0x80, v3, vm0, $0xb8;
	[tilespmem:$0x10100] =	vst v63  }
0xaa: {  	v3 =	vld [tilespmem:$0xB0];
	_ =	sdelay $0x4  }
0xab: {  	v59 =	vshll.u32 v3, $0x1  }
0xac: {  	v3 =	vand.u32 $0x7, v3;
	v4 =	vand.u32 $0xFFFFFFF0, v59  }
0xad: {  	v3 =	vor.u32 v3, v4  }
0xae: {  	v4 =	vperm.xlane v3, v0;
	_ =	sdelay $0x1  }
0xaf: {  	v3 =	vperm.xlane v3, v2;
	v4 =	vadd.s32 v1, v4;
	_ =	sdelay $0x1  }
0xb0: {  	v3 =	vadd.s32 v1, v3;
	_ =	sdelay $0x1  }
0xb1: {  	s25 =	simm.s32 $0xB100  }
0xb2: {  	[tilespmem:s25], [sflag:$0x2] =	stream.indirect_vreg.gather [hbm4b:s1+s3], $0x80, v4, vm0, $0xb8;
	[tilespmem:$0x10100] =	vst v63  }
0xb3: {  	s26 =	simm.s32 $0xB900  }
0xb4: {  	[tilespmem:s26], [sflag:$0x2] =	stream.indirect_vreg.gather [hbm4b:s1+s3], $0x80, v3, vm0, $0xb8;
	[tilespmem:$0x10100] =	vst v63  }
0xb5: {  	v3 =	vld [tilespmem:$0xC0];
	_ =	sdelay $0x4  }
0xb6: {  	v60 =	vshll.u32 v3, $0x1  }
0xb7: {  	v3 =	vand.u32 $0x7, v3;
	v4 =	vand.u32 $0xFFFFFFF0, v60  }
0xb8: {  	v3 =	vor.u32 v3, v4  }
0xb9: {  	v4 =	vperm.xlane v3, v0;
	_ =	sdelay $0x1  }
0xba: {  	v3 =	vperm.xlane v3, v2;
	v4 =	vadd.s32 v1, v4;
	_ =	sdelay $0x1  }
0xbb: {  	v3 =	vadd.s32 v1, v3;
	_ =	sdelay $0x1  }
0xbc: {  	s25 =	simm.s32 $0xC100  }
0xbd: {  	[tilespmem:s25], [sflag:$0x2] =	stream.indirect_vreg.gather [hbm4b:s1+s3], $0x80, v4, vm0, $0xb8;
	[tilespmem:$0x10100] =	vst v63  }
0xbe: {  	s26 =	simm.s32 $0xC900  }
0xbf: {  	[tilespmem:s26], [sflag:$0x2] =	stream.indirect_vreg.gather [hbm4b:s1+s3], $0x80, v3, vm0, $0xb8;
	[tilespmem:$0x10100] =	vst v63  }
0xc0: {  	v3 =	vld [tilespmem:$0xD0];
	_ =	sdelay $0x4  }
0xc1: {  	v61 =	vshll.u32 v3, $0x1  }
0xc2: {  	v3 =	vand.u32 $0x7, v3;
	v4 =	vand.u32 $0xFFFFFFF0, v61  }
0xc3: {  	v3 =	vor.u32 v3, v4  }
0xc4: {  	v4 =	vperm.xlane v3, v0;
	_ =	sdelay $0x1  }
0xc5: {  	v3 =	vperm.xlane v3, v2;
	v4 =	vadd.s32 v1, v4;
	_ =	sdelay $0x1  }
0xc6: {  	v3 =	vadd.s32 v1, v3;
	_ =	sdelay $0x1  }
0xc7: {  	s25 =	simm.s32 $0xD100  }
0xc8: {  	[tilespmem:s25], [sflag:$0x2] =	stream.indirect_vreg.gather [hbm4b:s1+s3], $0x80, v4, vm0, $0xb8;
	[tilespmem:$0x10100] =	vst v63  }
0xc9: {  	s26 =	simm.s32 $0xD900  }
0xca: {  	[tilespmem:s26], [sflag:$0x2] =	stream.indirect_vreg.gather [hbm4b:s1+s3], $0x80, v3, vm0, $0xb8;
	[tilespmem:$0x10100] =	vst v63  }
0xcb: {  	v3 =	vld [tilespmem:$0xE0];
	_ =	sdelay $0x4  }
0xcc: {  	v62 =	vshll.u32 v3, $0x1  }
0xcd: {  	v3 =	vand.u32 $0x7, v3;
	v4 =	vand.u32 $0xFFFFFFF0, v62  }
0xce: {  	v3 =	vor.u32 v3, v4  }
0xcf: {  	v4 =	vperm.xlane v3, v0;
	_ =	sdelay $0x1  }
0xd0: {  	v3 =	vperm.xlane v3, v2;
	v4 =	vadd.s32 v1, v4;
	_ =	sdelay $0x1  }
0xd1: {  	v3 =	vadd.s32 v1, v3;
	_ =	sdelay $0x2  }
0xd2: {  	[tilespmem:s28], [sflag:$0x2] =	stream.indirect_vreg.gather [hbm4b:s1+s3], $0x80, v4, vm0, $0xb8;
	[tilespmem:$0x10100] =	vst v63  }
0xd3: {  	_ = 	snop  }
0xd4: {  	[tilespmem:s29], [sflag:$0x2] =	stream.indirect_vreg.gather [hbm4b:s1+s3], $0x80, v3, vm0, $0xb8;
	[tilespmem:$0x10100] =	vst v63  }
0xd5: {  	v3 =	vld [tilespmem:$0xF0];
	_ =	sdelay $0x4  }
0xd6: {  	v63 =	vshll.u32 v3, $0x1  }
0xd7: {  	v3 =	vand.u32 $0x7, v3;
	v4 =	vand.u32 $0xFFFFFFF0, v63  }
0xd8: {  	v3 =	vor.u32 v3, v4  }
0xd9: {  	v4 =	vperm.xlane v3, v0;
	_ =	sdelay $0x1  }
0xda: {  	v3 =	vperm.xlane v3, v2;
	v4 =	vadd.s32 v1, v4;
	_ =	sdelay $0x1  }
0xdb: {  	v3 =	vadd.s32 v1, v3  }
.Ltmp5:
0xdc: {  	_ = 	snop;
	(pc) =	sbr.rel .LBB2_4-.Ltmp5, $4  }
0xdd: {  	_ = 	snop  }
0xde: {  	[tilespmem:s30], [sflag:$0x2] =	stream.indirect_vreg.gather [hbm4b:s1+s3], $0x80, v4, vm0, $0xb8;
	[tilespmem:$0x10100] =	vst v63  }
0xdf: {  	_ = 	snop  }
0xe0: {  	[tilespmem:s31], [sflag:$0x2] =	stream.indirect_vreg.gather [hbm4b:s1+s3], $0x80, v3, vm0, $0xb8;
	[tilespmem:$0x10100] =	vst v63  }
.LBB2_6:
0xe1: {  	_ =	sfence.sel $0x180000  }
0xe2: {  	[bflag:$0x0] =	sbarrier.arrive $0xFFFF  }
0xe3: {  	_ =	strace $0x90000047  }
0xe4: {  	s0 =	stileid.u32;
	[bflag:$0x2] =	sbarrier.arrive $0xFFFF  }
0xe5: {  	p0 =	sne.s32 s0, $0x0;
	s0 =	rddreg [dreg:$0x2]  }
0xe6: {  	s0 =	sadd.s32 @!p0 $0x100000, s0  }
0xe7: {  	[sflag:s0] =	ssyncadd.tile.s32 @!p0 $0x1;
	_ =	shalt  }
.Lfunc_end2:
_tile_overlayer_lowered:
.L_overlay_start_2:
0xe8: {  	(tag) =	ssettag $0x2  }
0xe9: {  	s0 =	rddreg [dreg:$0x0];
	s2 =	stileid.u32  }
0xea: {  	s1 =	rddreg [dreg:$0x1];
	p0 =	sne.s32 s2, $0x0  }
0xeb: {  	s3 =	rddreg [dreg:$0x2];
	[bflag:$0x3] =	sbarrier.arrive $0xFFFF;
	s2 =	simm.s32 @!p0 $0x1C03  }
0xec: {  	[timem:s3], [sflag:s2] =	dma.local @!p0 [hbm:s0], s1  }
0xed: {  	s0 =	simm.s32 @!p0 $0x3  }
0xee: {  	_ =	swait.ge @!p0 [sflag:s0], s1  }
0xef: {  	s1 =	ssub.s32 @!p0 $0x0, s1;
	[sflag:s0] =	ssyncset.done @!p0 $0x0  }
0xf0: {  	[sflag:s0] =	ssyncadd.s32 @!p0 s1  }
0xf1: {  	[bflag:$0x3] =	sbarrier.arrive $0xFFFF  }
0xf2: {  	_ =	shalt  }

// kernel: kernel.13.cloned.1.call-start
scs
__scs_entry_jumppad:
0x0: {  	(pc) =	sbr.rel $0x88, $3  }
0x1: {  	(tag) =	ssettag $0x0;
	lr =	simm.s32 $0x1  }
0x2: {  	[smem:$0x3F9E] =	sst lr;
	_ =	strace $0xD0000000  }
0x3: {  	_ = 	snop  }
0x4: {  	_ = 	snop  }
0x5: {  	_ = 	snop  }
0x6: {  	_ = 	snop  }
0x7: {  	_ = 	snop  }
__scs_overlays_trampoline_lowered:
0x8: {  	[smem:$0x3FAD] =	sst s0  }
0x9: {  	[smem:$0x3FAE] =	sst s1  }
0xa: {  	[smem:$0x3FAF] =	sst s2  }
0xb: {  	[smem:$0x3FB0] =	sst s3  }
0xc: {  	[smem:$0x3FB1] =	sst s4  }
0xd: {  	[smem:$0x3FB2] =	sst s5  }
0xe: {  	[smem:$0x3FB3] =	sst s6  }
0xf: {  	[smem:$0x3FB4] =	sst s7  }
0x10: {  	[smem:$0x3FB5] =	sst s8  }
0x11: {  	[smem:$0x3FB6] =	sst s9;
	s0 =	simm.s32 @!p0 $0x0  }
0x12: {  	s1 =	sld [smem:$0x3F9C];
	s0 =	simm.s32 @p0 $0x1  }
0x13: {  	[smem:$0x3FB7] =	sst s0;
	s0 =	simm.s32 @!p1 $0x0  }
0x14: {  	s2 =	sld [smem:$0x3F9B];
	s0 =	simm.s32 @p1 $0x1  }
0x15: {  	[smem:$0x3FB8] =	sst s0;
	s0 =	simm.s32 @!p2 $0x0  }
0x16: {  	s3 =	sld [smem:$0x3FDB];
	s0 =	simm.s32 @p2 $0x1  }
0x17: {  	s4 =	simm.s32 $0x1BF5;
	[smem:$0x3FBA] =	sst s0  }
0x18: {  	s0 =	sld [smem:$0x3F9D];
	_ =	swait.ge [sflag:s4], $0x0  }
0x19: {  	s7 =	sld [smem:$0x3F9E]  }
0x1a: {  	s8 =	sadd.s32 $0xFFFFE003, lr  }
0x1b: {  	s9 =	sadd.s32 $0xFFFFFEF7, lr;
	s5 =	simm.s32 $0xFFFFFFFF;
	p2 =	slt.u32 s8, $0xFFFFF086  }
0x1c: {  	p1 =	slt.u32 s9, $0xF7A;
	s5 =	simm.s32 @!p2 $0x0  }
0x1d: {  	s5 =	simm.s32 @p1 $0x1;
	p0 =	seq.s32 s7, s2  }
0x1e: {  	s7 =	smul.u32 @!p0 $0xF7A, s2;
	p2 =	seq.s32 @!p0 s5, $0x0  }
0x1f: {  	s9 =	smul.u32 $0xF7A, s1;
	s8 =	simm.s32 @!p0 $0x1BF5;
	p2 =	por !p2, p0  }
0x20: {  	[sflag:s8] =	ssyncset.s32 @!p0 $0xFFFFF086;
	s6 =	sadd.s32 @!p0 s3, s7;
	s7 =	simm.s32 @!p0 $0x108  }
0x21: {  	s3 =	sadd.s32 s3, s9;
	s6 =	sadd.s32 @!p0 $0x88, s6;
	s7 =	simm.s32 @p2 $0x1082  }
0x22: {  	[simem:s7], [sflag:s8] =	dma.local @!p0 [hbm:s6], $0xF7A  }
0x23: {  	s9 =	sor.u32 $0xD0000000, s2;
	s6 =	simm.s32 $0x108;
	_ =	swait.ge @!p0 [sflag:s8], $0x0  }
0x24: {  	s3 =	sadd.s32 $0x88, s3;
	s6 =	simm.s32 @!p1 $0x1082;
	[sflag:s4] =	ssyncset.s32 $0xFFFFF086  }
0x25: {  	[simem:s6], [sflag:s4] =	dma.local [hbm:s3], $0xF7A  }
0x26: {  	[smem:$0x3F9E] =	sst s1;
	(tag) =	ssettag s2;
	_ =	strace s9  }
0x27: {  	s1 =	sld [smem:$0x3FAE]  }
0x28: {  	s2 =	sld [smem:$0x3FAF]  }
0x29: {  	s4 =	sld [smem:$0x3FB1]  }
0x2a: {  	p0 =	seq.s32 s5, $0x0;
	s5 =	sld [smem:$0x3FB2]  }
0x2b: {  	s6 =	sld [smem:$0x3FB3]  }
0x2c: {  	s7 =	sld [smem:$0x3FB4]  }
0x2d: {  	s3 =	simm.s32 $0x108;
	s8 =	sld [smem:$0x3FB5]  }
0x2e: {  	s3 =	simm.s32 @!p0 $0x1082;
	s9 =	sld [smem:$0x3FB6]  }
0x2f: {  	lr =	sadd.s32 s0, s3;
	s0 =	sld [smem:$0x3FAD]  }
0x30: {  	s3 =	sld [smem:$0x3FB0]  }
0x31: {  	[smem:$0x3FB9] =	sst s10  }
0x32: {  	s10 =	sld [smem:$0x3FB7];
	_ =	sdelay $0x3  }
0x33: {  	p0 =	seq.s32 s10, $0x1;
	s10 =	sld [smem:$0x3FB9];
	_ =	sdelay $0x3  }
0x34: {  	[smem:$0x3FB9] =	sst s10  }
0x35: {  	s10 =	sld [smem:$0x3FB8];
	_ =	sdelay $0x3  }
0x36: {  	p1 =	seq.s32 s10, $0x1;
	s10 =	sld [smem:$0x3FB9];
	_ =	sdelay $0x3  }
0x37: {  	[smem:$0x3FB9] =	sst s10  }
0x38: {  	s10 =	sld [smem:$0x3FBA]  }
0x39: {  	_ = 	snop;
	(pc) =	sbr.ind lr, $3  }
0x3a: {  	_ = 	snop  }
0x3b: {  	_ = 	snop  }
0x3c: {  	p2 =	seq.s32 s10, $0x1;
	s10 =	sld [smem:$0x3FB9]  }
0x3d: {  	_ =	shalt  }
0x3e: {  	_ =	shalt  }
0x3f: {  	_ =	shalt  }
0x40: {  	_ =	shalt  }
0x41: {  	_ =	shalt  }
0x42: {  	_ =	shalt  }
0x43: {  	_ =	shalt  }
0x44: {  	_ =	shalt  }
0x45: {  	_ =	shalt  }
0x46: {  	_ =	shalt  }
0x47: {  	_ =	shalt  }
0x48: {  	_ =	shalt  }
0x49: {  	_ =	shalt  }
0x4a: {  	_ =	shalt  }
0x4b: {  	_ =	shalt  }
0x4c: {  	_ =	shalt  }
0x4d: {  	_ =	shalt  }
0x4e: {  	_ =	shalt  }
0x4f: {  	_ =	shalt  }
0x50: {  	_ =	shalt  }
0x51: {  	_ =	shalt  }
0x52: {  	_ =	shalt  }
0x53: {  	_ =	shalt  }
0x54: {  	_ =	shalt  }
0x55: {  	_ =	shalt  }
0x56: {  	_ =	shalt  }
0x57: {  	_ =	shalt  }
0x58: {  	_ =	shalt  }
0x59: {  	_ =	shalt  }
0x5a: {  	_ =	shalt  }
0x5b: {  	_ =	shalt  }
0x5c: {  	_ =	shalt  }
0x5d: {  	_ =	shalt  }
0x5e: {  	_ =	shalt  }
0x5f: {  	_ =	shalt  }
0x60: {  	_ =	shalt  }
0x61: {  	_ =	shalt  }
0x62: {  	_ =	shalt  }
0x63: {  	_ =	shalt  }
0x64: {  	_ =	shalt  }
0x65: {  	_ =	shalt  }
0x66: {  	_ =	shalt  }
0x67: {  	_ =	shalt  }
0x68: {  	_ =	shalt  }
0x69: {  	_ =	shalt  }
0x6a: {  	_ =	shalt  }
0x6b: {  	_ =	shalt  }
0x6c: {  	_ =	shalt  }
0x6d: {  	_ =	shalt  }
0x6e: {  	_ =	shalt  }
0x6f: {  	_ =	shalt  }
0x70: {  	_ =	shalt  }
0x71: {  	_ =	shalt  }
0x72: {  	_ =	shalt  }
0x73: {  	_ =	shalt  }
0x74: {  	_ =	shalt  }
0x75: {  	_ =	shalt  }
0x76: {  	_ =	shalt  }
0x77: {  	_ =	shalt  }
0x78: {  	_ =	shalt  }
0x79: {  	_ =	shalt  }
0x7a: {  	_ =	shalt  }
0x7b: {  	_ =	shalt  }
0x7c: {  	_ =	shalt  }
0x7d: {  	_ =	shalt  }
0x7e: {  	_ =	shalt  }
0x7f: {  	_ =	shalt  }
0x80: {  	_ =	shalt  }
0x81: {  	_ =	shalt  }
0x82: {  	_ =	shalt  }
0x83: {  	_ =	shalt  }
0x84: {  	_ =	shalt  }
0x85: {  	_ =	shalt  }
0x86: {  	_ =	shalt  }
0x87: {  	_ =	shalt  }
.Lfunc_end0:
.L_simem_size_0:
called_computation.1_lowered:
.L_overlay_start_0:
0x88: {  	s2 =	sld [smem:$0x3FD9]  }
0x89: {  	s3 =	sld [smem:$0x3FFE];
	_ =	sdelay $0x1  }
0x8a: {  	s1 =	srdreg.scid  }
0x8b: {  	s0 =	sand.u32 $0x1, s1  }
0x8c: {  	s17 =	sshll.u32 s0, $0xA;
	s2 =	sadd.s32 s3, s2  }
0x8d: {  	s2 =	sadd.s32 s2, s17  }
0x8e: {  	[smem:$0x3FC5] =	sst s2  }
0x8f: {  	_ = 	snop  }
0x90: {  	s18 =	sld [smem:$0x3FD0];
	(tm) =	ssettm $0x1  }
0x91: {  	s19 =	sld [smem:$0x3FFB];
	_ =	sdelay $0x3  }
0x92: {  	_ =	strace s19  }
0x93: {  	s2 =	sld [smem:$0x3FFC];
	_ =	sdelay $0x3  }
0x94: {  	_ =	strace s2  }
0x95: {  	s2 =	sld [smem:$0x3FFD];
	_ =	sdelay $0x3  }
0x96: {  	_ =	strace s2  }
0x97: {  	_ =	strace $0x8FFFFFFF  }
0x98: {  	s20 =	sld [smem:$0x3FDB];
	_ =	sdelay $0x1  }
0x99: {  	s4 =	simm.s32 $_scs_section_size  }
0x9a: {  	s5 =	simm.s32 $_size__tile_overlayer_lowered;
	s6 =	simm.s32 $_tile_overlayer_lowered  }
0x9b: {  	s7 =	simm.s32 $0x1BFF;
	s21 =	sshll.u32 s6, $0x1;
	s4 =	sadd.s32 s4, s20  }
0x9c: {  	s22 =	simm.s32 $0x0;
	s5 =	sshll.u32 s5, $0x1;
	s6 =	sadd.s32 s21, s4  }
0x9d: {  	[timem:s22], [sflag:s7] =	dma.local [hbm:s6], s5  }
0x9e: {  	_ =	swait.ge [sflag:s7], s5  }
0x9f: {  	s5 =	ssub.s32 $0x0, s5;
	[sflag:s7] =	ssyncset.done $0x0  }
0xa0: {  	[sflag:s7] =	ssyncadd.s32 s5;
	_ =	sdelay $0x1  }
0xa1: {  	s23 =	simm.s32 $0x1B8B  }
0xa2: {  	_ =	swait.ge [sflag:s23], $0x1  }
0xa3: {  	[sflag:s23] =	ssyncset.done $0x0  }
0xa4: {  	[sflag:s23] =	ssyncadd.s32 $0xFFFFFFFF  }
0xa5: {  	s5 =	sld [smem:$0x0]  }
0xa6: {  	s6 =	sand.u32 $0xFFFFFFFE, s1  }
0xa7: {  	p0 =	sne.s32 s1, s6  }
0xa8: {  	s6 =	sshll.u32 @p0 s6, $0xE  }
0xa9: {  	s6 =	sadd.s32 @p0 $0x11B8D, s6;
	s7 =	sshll.u32 @p0 s5, $0x11  }
0xaa: {  	s6 =	sor.u32 @p0 s7, s6  }
0xab: {  	[sflag:s6] =	ssyncadd.remote.s32 @p0 $0x1;
	_ =	sdelay $0x1  }
0xac: {  	s6 =	simm.s32 @p0 $0x1B8D  }
0xad: {  	_ =	swait.eq @p0 [sflag:s6], $0x1  }
0xae: {  	[sflag:s6] =	ssyncadd.s32 @p0 $0xFFFFFFFF  }
0xaf: {  	s7 =	sshll.u32 @!p0 s1, $0xE  }
0xb0: {  	s7 =	sor.u32 @!p0 $0x4000, s7;
	s6 =	simm.s32 @!p0 $0x1B8D  }
0xb1: {  	s5 =	sshll.u32 @!p0 s5, $0x11;
	s7 =	sadd.s32 @!p0 $0x11B8D, s7;
	_ =	swait.eq @!p0 [sflag:s6], $0x1  }
0xb2: {  	s5 =	sor.u32 @!p0 s5, s7;
	[sflag:s6] =	ssyncadd.s32 @!p0 $0xFFFFFFFF  }
0xb3: {  	s25 =	simm.s32 $0x1B8E;
	s24 =	sld [smem:$0x3FFE];
	[sflag:s5] =	ssyncadd.remote.s32 @!p0 $0x1  }
0xb4: {  	s26 =	simm.s32 $execute0_lowered;
	[smem:$0x3FD2] =	sst s25  }
0xb5: {  	s6 =	sshll.u32 s26, $0x1;
	_ =	strace $0x80000049;
	[dreg:$0x1] =	wrdreg $0xFFFFFFFF  }
0xb6: {  	s28 =	simm.s32 $_size_execute0_lowered;
	s4 =	sadd.s32 s4, s6;
	[dreg:$0x0] =	wrdreg $0x0  }
0xb7: {  	s6 =	sshll.u32 s28, $0x1;
	[dreg:$0x2] =	wrdreg s4  }
0xb8: {  	[dreg:$0x3] =	wrdreg s6  }
0xb9: {  	[dreg:$0x4] =	wrdreg $0xC0  }
0xba: {  	_ =	task [dreg:s22], $0x5FFFF  }
0xbb: {  	[dreg:$0x1] =	wrdreg $0xFFFFFFFF  }
0xbc: {  	[dreg:$0x0] =	wrdreg $0x60  }
0xbd: {  	[dreg:$0x2] =	wrdreg s18  }
0xbe: {  	[dreg:$0x3] =	wrdreg s24  }
0xbf: {  	[dreg:$0x4] =	wrdreg $0xA  }
0xc0: {  	_ =	task.clear_ibuf [dreg:s22], $0x5FFFF;
	_ =	strace $0x90000049  }
0xc1: {  	s29 =	simm.s32 $0xA;
	_ =	strace $0x8000004B  }
0xc2: {  	_ =	swait.ge [sflag:s29], $0x1  }
0xc3: {  	[sflag:s29] =	ssyncadd.s32 $0xFFFFFFFF  }
0xc4: {  	_ =	strace $0x9000004B  }
0xc5: {  	_ =	sfence  }
0xc6: {  	s30 =	sld [smem:$0x0];
	_ =	sdelay $0x2  }
0xc7: {  	s31 =	sshll.u32 s1, $0xD;
	s1 =	sshrl.u32 s1, $0x2  }
0xc8: {  	s4 =	sand.u32 $0x4000, s31;
	s1 =	sadd.s32 s1, s30  }
0xc9: {  	s0 =	sor.u32 s4, s0;
	s1 =	sshll.u32 s1, $0x11  }
0xca: {  	s0 =	sor.u32 s1, s0  }
0xcb: {  	s0 =	sadd.s32 $0x8F2B, s0  }
0xcc: {  	[sflag:s0] =	ssyncadd.remote.s32 $0x1  }
0xcd: {  	_ =	sfence.sel $0xFFFF  }
0xce: {  	[dreg:$0x0] =	wrdreg $0xFFFFFFFF;
	(pc) =	sbr.abs _section_cstart, $3  }
0xcf: {  	[dreg:$0x1] =	wrdreg $0xFFFFFFFF  }
0xd0: {  	_ =	task.clear_ibuf [dreg:s22], $0x2FFFF;
	_ =	strace $0x9FFFFFFF  }
0xd1: {  	(tm) =	ssettm $0x7FFFFFFF  }
tec
execute0_lowered:
.L_overlay_start_1:
0x0: {  	(tag) =	ssettag $0x1  }
0x1: {  	s1 =	rddreg [dreg:$0x0]  }
0x2: {  	s0 =	rddreg [dreg:$0x1];
	s3 =	simm.s32 $0x0;
	s2 =	srdreg.scid  }
0x3: {  	s8 =	stileid.u32;
	s9 =	simm.s32 $0x100;
	s10 =	simm.s32 $0x900  }
0x4: {  	s11 =	simm.s32 $0x1100;
	s12 =	simm.s32 $0x1900;
	s13 =	simm.s32 $0x2100  }
0x5: {  	s14 =	simm.s32 $0x2900;
	s15 =	simm.s32 $0x3100;
	s16 =	simm.s32 $0x3900  }
0x6: {  	s17 =	simm.s32 $0x4100;
	s18 =	simm.s32 $0x4900;
	s19 =	simm.s32 $0x5100  }
0x7: {  	s20 =	simm.s32 $0x5900;
	s21 =	simm.s32 $0x6100;
	s28 =	simm.s32 $0xE100  }
0x8: {  	s29 =	simm.s32 $0xE900;
	s30 =	simm.s32 $0xF100;
	s31 =	simm.s32 $0xF900  }
0x9: {  	[smem:$0x7FF] =	sst s3;
	s2 =	sand.u32 $0x1, s2;
	s4 =	sshll.u32 s8, $0x5  }
0xa: {  	s6 =	sshll.u32 s8, $0xD;
	s22 =	sshll.u32 s8, $0x1;
	s8 =	simm.s32 $0x4  }
0xb: {  	_ =	strace $0x8000004A;
	s5 =	ssub.s32 $0x2, s2;
	s4 =	sadd.s32 s4, s0  }
0xc: {  	s0 =	sadd.s32 s6, s0;
	s23 =	sshll.u32 s2, $0xC;
	s24 =	sshll.u32 s2, $0x4  }
0xd: {  	s2 =	sor.u32 s2, s22;
	s22 =	simm.s32 $0x6900;
	s7 =	sshrl.u32 s5, $0x1  }
.Ltmp0:
0xe: {  	s0 =	sadd.s32 s23, s0;
	s4 =	sadd.s32 s24, s4;
	(pc) =	sbr.rel .LBB2_1-.Ltmp0, $4  }
0xf: {  	s26 =	sor.u32 $0x20, s2;
	s23 =	simm.s32 $0x7100;
	s24 =	simm.s32 $0x7900  }
0x10: {  	v2 =	vlaneseq.u32;
	s5 =	ssub.s32 s5, s7;
	s25 =	sadd.s32 $0x6000, s4;
	[dreg:$0x5] =	wrdreg s26  }
0x11: {  	vm0 =	vmmov $0xffff;
	v1 =	vshrl.u32 v2, $0x3;
	s4 =	simm.s32 $0x0;
	s5 =	smax.u32 s5, $0x1;
	[dreg:$0x4] =	wrdreg s25  }
0x12: {  	v0 =	vand.u32 $0x7, v2;
	v2 =	vor.u32 $0x8, v2;
	v1 =	vmul.u32 $0x8, v1;
	[dreg:$0x3] =	wrdreg s5;
	s5 =	sadd.s32 $0x4ED000, s0;
	s0 =	simm.s32 $0x1  }
.LBB2_5:
0x13: {  	s4 =	rddreg [dreg:$0x6]  }
0x14: {  	s2 =	rddreg [dreg:$0x3];
	s4 =	sadd.s32 $0x1, s4  }
0x15: {  	p0 =	sne.s32 s4, s2  }
.Ltmp1:
0x16: {  	_ = 	snop;
	(pc) =	sbr.rel @!p0 .LBB2_6-.Ltmp1, $1  }
0x17: {  	_ =	sdelay $0x3  }
.LBB2_1:
.Ltmp2:
0x18: {  	(pc) =	sbr.rel .LBB2_2-.Ltmp2, $4  }
0x19: {  	_ = 	snop  }
0x1a: {  	[dreg:$0x6] =	wrdreg s4  }
0x1b: {  	s2 =	rddreg [dreg:$0x5]  }
0x1c: {  	s4 =	rddreg [dreg:$0x4];
	s6 =	simm.s32 $0x0  }
.LBB2_4:
0x1d: {  	_ =	swait.ge [sflag:s0], $0x8000  }
0x1e: {  	[sflag:s0] =	ssyncset.done $0x0  }
0x1f: {  	s7 =	sadd.s32 s6, s5;
	[sflag:s0] =	ssyncadd.s32 $0xFFFF8000  }
0x20: {  	[hbm4b:s7+s3] =	stream.linear.scatter [tilespmem:s9], [sflag:$0x4], $0x8000, $0x38;
	[tilespmem:$0x10100] =	vst v63  }
0x21: {  	_ =	swait.ge [sflag:s8], $0x8000  }
0x22: {  	[sflag:s8] =	ssyncset.done $0x0  }
0x23: {  	s7 =	simm.s32 @!p0 $0x2;
	[sflag:s8] =	ssyncadd.s32 $0xFFFF8000  }
0x24: {  	_ =	swait.ge @!p0 [sflag:s7], $0x8000  }
0x25: {  	s25 =	simm.s32 @!p0 $0x0;
	[sflag:s7] =	ssyncset.done @!p0 $0x0  }
0x26: {  	[sflag:s7] =	ssyncadd.s32 @!p0 $0xFFFF8000;
	s7 =	sadd.s32 @!p0 s6, s5;
	s6 =	sadd.s32 $0x40000, s6  }
0x27: {  	s26 =	simm.s32 @!p0 $0x8100;
	s7 =	sadd.s32 @!p0 $0x20000, s7;
	p1 =	sne.s32 s6, $0x500000  }
0x28: {  	[hbm4b:s7+s25] =	stream.linear.scatter @!p0 [tilespmem:s26], [sflag:$0x3], $0x8000, $0x38;
	[tilespmem:$0x10100] =	vst v63  }
.Ltmp3:
0x29: {  	_ = 	snop;
	(pc) =	sbr.rel @!p1 .LBB2_5-.Ltmp3, $4  }
0x2a: {  	s7 =	simm.s32 @!p0 $0x3  }
0x2b: {  	_ =	swait.ge @!p0 [sflag:s7], $0x8000  }
0x2c: {  	[sflag:s7] =	ssyncset.done @!p0 $0x0  }
0x2d: {  	s4 =	sadd.s32 $0x400, s4;
	s2 =	sadd.s32 $0x40, s2;
	[sflag:s7] =	ssyncadd.s32 @!p0 $0xFFFF8000  }
.LBB2_2:
0x2e: {  	[tilespmem:s3], [sflag:$0x4] =	stream.linear.gather [hbm4b:s4+s3], $0x80, $0x38;
	[tilespmem:$0x10100] =	vst v63  }
0x2f: {  	_ =	swait.ge [sflag:s8], $0x80  }
0x30: {  	[sflag:s8] =	ssyncset.done $0x0  }
0x31: {  	[sflag:s8] =	ssyncadd.s32 $0xFFFFFF80  }
0x32: {  	v3 =	vld [tilespmem:$0x0];
	_ =	sdelay $0x4  }
0x33: {  	v4 =	vshll.u32 v3, $0x1  }
0x34: {  	v3 =	vand.u32 $0x7, v3;
	v4 =	vand.u32 $0xFFFFFFF0, v4  }
0x35: {  	v3 =	vor.u32 v3, v4  }
0x36: {  	v4 =	vperm.xlane v3, v0;
	_ =	sdelay $0x1  }
0x37: {  	v3 =	vperm.xlane v3, v2;
	v4 =	vadd.s32 v1, v4;
	_ =	sdelay $0x1  }
0x38: {  	v3 =	vadd.s32 v1, v3;
	_ =	sdelay $0x2  }
0x39: {  	[tilespmem:s9], [sflag:$0x1] =	stream.indirect_vreg.gather [hbm4b:s1+s3], $0x80, v4, vm0, $0xb8;
	[tilespmem:$0x10100] =	vst v63  }
0x3a: {  	_ = 	snop  }
0x3b: {  	[tilespmem:s10], [sflag:$0x1] =	stream.indirect_vreg.gather [hbm4b:s1+s3], $0x80, v3, vm0, $0xb8;
	[tilespmem:$0x10100] =	vst v63  }
0x3c: {  	v3 =	vld [tilespmem:$0x10];
	_ =	sdelay $0x4  }
0x3d: {  	v57 =	vshll.u32 v3, $0x1  }
0x3e: {  	v3 =	vand.u32 $0x7, v3;
	v4 =	vand.u32 $0xFFFFFFF0, v57  }
0x3f: {  	v3 =	vor.u32 v3, v4  }
0x40: {  	v4 =	vperm.xlane v3, v0;
	_ =	sdelay $0x1  }
0x41: {  	v3 =	vperm.xlane v3, v2;
	v4 =	vadd.s32 v1, v4;
	_ =	sdelay $0x1  }
0x42: {  	v3 =	vadd.s32 v1, v3;
	_ =	sdelay $0x2  }
0x43: {  	[tilespmem:s11], [sflag:$0x1] =	stream.indirect_vreg.gather [hbm4b:s1+s3], $0x80, v4, vm0, $0xb8;
	[tilespmem:$0x10100] =	vst v63  }
0x44: {  	_ = 	snop  }
0x45: {  	[tilespmem:s12], [sflag:$0x1] =	stream.indirect_vreg.gather [hbm4b:s1+s3], $0x80, v3, vm0, $0xb8;
	[tilespmem:$0x10100] =	vst v63  }
0x46: {  	v3 =	vld [tilespmem:$0x20];
	_ =	sdelay $0x4  }
0x47: {  	v58 =	vshll.u32 v3, $0x1  }
0x48: {  	v3 =	vand.u32 $0x7, v3;
	v4 =	vand.u32 $0xFFFFFFF0, v58  }
0x49: {  	v3 =	vor.u32 v3, v4  }
0x4a: {  	v4 =	vperm.xlane v3, v0;
	_ =	sdelay $0x1  }
0x4b: {  	v3 =	vperm.xlane v3, v2;
	v4 =	vadd.s32 v1, v4;
	_ =	sdelay $0x1  }
0x4c: {  	v3 =	vadd.s32 v1, v3;
	_ =	sdelay $0x2  }
0x4d: {  	[tilespmem:s13], [sflag:$0x1] =	stream.indirect_vreg.gather [hbm4b:s1+s3], $0x80, v4, vm0, $0xb8;
	[tilespmem:$0x10100] =	vst v63  }
0x4e: {  	_ = 	snop  }
0x4f: {  	[tilespmem:s14], [sflag:$0x1] =	stream.indirect_vreg.gather [hbm4b:s1+s3], $0x80, v3, vm0, $0xb8;
	[tilespmem:$0x10100] =	vst v63  }
0x50: {  	v3 =	vld [tilespmem:$0x30];
	_ =	sdelay $0x4  }
0x51: {  	v59 =	vshll.u32 v3, $0x1  }
0x52: {  	v3 =	vand.u32 $0x7, v3;
	v4 =	vand.u32 $0xFFFFFFF0, v59  }
0x53: {  	v3 =	vor.u32 v3, v4  }
0x54: {  	v4 =	vperm.xlane v3, v0;
	_ =	sdelay $0x1  }
0x55: {  	v3 =	vperm.xlane v3, v2;
	v4 =	vadd.s32 v1, v4;
	_ =	sdelay $0x1  }
0x56: {  	v3 =	vadd.s32 v1, v3;
	_ =	sdelay $0x2  }
0x57: {  	[tilespmem:s15], [sflag:$0x1] =	stream.indirect_vreg.gather [hbm4b:s1+s3], $0x80, v4, vm0, $0xb8;
	[tilespmem:$0x10100] =	vst v63  }
0x58: {  	_ = 	snop  }
0x59: {  	[tilespmem:s16], [sflag:$0x1] =	stream.indirect_vreg.gather [hbm4b:s1+s3], $0x80, v3, vm0, $0xb8;
	[tilespmem:$0x10100] =	vst v63  }
0x5a: {  	v3 =	vld [tilespmem:$0x40];
	_ =	sdelay $0x4  }
0x5b: {  	v60 =	vshll.u32 v3, $0x1  }
0x5c: {  	v3 =	vand.u32 $0x7, v3;
	v4 =	vand.u32 $0xFFFFFFF0, v60  }
0x5d: {  	v3 =	vor.u32 v3, v4  }
0x5e: {  	v4 =	vperm.xlane v3, v0;
	_ =	sdelay $0x1  }
0x5f: {  	v3 =	vperm.xlane v3, v2;
	v4 =	vadd.s32 v1, v4;
	_ =	sdelay $0x1  }
0x60: {  	v3 =	vadd.s32 v1, v3;
	_ =	sdelay $0x2  }
0x61: {  	[tilespmem:s17], [sflag:$0x1] =	stream.indirect_vreg.gather [hbm4b:s1+s3], $0x80, v4, vm0, $0xb8;
	[tilespmem:$0x10100] =	vst v63  }
0x62: {  	_ = 	snop  }
0x63: {  	[tilespmem:s18], [sflag:$0x1] =	stream.indirect_vreg.gather [hbm4b:s1+s3], $0x80, v3, vm0, $0xb8;
	[tilespmem:$0x10100] =	vst v63  }
0x64: {  	v3 =	vld [tilespmem:$0x50];
	_ =	sdelay $0x4  }
0x65: {  	v61 =	vshll.u32 v3, $0x1  }
0x66: {  	v3 =	vand.u32 $0x7, v3;
	v4 =	vand.u32 $0xFFFFFFF0, v61  }
0x67: {  	v3 =	vor.u32 v3, v4  }
0x68: {  	v4 =	vperm.xlane v3, v0;
	_ =	sdelay $0x1  }
0x69: {  	v3 =	vperm.xlane v3, v2;
	v4 =	vadd.s32 v1, v4;
	_ =	sdelay $0x1  }
0x6a: {  	v3 =	vadd.s32 v1, v3;
	_ =	sdelay $0x2  }
0x6b: {  	[tilespmem:s19], [sflag:$0x1] =	stream.indirect_vreg.gather [hbm4b:s1+s3], $0x80, v4, vm0, $0xb8;
	[tilespmem:$0x10100] =	vst v63  }
0x6c: {  	_ = 	snop  }
0x6d: {  	[tilespmem:s20], [sflag:$0x1] =	stream.indirect_vreg.gather [hbm4b:s1+s3], $0x80, v3, vm0, $0xb8;
	[tilespmem:$0x10100] =	vst v63  }
0x6e: {  	v3 =	vld [tilespmem:$0x60];
	_ =	sdelay $0x4  }
0x6f: {  	v62 =	vshll.u32 v3, $0x1  }
0x70: {  	v3 =	vand.u32 $0x7, v3;
	v4 =	vand.u32 $0xFFFFFFF0, v62  }
0x71: {  	v3 =	vor.u32 v3, v4  }
0x72: {  	v4 =	vperm.xlane v3, v0;
	_ =	sdelay $0x1  }
0x73: {  	v3 =	vperm.xlane v3, v2;
	v4 =	vadd.s32 v1, v4;
	_ =	sdelay $0x1  }
0x74: {  	v3 =	vadd.s32 v1, v3;
	_ =	sdelay $0x2  }
0x75: {  	[tilespmem:s21], [sflag:$0x1] =	stream.indirect_vreg.gather [hbm4b:s1+s3], $0x80, v4, vm0, $0xb8;
	[tilespmem:$0x10100] =	vst v63  }
0x76: {  	_ = 	snop  }
0x77: {  	[tilespmem:s22], [sflag:$0x1] =	stream.indirect_vreg.gather [hbm4b:s1+s3], $0x80, v3, vm0, $0xb8;
	[tilespmem:$0x10100] =	vst v63  }
0x78: {  	v3 =	vld [tilespmem:$0x70];
	_ =	sdelay $0x4  }
0x79: {  	v63 =	vshll.u32 v3, $0x1  }
0x7a: {  	v3 =	vand.u32 $0x7, v3;
	v4 =	vand.u32 $0xFFFFFFF0, v63  }
0x7b: {  	v3 =	vor.u32 v3, v4  }
0x7c: {  	v4 =	vperm.xlane v3, v0;
	_ =	sdelay $0x1  }
0x7d: {  	v3 =	vperm.xlane v3, v2;
	v4 =	vadd.s32 v1, v4;
	_ =	sdelay $0x1  }
0x7e: {  	p0 =	sgt.u32 s2, $0x4E1;
	v3 =	vadd.s32 v1, v3  }
.Ltmp4:
0x7f: {  	_ = 	snop;
	(pc) =	sbr.rel @p0 .LBB2_4-.Ltmp4, $4  }
0x80: {  	_ = 	snop  }
0x81: {  	[tilespmem:s23], [sflag:$0x1] =	stream.indirect_vreg.gather [hbm4b:s1+s3], $0x80, v4, vm0, $0xb8;
	[tilespmem:$0x10100] =	vst v63  }
0x82: {  	_ = 	snop  }
0x83: {  	[tilespmem:s24], [sflag:$0x1] =	stream.indirect_vreg.gather [hbm4b:s1+s3], $0x80, v3, vm0, $0xb8;
	[tilespmem:$0x10100] =	vst v63  }
0x84: {  	s7 =	sadd.s32 $0x200, s4;
	s25 =	simm.s32 $0x80  }
0x85: {  	[tilespmem:s25], [sflag:$0x4] =	stream.linear.gather [hbm4b:s7+s3], $0x80, $0x38;
	[tilespmem:$0x10100] =	vst v63  }
0x86: {  	_ =	swait.ge [sflag:s8], $0x80  }
0x87: {  	[sflag:s8] =	ssyncset.done $0x0  }
0x88: {  	[sflag:s8] =	ssyncadd.s32 $0xFFFFFF80  }
0x89: {  	v3 =	vld [tilespmem:$0x80];
	_ =	sdelay $0x4  }
0x8a: {  	v4 =	vshll.u32 v3, $0x1  }
0x8b: {  	v3 =	vand.u32 $0x7, v3;
	v4 =	vand.u32 $0xFFFFFFF0, v4  }
0x8c: {  	v3 =	vor.u32 v3, v4  }
0x8d: {  	v4 =	vperm.xlane v3, v0;
	_ =	sdelay $0x1  }
0x8e: {  	v3 =	vperm.xlane v3, v2;
	v4 =	vadd.s32 v1, v4;
	_ =	sdelay $0x1  }
0x8f: {  	v3 =	vadd.s32 v1, v3;
	_ =	sdelay $0x1  }
0x90: {  	s25 =	simm.s32 $0x8100  }
0x91: {  	[tilespmem:s25], [sflag:$0x2] =	stream.indirect_vreg.gather [hbm4b:s1+s3], $0x80, v4, vm0, $0xb8;
	[tilespmem:$0x10100] =	vst v63  }
0x92: {  	s26 =	simm.s32 $0x8900  }
0x93: {  	[tilespmem:s26], [sflag:$0x2] =	stream.indirect_vreg.gather [hbm4b:s1+s3], $0x80, v3, vm0, $0xb8;
	[tilespmem:$0x10100] =	vst v63  }
0x94: {  	v3 =	vld [tilespmem:$0x90];
	_ =	sdelay $0x4  }
0x95: {  	v57 =	vshll.u32 v3, $0x1  }
0x96: {  	v3 =	vand.u32 $0x7, v3;
	v4 =	vand.u32 $0xFFFFFFF0, v57  }
0x97: {  	v3 =	vor.u32 v3, v4  }
0x98: {  	v4 =	vperm.xlane v3, v0;
	_ =	sdelay $0x1  }
0x99: {  	v3 =	vperm.xlane v3, v2;
	v4 =	vadd.s32 v1, v4;
	_ =	sdelay $0x1  }
0x9a: {  	v3 =	vadd.s32 v1, v3;
	_ =	sdelay $0x1  }
0x9b: {  	s25 =	simm.s32 $0x9100  }
0x9c: {  	[tilespmem:s25], [sflag:$0x2] =	stream.indirect_vreg.gather [hbm4b:s1+s3], $0x80, v4, vm0, $0xb8;
	[tilespmem:$0x10100] =	vst v63  }
0x9d: {  	s26 =	simm.s32 $0x9900  }
0x9e: {  	[tilespmem:s26], [sflag:$0x2] =	stream.indirect_vreg.gather [hbm4b:s1+s3], $0x80, v3, vm0, $0xb8;
	[tilespmem:$0x10100] =	vst v63  }
0x9f: {  	v3 =	vld [tilespmem:$0xA0];
	_ =	sdelay $0x4  }
0xa0: {  	v58 =	vshll.u32 v3, $0x1  }
0xa1: {  	v3 =	vand.u32 $0x7, v3;
	v4 =	vand.u32 $0xFFFFFFF0, v58  }
0xa2: {  	v3 =	vor.u32 v3, v4  }
0xa3: {  	v4 =	vperm.xlane v3, v0;
	_ =	sdelay $0x1  }
0xa4: {  	v3 =	vperm.xlane v3, v2;
	v4 =	vadd.s32 v1, v4;
	_ =	sdelay $0x1  }
0xa5: {  	v3 =	vadd.s32 v1, v3;
	_ =	sdelay $0x1  }
0xa6: {  	s25 =	simm.s32 $0xA100  }
0xa7: {  	[tilespmem:s25], [sflag:$0x2] =	stream.indirect_vreg.gather [hbm4b:s1+s3], $0x80, v4, vm0, $0xb8;
	[tilespmem:$0x10100] =	vst v63  }
0xa8: {  	s26 =	simm.s32 $0xA900  }
0xa9: {  	[tilespmem:s26], [sflag:$0x2] =	stream.indirect_vreg.gather [hbm4b:s1+s3], $0x80, v3, vm0, $0xb8;
	[tilespmem:$0x10100] =	vst v63  }
0xaa: {  	v3 =	vld [tilespmem:$0xB0];
	_ =	sdelay $0x4  }
0xab: {  	v59 =	vshll.u32 v3, $0x1  }
0xac: {  	v3 =	vand.u32 $0x7, v3;
	v4 =	vand.u32 $0xFFFFFFF0, v59  }
0xad: {  	v3 =	vor.u32 v3, v4  }
0xae: {  	v4 =	vperm.xlane v3, v0;
	_ =	sdelay $0x1  }
0xaf: {  	v3 =	vperm.xlane v3, v2;
	v4 =	vadd.s32 v1, v4;
	_ =	sdelay $0x1  }
0xb0: {  	v3 =	vadd.s32 v1, v3;
	_ =	sdelay $0x1  }
0xb1: {  	s25 =	simm.s32 $0xB100  }
0xb2: {  	[tilespmem:s25], [sflag:$0x2] =	stream.indirect_vreg.gather [hbm4b:s1+s3], $0x80, v4, vm0, $0xb8;
	[tilespmem:$0x10100] =	vst v63  }
0xb3: {  	s26 =	simm.s32 $0xB900  }
0xb4: {  	[tilespmem:s26], [sflag:$0x2] =	stream.indirect_vreg.gather [hbm4b:s1+s3], $0x80, v3, vm0, $0xb8;
	[tilespmem:$0x10100] =	vst v63  }
0xb5: {  	v3 =	vld [tilespmem:$0xC0];
	_ =	sdelay $0x4  }
0xb6: {  	v60 =	vshll.u32 v3, $0x1  }
0xb7: {  	v3 =	vand.u32 $0x7, v3;
	v4 =	vand.u32 $0xFFFFFFF0, v60  }
0xb8: {  	v3 =	vor.u32 v3, v4  }
0xb9: {  	v4 =	vperm.xlane v3, v0;
	_ =	sdelay $0x1  }
0xba: {  	v3 =	vperm.xlane v3, v2;
	v4 =	vadd.s32 v1, v4;
	_ =	sdelay $0x1  }
0xbb: {  	v3 =	vadd.s32 v1, v3;
	_ =	sdelay $0x1  }
0xbc: {  	s25 =	simm.s32 $0xC100  }
0xbd: {  	[tilespmem:s25], [sflag:$0x2] =	stream.indirect_vreg.gather [hbm4b:s1+s3], $0x80, v4, vm0, $0xb8;
	[tilespmem:$0x10100] =	vst v63  }
0xbe: {  	s26 =	simm.s32 $0xC900  }
0xbf: {  	[tilespmem:s26], [sflag:$0x2] =	stream.indirect_vreg.gather [hbm4b:s1+s3], $0x80, v3, vm0, $0xb8;
	[tilespmem:$0x10100] =	vst v63  }
0xc0: {  	v3 =	vld [tilespmem:$0xD0];
	_ =	sdelay $0x4  }
0xc1: {  	v61 =	vshll.u32 v3, $0x1  }
0xc2: {  	v3 =	vand.u32 $0x7, v3;
	v4 =	vand.u32 $0xFFFFFFF0, v61  }
0xc3: {  	v3 =	vor.u32 v3, v4  }
0xc4: {  	v4 =	vperm.xlane v3, v0;
	_ =	sdelay $0x1  }
0xc5: {  	v3 =	vperm.xlane v3, v2;
	v4 =	vadd.s32 v1, v4;
	_ =	sdelay $0x1  }
0xc6: {  	v3 =	vadd.s32 v1, v3;
	_ =	sdelay $0x1  }
0xc7: {  	s25 =	simm.s32 $0xD100  }
0xc8: {  	[tilespmem:s25], [sflag:$0x2] =	stream.indirect_vreg.gather [hbm4b:s1+s3], $0x80, v4, vm0, $0xb8;
	[tilespmem:$0x10100] =	vst v63  }
0xc9: {  	s26 =	simm.s32 $0xD900  }
0xca: {  	[tilespmem:s26], [sflag:$0x2] =	stream.indirect_vreg.gather [hbm4b:s1+s3], $0x80, v3, vm0, $0xb8;
	[tilespmem:$0x10100] =	vst v63  }
0xcb: {  	v3 =	vld [tilespmem:$0xE0];
	_ =	sdelay $0x4  }
0xcc: {  	v62 =	vshll.u32 v3, $0x1  }
0xcd: {  	v3 =	vand.u32 $0x7, v3;
	v4 =	vand.u32 $0xFFFFFFF0, v62  }
0xce: {  	v3 =	vor.u32 v3, v4  }
0xcf: {  	v4 =	vperm.xlane v3, v0;
	_ =	sdelay $0x1  }
0xd0: {  	v3 =	vperm.xlane v3, v2;
	v4 =	vadd.s32 v1, v4;
	_ =	sdelay $0x1  }
0xd1: {  	v3 =	vadd.s32 v1, v3;
	_ =	sdelay $0x2  }
0xd2: {  	[tilespmem:s28], [sflag:$0x2] =	stream.indirect_vreg.gather [hbm4b:s1+s3], $0x80, v4, vm0, $0xb8;
	[tilespmem:$0x10100] =	vst v63  }
0xd3: {  	_ = 	snop  }
0xd4: {  	[tilespmem:s29], [sflag:$0x2] =	stream.indirect_vreg.gather [hbm4b:s1+s3], $0x80, v3, vm0, $0xb8;
	[tilespmem:$0x10100] =	vst v63  }
0xd5: {  	v3 =	vld [tilespmem:$0xF0];
	_ =	sdelay $0x4  }
0xd6: {  	v63 =	vshll.u32 v3, $0x1  }
0xd7: {  	v3 =	vand.u32 $0x7, v3;
	v4 =	vand.u32 $0xFFFFFFF0, v63  }
0xd8: {  	v3 =	vor.u32 v3, v4  }
0xd9: {  	v4 =	vperm.xlane v3, v0;
	_ =	sdelay $0x1  }
0xda: {  	v3 =	vperm.xlane v3, v2;
	v4 =	vadd.s32 v1, v4;
	_ =	sdelay $0x1  }
0xdb: {  	v3 =	vadd.s32 v1, v3  }
.Ltmp5:
0xdc: {  	_ = 	snop;
	(pc) =	sbr.rel .LBB2_4-.Ltmp5, $4  }
0xdd: {  	_ = 	snop  }
0xde: {  	[tilespmem:s30], [sflag:$0x2] =	stream.indirect_vreg.gather [hbm4b:s1+s3], $0x80, v4, vm0, $0xb8;
	[tilespmem:$0x10100] =	vst v63  }
0xdf: {  	_ = 	snop  }
0xe0: {  	[tilespmem:s31], [sflag:$0x2] =	stream.indirect_vreg.gather [hbm4b:s1+s3], $0x80, v3, vm0, $0xb8;
	[tilespmem:$0x10100] =	vst v63  }
.LBB2_6:
0xe1: {  	_ =	sfence.sel $0x180000  }
0xe2: {  	[bflag:$0x0] =	sbarrier.arrive $0xFFFF  }
0xe3: {  	_ =	strace $0x9000004A  }
0xe4: {  	s0 =	stileid.u32;
	[bflag:$0x2] =	sbarrier.arrive $0xFFFF  }
0xe5: {  	p0 =	sne.s32 s0, $0x0;
	s0 =	rddreg [dreg:$0x2]  }
0xe6: {  	s0 =	sadd.s32 @!p0 $0x100000, s0  }
0xe7: {  	[sflag:s0] =	ssyncadd.tile.s32 @!p0 $0x1;
	_ =	shalt  }
.Lfunc_end2:
_tile_overlayer_lowered:
.L_overlay_start_2:
0xe8: {  	(tag) =	ssettag $0x2  }
0xe9: {  	s0 =	rddreg [dreg:$0x0];
	s2 =	stileid.u32  }
0xea: {  	s1 =	rddreg [dreg:$0x1];
	p0 =	sne.s32 s2, $0x0  }
0xeb: {  	s3 =	rddreg [dreg:$0x2];
	[bflag:$0x3] =	sbarrier.arrive $0xFFFF;
	s2 =	simm.s32 @!p0 $0x1C03  }
0xec: {  	[timem:s3], [sflag:s2] =	dma.local @!p0 [hbm:s0], s1  }
0xed: {  	s0 =	simm.s32 @!p0 $0x3  }
0xee: {  	_ =	swait.ge @!p0 [sflag:s0], s1  }
0xef: {  	s1 =	ssub.s32 @!p0 $0x0, s1;
	[sflag:s0] =	ssyncset.done @!p0 $0x0  }
0xf0: {  	[sflag:s0] =	ssyncadd.s32 @!p0 s1  }
0xf1: {  	[bflag:$0x3] =	sbarrier.arrive $0xFFFF  }
0xf2: {  	_ =	shalt  }

// kernel: kernel.16.cloned.1.call-start
scs
__scs_entry_jumppad:
0x0: {  	(pc) =	sbr.rel $0x88, $3  }
0x1: {  	(tag) =	ssettag $0x0;
	lr =	simm.s32 $0x1  }
0x2: {  	[smem:$0x3F9E] =	sst lr;
	_ =	strace $0xD0000000  }
0x3: {  	_ = 	snop  }
0x4: {  	_ = 	snop  }
0x5: {  	_ = 	snop  }
0x6: {  	_ = 	snop  }
0x7: {  	_ = 	snop  }
__scs_overlays_trampoline_lowered:
0x8: {  	[smem:$0x3FAD] =	sst s0  }
0x9: {  	[smem:$0x3FAE] =	sst s1  }
0xa: {  	[smem:$0x3FAF] =	sst s2  }
0xb: {  	[smem:$0x3FB0] =	sst s3  }
0xc: {  	[smem:$0x3FB1] =	sst s4  }
0xd: {  	[smem:$0x3FB2] =	sst s5  }
0xe: {  	[smem:$0x3FB3] =	sst s6  }
0xf: {  	[smem:$0x3FB4] =	sst s7  }
0x10: {  	[smem:$0x3FB5] =	sst s8  }
0x11: {  	[smem:$0x3FB6] =	sst s9;
	s0 =	simm.s32 @!p0 $0x0  }
0x12: {  	s1 =	sld [smem:$0x3F9C];
	s0 =	simm.s32 @p0 $0x1  }
0x13: {  	[smem:$0x3FB7] =	sst s0;
	s0 =	simm.s32 @!p1 $0x0  }
0x14: {  	s2 =	sld [smem:$0x3F9B];
	s0 =	simm.s32 @p1 $0x1  }
0x15: {  	[smem:$0x3FB8] =	sst s0;
	s0 =	simm.s32 @!p2 $0x0  }
0x16: {  	s3 =	sld [smem:$0x3FDB];
	s0 =	simm.s32 @p2 $0x1  }
0x17: {  	s4 =	simm.s32 $0x1BF5;
	[smem:$0x3FBA] =	sst s0  }
0x18: {  	s0 =	sld [smem:$0x3F9D];
	_ =	swait.ge [sflag:s4], $0x0  }
0x19: {  	s7 =	sld [smem:$0x3F9E]  }
0x1a: {  	s8 =	sadd.s32 $0xFFFFE003, lr  }
0x1b: {  	s9 =	sadd.s32 $0xFFFFFEF7, lr;
	s5 =	simm.s32 $0xFFFFFFFF;
	p2 =	slt.u32 s8, $0xFFFFF086  }
0x1c: {  	p1 =	slt.u32 s9, $0xF7A;
	s5 =	simm.s32 @!p2 $0x0  }
0x1d: {  	s5 =	simm.s32 @p1 $0x1;
	p0 =	seq.s32 s7, s2  }
0x1e: {  	s7 =	smul.u32 @!p0 $0xF7A, s2;
	p2 =	seq.s32 @!p0 s5, $0x0  }
0x1f: {  	s9 =	smul.u32 $0xF7A, s1;
	s8 =	simm.s32 @!p0 $0x1BF5;
	p2 =	por !p2, p0  }
0x20: {  	[sflag:s8] =	ssyncset.s32 @!p0 $0xFFFFF086;
	s6 =	sadd.s32 @!p0 s3, s7;
	s7 =	simm.s32 @!p0 $0x108  }
0x21: {  	s3 =	sadd.s32 s3, s9;
	s6 =	sadd.s32 @!p0 $0x88, s6;
	s7 =	simm.s32 @p2 $0x1082  }
0x22: {  	[simem:s7], [sflag:s8] =	dma.local @!p0 [hbm:s6], $0xF7A  }
0x23: {  	s9 =	sor.u32 $0xD0000000, s2;
	s6 =	simm.s32 $0x108;
	_ =	swait.ge @!p0 [sflag:s8], $0x0  }
0x24: {  	s3 =	sadd.s32 $0x88, s3;
	s6 =	simm.s32 @!p1 $0x1082;
	[sflag:s4] =	ssyncset.s32 $0xFFFFF086  }
0x25: {  	[simem:s6], [sflag:s4] =	dma.local [hbm:s3], $0xF7A  }
0x26: {  	[smem:$0x3F9E] =	sst s1;
	(tag) =	ssettag s2;
	_ =	strace s9  }
0x27: {  	s1 =	sld [smem:$0x3FAE]  }
0x28: {  	s2 =	sld [smem:$0x3FAF]  }
0x29: {  	s4 =	sld [smem:$0x3FB1]  }
0x2a: {  	p0 =	seq.s32 s5, $0x0;
	s5 =	sld [smem:$0x3FB2]  }
0x2b: {  	s6 =	sld [smem:$0x3FB3]  }
0x2c: {  	s7 =	sld [smem:$0x3FB4]  }
0x2d: {  	s3 =	simm.s32 $0x108;
	s8 =	sld [smem:$0x3FB5]  }
0x2e: {  	s3 =	simm.s32 @!p0 $0x1082;
	s9 =	sld [smem:$0x3FB6]  }
0x2f: {  	lr =	sadd.s32 s0, s3;
	s0 =	sld [smem:$0x3FAD]  }
0x30: {  	s3 =	sld [smem:$0x3FB0]  }
0x31: {  	[smem:$0x3FB9] =	sst s10  }
0x32: {  	s10 =	sld [smem:$0x3FB7];
	_ =	sdelay $0x3  }
0x33: {  	p0 =	seq.s32 s10, $0x1;
	s10 =	sld [smem:$0x3FB9];
	_ =	sdelay $0x3  }
0x34: {  	[smem:$0x3FB9] =	sst s10  }
0x35: {  	s10 =	sld [smem:$0x3FB8];
	_ =	sdelay $0x3  }
0x36: {  	p1 =	seq.s32 s10, $0x1;
	s10 =	sld [smem:$0x3FB9];
	_ =	sdelay $0x3  }
0x37: {  	[smem:$0x3FB9] =	sst s10  }
0x38: {  	s10 =	sld [smem:$0x3FBA]  }
0x39: {  	_ = 	snop;
	(pc) =	sbr.ind lr, $3  }
0x3a: {  	_ = 	snop  }
0x3b: {  	_ = 	snop  }
0x3c: {  	p2 =	seq.s32 s10, $0x1;
	s10 =	sld [smem:$0x3FB9]  }
0x3d: {  	_ =	shalt  }
0x3e: {  	_ =	shalt  }
0x3f: {  	_ =	shalt  }
0x40: {  	_ =	shalt  }
0x41: {  	_ =	shalt  }
0x42: {  	_ =	shalt  }
0x43: {  	_ =	shalt  }
0x44: {  	_ =	shalt  }
0x45: {  	_ =	shalt  }
0x46: {  	_ =	shalt  }
0x47: {  	_ =	shalt  }
0x48: {  	_ =	shalt  }
0x49: {  	_ =	shalt  }
0x4a: {  	_ =	shalt  }
0x4b: {  	_ =	shalt  }
0x4c: {  	_ =	shalt  }
0x4d: {  	_ =	shalt  }
0x4e: {  	_ =	shalt  }
0x4f: {  	_ =	shalt  }
0x50: {  	_ =	shalt  }
0x51: {  	_ =	shalt  }
0x52: {  	_ =	shalt  }
0x53: {  	_ =	shalt  }
0x54: {  	_ =	shalt  }
0x55: {  	_ =	shalt  }
0x56: {  	_ =	shalt  }
0x57: {  	_ =	shalt  }
0x58: {  	_ =	shalt  }
0x59: {  	_ =	shalt  }
0x5a: {  	_ =	shalt  }
0x5b: {  	_ =	shalt  }
0x5c: {  	_ =	shalt  }
0x5d: {  	_ =	shalt  }
0x5e: {  	_ =	shalt  }
0x5f: {  	_ =	shalt  }
0x60: {  	_ =	shalt  }
0x61: {  	_ =	shalt  }
0x62: {  	_ =	shalt  }
0x63: {  	_ =	shalt  }
0x64: {  	_ =	shalt  }
0x65: {  	_ =	shalt  }
0x66: {  	_ =	shalt  }
0x67: {  	_ =	shalt  }
0x68: {  	_ =	shalt  }
0x69: {  	_ =	shalt  }
0x6a: {  	_ =	shalt  }
0x6b: {  	_ =	shalt  }
0x6c: {  	_ =	shalt  }
0x6d: {  	_ =	shalt  }
0x6e: {  	_ =	shalt  }
0x6f: {  	_ =	shalt  }
0x70: {  	_ =	shalt  }
0x71: {  	_ =	shalt  }
0x72: {  	_ =	shalt  }
0x73: {  	_ =	shalt  }
0x74: {  	_ =	shalt  }
0x75: {  	_ =	shalt  }
0x76: {  	_ =	shalt  }
0x77: {  	_ =	shalt  }
0x78: {  	_ =	shalt  }
0x79: {  	_ =	shalt  }
0x7a: {  	_ =	shalt  }
0x7b: {  	_ =	shalt  }
0x7c: {  	_ =	shalt  }
0x7d: {  	_ =	shalt  }
0x7e: {  	_ =	shalt  }
0x7f: {  	_ =	shalt  }
0x80: {  	_ =	shalt  }
0x81: {  	_ =	shalt  }
0x82: {  	_ =	shalt  }
0x83: {  	_ =	shalt  }
0x84: {  	_ =	shalt  }
0x85: {  	_ =	shalt  }
0x86: {  	_ =	shalt  }
0x87: {  	_ =	shalt  }
.Lfunc_end0:
.L_simem_size_0:
called_computation.2_lowered:
.L_overlay_start_0:
0x88: {  	s2 =	sld [smem:$0x3FD9]  }
0x89: {  	s3 =	sld [smem:$0x3FFE];
	_ =	sdelay $0x1  }
0x8a: {  	s1 =	srdreg.scid  }
0x8b: {  	s0 =	sand.u32 $0x1, s1  }
0x8c: {  	s17 =	sshll.u32 s0, $0xA;
	s2 =	sadd.s32 s3, s2  }
0x8d: {  	s2 =	sadd.s32 s2, s17  }
0x8e: {  	[smem:$0x3FC5] =	sst s2  }
0x8f: {  	_ = 	snop  }
0x90: {  	s2 =	sld [smem:$0x3FD0];
	(tm) =	ssettm $0x1  }
0x91: {  	s18 =	sld [smem:$0x3FFB];
	_ =	sdelay $0x3  }
0x92: {  	_ =	strace s18  }
0x93: {  	s3 =	sld [smem:$0x3FFC];
	_ =	sdelay $0x3  }
0x94: {  	_ =	strace s3  }
0x95: {  	s3 =	sld [smem:$0x3FFD];
	_ =	sdelay $0x3  }
0x96: {  	_ =	strace s3  }
0x97: {  	_ =	strace $0x8FFFFFFF  }
0x98: {  	s19 =	sld [smem:$0x3FDB];
	_ =	sdelay $0x1  }
0x99: {  	s4 =	simm.s32 $_scs_section_size  }
0x9a: {  	s5 =	simm.s32 $_size__tile_overlayer_lowered;
	s6 =	simm.s32 $_tile_overlayer_lowered  }
0x9b: {  	s22 =	simm.s32 $0x1BFF;
	s21 =	sshll.u32 s6, $0x1;
	s3 =	sadd.s32 s4, s19  }
0x9c: {  	s7 =	simm.s32 $0x0;
	s20 =	sshll.u32 s5, $0x1;
	s5 =	sadd.s32 s21, s3  }
0x9d: {  	[timem:s7], [sflag:s22] =	dma.local [hbm:s5], s20  }
0x9e: {  	_ =	swait.ge [sflag:s22], s20  }
0x9f: {  	s4 =	ssub.s32 $0x0, s20;
	[sflag:s22] =	ssyncset.done $0x0  }
0xa0: {  	[sflag:s22] =	ssyncadd.s32 s4;
	_ =	sdelay $0x1  }
0xa1: {  	s23 =	simm.s32 $0x1B8B  }
0xa2: {  	_ =	swait.ge [sflag:s23], $0x1  }
0xa3: {  	[sflag:s23] =	ssyncset.done $0x0  }
0xa4: {  	s25 =	simm.s32 $0x1B8E;
	s24 =	sld [smem:$0x3FFE];
	[sflag:s23] =	ssyncadd.s32 $0xFFFFFFFF  }
0xa5: {  	s26 =	simm.s32 $execute0_lowered;
	[smem:$0x3FD2] =	sst s25  }
0xa6: {  	s5 =	sshll.u32 s26, $0x1;
	_ =	strace $0x8000004C;
	[dreg:$0x1] =	wrdreg $0xFFFFFFFF  }
0xa7: {  	s28 =	simm.s32 $_size_execute0_lowered;
	s3 =	sadd.s32 s3, s5;
	[dreg:$0x0] =	wrdreg $0x0  }
0xa8: {  	s5 =	sshll.u32 s28, $0x1;
	[dreg:$0x2] =	wrdreg s3  }
0xa9: {  	[dreg:$0x3] =	wrdreg s5  }
0xaa: {  	[dreg:$0x4] =	wrdreg $0xC0  }
0xab: {  	_ =	task [dreg:s7], $0x5FFFF  }
0xac: {  	[dreg:$0x1] =	wrdreg $0xFFFFFFFF  }
0xad: {  	[dreg:$0x0] =	wrdreg $0x60  }
0xae: {  	[dreg:$0x2] =	wrdreg s2  }
0xaf: {  	[dreg:$0x3] =	wrdreg s24  }
0xb0: {  	[dreg:$0x4] =	wrdreg $0x9  }
0xb1: {  	_ =	task.clear_ibuf [dreg:s7], $0x5FFFF;
	_ =	strace $0x9000004C  }
0xb2: {  	s29 =	simm.s32 $0x9;
	_ =	strace $0x8000004E  }
0xb3: {  	_ =	swait.ge [sflag:s29], $0x1  }
0xb4: {  	[sflag:s29] =	ssyncadd.s32 $0xFFFFFFFF  }
0xb5: {  	_ =	strace $0x9000004E  }
0xb6: {  	_ =	sfence  }
0xb7: {  	s30 =	sld [smem:$0x0];
	_ =	sdelay $0x2  }
0xb8: {  	s31 =	sshll.u32 s1, $0xD;
	s1 =	sshrl.u32 s1, $0x2  }
0xb9: {  	s3 =	sand.u32 $0x4000, s31;
	s1 =	sadd.s32 s1, s30  }
0xba: {  	s0 =	sor.u32 s3, s0;
	s1 =	sshll.u32 s1, $0x11  }
0xbb: {  	s0 =	sor.u32 s1, s0  }
0xbc: {  	s0 =	sadd.s32 $0x8F2B, s0  }
0xbd: {  	[sflag:s0] =	ssyncadd.remote.s32 $0x1  }
0xbe: {  	_ =	sfence.sel $0xFFFF  }
0xbf: {  	[dreg:$0x0] =	wrdreg $0xFFFFFFFF;
	(pc) =	sbr.abs _section_cstart, $3  }
0xc0: {  	[dreg:$0x1] =	wrdreg $0xFFFFFFFF  }
0xc1: {  	_ =	task.clear_ibuf [dreg:s7], $0x2FFFF;
	_ =	strace $0x9FFFFFFF  }
0xc2: {  	(tm) =	ssettm $0x7FFFFFFF  }
0xc3: {  	_ =	shalt  }
tec
execute0_lowered:
.L_overlay_start_1:
0x0: {  	(tag) =	ssettag $0x1  }
0x1: {  	s1 =	srdreg.scid;
	s2 =	rddreg [dreg:$0x0]  }
0x2: {  	s0 =	stileid.u32;
	s5 =	rddreg [dreg:$0x1];
	s3 =	simm.s32 $0x0  }
0x3: {  	s8 =	simm.s32 $0x1;
	s11 =	simm.s32 $0x15000;
	s12 =	simm.s32 $0xB000  }
0x4: {  	s13 =	simm.s32 $0x15180;
	s4 =	sand.u32 $0x1, s1;
	s30 =	sshll.u32 s0, $0x1  }
0x5: {  	s14 =	simm.s32 $0x0;
	s1 =	rddreg [dreg:$0x2];
	s6 =	sor.u32 s4, s30  }
0x6: {  	[smem:$0x7FF] =	sst s3;
	s7 =	ssub.s32 $0x2, s4;
	s9 =	smul.u32 $0x140, s6  }
0x7: {  	_ =	strace $0x8000004D;
	s4 =	sadd.s32 $0x6000, s5;
	s31 =	sshrl.u32 s7, $0x1  }
0x8: {  	s7 =	ssub.s32 s7, s31;
	s6 =	sshrl.u32 s9, $0x3;
	s10 =	sadd.s32 $0x140, s9  }
0x9: {  	v2 =	vlaneseq.u32;
	v3 =	vimm.f32 $-3.000000010e+38;
	s7 =	smax.u32 s7, $0x1;
	v0 =	vmov s9;
	s9 =	simm.s32 $0x800;
	s6 =	sadd.s32 s6, s5  }
0xa: {  	v4 =	vimm.f32 $0.0e+00;
	v5 =	vmul.u32 $0x80, v2;
	v1 =	vmov s10;
	s10 =	simm.s32 $0x1000;
	s5 =	sadd.s32 $0x1000, s6;
	s6 =	sadd.s32 $0x1600, s6  }
.LBB2_1:
0xb: {  	s15 =	simm.s32 $0x200;
	s16 =	simm.s32 $0x0  }
.LBB2_2:
0xc: {  	p0 =	sne.s32 s15, $0x27E00;
	[tilespmem:s16+$0x1000] =	vst v3;
	s17 =	smov.u32 s15;
	s15 =	sadd.s32 $0x200, s15  }
.Ltmp0:
0xd: {  	[tilespmem:s16+$0xB000] =	vst v4;
	(pc) =	sbr.rel @p0 .LBB2_2-.Ltmp0, $2  }
0xe: {  	_ =	sdelay $0x2  }
0xf: {  	s16 =	sshra.s32 s17, $0x2  }
0x10: {  	[tilespmem:s16+$0x1000] =	vst v3  }
0x11: {  	s15 =	simm.s32 $0x0;
	[tilespmem:s16+$0xB000] =	vst v4;
	s16 =	simm.s32 $0x0  }
.LBB2_4:
0x12: {  	s17 =	smul.u32 $0xFA, s16;
	_ =	sdelay $0x1  }
0x13: {  	s18 =	sadd.s32 s2, s17  }
0x14: {  	[tilespmem:s15], [sflag:$0x1] =	stream.linear.gather [hbm4b:s18+s15], $0x7D0, $0x38;
	[tilespmem:$0x15300] =	vst v63  }
0x15: {  	_ =	swait.ge [sflag:s8], $0x7D0  }
0x16: {  	[sflag:s8] =	ssyncset.done $0x0  }
0x17: {  	s17 =	sadd.s32 s4, s17;
	[sflag:s8] =	ssyncadd.s32 $0xFFFFF830  }
0x18: {  	[tilespmem:s9], [sflag:$0x1] =	stream.linear.gather [hbm4b:s17+s15], $0x7D0, $0x38;
	[tilespmem:$0x15300] =	vst v63  }
0x19: {  	_ =	swait.ge [sflag:s8], $0x7D0  }
0x1a: {  	[sflag:s8] =	ssyncset.done $0x0  }
0x1b: {  	s18 =	simm.s32 $0x40;
	s17 =	simm.s32 $0x0;
	[sflag:s8] =	ssyncadd.s32 $0xFFFFF830  }
.LBB2_5:
0x1c: {  	p0 =	sne.s32 s18, $0x1F00;
	v6 =	vld [tilespmem:s17+$0x800];
	_ =	sdelay $0x4  }
0x1d: {  	v7 =	vsub.s32 v6, v0  }
0x1e: {  	vm0 =	vge.s32 v6, v0;
	vm1 =	vlt.s32 v6, v1;
	v6 =	vshll.u32 v7, $0x7  }
0x1f: {  	vm0 =	vmand vm0, vm1;
	v6 =	vor.u32 v2, v6  }
0x20: {  	v6 =	vsel vm0, v6, v2;
	_ =	sdelay $0x4  }
0x21: {  	v7 =	vld.idx.msk [tilespmem:v6+s10+$0x0], vm0  }
0x22: {  	v8 =	vld [tilespmem:s17+$0x0];
	_ =	sdelay $0x1  }
.Ltmp1:
0x23: {  	(pc) =	sbr.rel @p0 .LBB2_5-.Ltmp1, $3  }
0x24: {  	_ =	sdelay $0x1  }
0x25: {  	v7 =	vmax.f32 v7, v8  }
0x26: {  	s17 =	sshra.s32 s18, $0x2;
	s18 =	sadd.s32 $0x40, s18;
	[tilespmem:v6+s10+$0x0] =	vst.idx.msk vm0, v7  }
0x27: {  	v6 =	vld [tilespmem:s17+$0x800];
	_ =	sdelay $0x4  }
0x28: {  	v7 =	vsub.s32 v6, v0  }
0x29: {  	vm0 =	vge.s32 v6, v0;
	vm1 =	vlt.s32 v6, v1;
	v6 =	vshll.u32 v7, $0x7  }
0x2a: {  	vm0 =	vmand vm0, vm1;
	v6 =	vor.u32 v2, v6  }
0x2b: {  	v6 =	vsel vm0, v6, v2;
	_ =	sdelay $0x3  }
0x2c: {  	v8 =	vld [tilespmem:s17+$0x0]  }
0x2d: {  	s16 =	sadd.s32 $0x1, s16;
	v7 =	vld.idx.msk [tilespmem:v6+s10+$0x0], vm0  }
0x2e: {  	p0 =	sne.s32 s16, $0x50  }
.Ltmp2:
0x2f: {  	_ = 	snop;
	(pc) =	sbr.rel @p0 .LBB2_4-.Ltmp2, $3  }
0x30: {  	_ =	sdelay $0x1  }
0x31: {  	v7 =	vmax.f32 v7, v8  }
0x32: {  	s17 =	simm.s32 $0x0;
	[tilespmem:v6+s10+$0x0] =	vst.idx.msk vm0, v7  }
0x33: {  	s16 =	simm.s32 $0x0  }
.LBB2_8:
0x34: {  	s15 =	sshll.u32 s16, $0x4;
	v6 =	vmov s17  }
0x35: {  	v7 =	vmov s15;
	v6 =	vand.u32 $0x7F, v6  }
0x36: {  	v7 =	vshll.u32 v7, $0x7;
	v8 =	vbroadcast v6, $0x0  }
0x37: {  	v6 =	vor.u32 v5, v7  }
0x38: {  	s18 =	simm.s32 $0x1;
	v8 =	vor.u32 v6, v8  }
0x39: {  	v7 =	vmov s18  }
0x3a: {  	v7 =	vand.u32 $0x7F, v7  }
0x3b: {  	v9 =	vbroadcast v7, $0x0;
	_ =	sdelay $0x1  }
0x3c: {  	s18 =	simm.s32 $0x2;
	v7 =	vimm.f32 $-3.000000010e+38;
	v9 =	vor.u32 v6, v9;
	v8 =	vld.idx.msk [tilespmem:v8+s10+$0x0], $0xffff  }
.LBB2_9:
0x3d: {  	p0 =	sne.s32 s18, $0xF  }
.Ltmp3:
0x3e: {  	v10 =	vmov s18;
	s18 =	sadd.s32 $0x1, s18;
	(pc) =	sbr.rel @p0 .LBB2_9-.Ltmp3, $4  }
0x3f: {  	v10 =	vand.u32 $0x7F, v10  }
0x40: {  	v10 =	vbroadcast v10, $0x0  }
0x41: {  	v7 =	vmax.f32 v7, v8;
	v8 =	vld.idx.msk [tilespmem:v9+s10+$0x0], $0xffff  }
0x42: {  	v9 =	vor.u32 v6, v10  }
0x43: {  	_ =	sdelay $0x3  }
0x44: {  	v6 =	vld.idx.msk [tilespmem:v9+s10+$0x0], $0xffff;
	s16 =	sadd.s32 $0x1, s16  }
0x45: {  	p0 =	sne.s32 s16, $0x14  }
.Ltmp4:
0x46: {  	_ = 	snop;
	(pc) =	sbr.rel @p0 .LBB2_8-.Ltmp4, $4  }
0x47: {  	_ = 	snop  }
0x48: {  	v7 =	vmax.f32 v7, v8  }
0x49: {  	v6 =	vmax.f32 v7, v6  }
0x4a: {  	[tilespmem:s15+$0x15000] =	vst v6;
	s15 =	simm.s32 $0x0  }
0x4b: {  	s16 =	simm.s32 $0x0  }
.LBB2_12:
0x4c: {  	s17 =	smul.u32 $0xFA, s16;
	_ =	sdelay $0x1  }
0x4d: {  	s18 =	sadd.s32 s2, s17  }
0x4e: {  	[tilespmem:s15], [sflag:$0x1] =	stream.linear.gather [hbm4b:s18+s15], $0x7D0, $0x38;
	[tilespmem:$0x15300] =	vst v63  }
0x4f: {  	_ =	swait.ge [sflag:s8], $0x7D0  }
0x50: {  	[sflag:s8] =	ssyncset.done $0x0  }
0x51: {  	s17 =	sadd.s32 s4, s17;
	[sflag:s8] =	ssyncadd.s32 $0xFFFFF830  }
0x52: {  	[tilespmem:s9], [sflag:$0x1] =	stream.linear.gather [hbm4b:s17+s15], $0x7D0, $0x38;
	[tilespmem:$0x15300] =	vst v63  }
0x53: {  	_ =	swait.ge [sflag:s8], $0x7D0  }
0x54: {  	[sflag:s8] =	ssyncset.done $0x0  }
0x55: {  	s18 =	simm.s32 $0x0;
	s17 =	simm.s32 $0x40;
	[sflag:s8] =	ssyncadd.s32 $0xFFFFF830  }
.LBB2_13:
0x56: {  	p0 =	sne.s32 s17, $0x1F00;
	v6 =	vld [tilespmem:s18+$0x800];
	_ =	sdelay $0x4  }
0x57: {  	vm0 =	vge.s32 v6, v0;
	vm1 =	vlt.s32 v6, v1  }
0x58: {  	v6 =	vsub.s32 v6, v0;
	vm0 =	vmand vm0, vm1  }
0x59: {  	v6 =	vnsel vm0, $0x0, v6;
	_ =	sdelay $0x4  }
0x5a: {  	v7 =	vld.idx.msk [tilespmem:v6+s11+$0x0], vm0  }
0x5b: {  	v8 =	vld [tilespmem:s18+$0x0];
	_ =	sdelay $0x4  }
0x5c: {  	v7 =	vsub.f32 v8, v7;
	_ =	sdelay $0x1  }
0x5d: {  	v7 =	vmul.f32 $1.442695020e+00, v7;
	_ =	sdelay $0x1  }
0x5e: {  	(erf) = vpow2.f32 v7;
	_ =	sdelay $0x4  }
0x5f: {  	v6 =	vshll.u32 v6, $0x7  }
0x60: {  	v6 =	vor.u32 v2, v6  }
.Ltmp5:
0x61: {  	(pc) =	sbr.rel @p0 .LBB2_13-.Ltmp5, $4  }
0x62: {  	_ = 	snop  }
0x63: {  	v7 =	vpop (erf)  }
0x64: {  	v7 =	vnsel vm0, $0x0, v7  }
0x65: {  	s18 =	sshra.s32 s17, $0x2;
	s17 =	sadd.s32 $0x40, s17;
	[tilespmem:v6+s12+$0x0] =	vst.idx.add.f32.msk vm0, v7  }
0x66: {  	v6 =	vld [tilespmem:s18+$0x800];
	_ =	sdelay $0x4  }
0x67: {  	vm0 =	vge.s32 v6, v0;
	vm1 =	vlt.s32 v6, v1  }
0x68: {  	v6 =	vsub.s32 v6, v0;
	vm0 =	vmand vm0, vm1  }
0x69: {  	v6 =	vnsel vm0, $0x0, v6;
	_ =	sdelay $0x3  }
0x6a: {  	v8 =	vld [tilespmem:s18+$0x0]  }
0x6b: {  	v7 =	vld.idx.msk [tilespmem:v6+s11+$0x0], vm0;
	_ =	sdelay $0x4  }
0x6c: {  	v7 =	vsub.f32 v8, v7;
	_ =	sdelay $0x1  }
0x6d: {  	v7 =	vmul.f32 $1.442695020e+00, v7;
	_ =	sdelay $0x1  }
0x6e: {  	(erf) = vpow2.f32 v7;
	_ =	sdelay $0x4  }
0x6f: {  	s16 =	sadd.s32 $0x1, s16;
	v6 =	vshll.u32 v6, $0x7  }
0x70: {  	p0 =	sne.s32 s16, $0x50;
	v6 =	vor.u32 v2, v6  }
.Ltmp6:
0x71: {  	_ = 	snop;
	(pc) =	sbr.rel @p0 .LBB2_12-.Ltmp6, $4  }
0x72: {  	_ = 	snop  }
0x73: {  	v7 =	vpop (erf)  }
0x74: {  	v7 =	vnsel vm0, $0x0, v7  }
0x75: {  	s17 =	simm.s32 $0x0;
	[tilespmem:v6+s12+$0x0] =	vst.idx.add.f32.msk vm0, v7  }
0x76: {  	s15 =	simm.s32 $0x0  }
.LBB2_16:
0x77: {  	s16 =	sshll.u32 s15, $0x4;
	v6 =	vmov s17  }
0x78: {  	v7 =	vmov s16;
	v6 =	vand.u32 $0x7F, v6  }
0x79: {  	v7 =	vshll.u32 v7, $0x7;
	v8 =	vbroadcast v6, $0x0  }
0x7a: {  	v6 =	vor.u32 v5, v7  }
0x7b: {  	s18 =	simm.s32 $0x1;
	v8 =	vor.u32 v6, v8  }
0x7c: {  	v7 =	vmov s18  }
0x7d: {  	v7 =	vand.u32 $0x7F, v7  }
0x7e: {  	v9 =	vbroadcast v7, $0x0;
	_ =	sdelay $0x1  }
0x7f: {  	s18 =	simm.s32 $0x2;
	v7 =	vimm.f32 $0.0e+00;
	v9 =	vor.u32 v6, v9;
	v8 =	vld.idx.msk [tilespmem:v8+s12+$0x0], $0xffff  }
.LBB2_17:
0x80: {  	p0 =	sne.s32 s18, $0xF  }
.Ltmp7:
0x81: {  	v10 =	vmov s18;
	s18 =	sadd.s32 $0x1, s18;
	(pc) =	sbr.rel @p0 .LBB2_17-.Ltmp7, $4  }
0x82: {  	v10 =	vand.u32 $0x7F, v10  }
0x83: {  	v10 =	vbroadcast v10, $0x0  }
0x84: {  	v7 =	vadd.f32 v8, v7;
	v8 =	vld.idx.msk [tilespmem:v9+s12+$0x0], $0xffff  }
0x85: {  	v9 =	vor.u32 v6, v10  }
0x86: {  	_ =	sdelay $0x3  }
0x87: {  	v6 =	vld.idx.msk [tilespmem:v9+s12+$0x0], $0xffff  }
0x88: {  	s15 =	sadd.s32 $0x1, s15  }
0x89: {  	p0 =	sne.s32 s15, $0x14  }
.Ltmp8:
0x8a: {  	v7 =	vadd.f32 v8, v7;
	(pc) =	sbr.rel @p0 .LBB2_16-.Ltmp8, $3  }
0x8b: {  	_ = 	snop  }
0x8c: {  	v6 =	vadd.f32 v6, v7;
	_ =	sdelay $0x1  }
0x8d: {  	[tilespmem:s16+$0x15180] =	vst v6  }
0x8e: {  	[hbm4b:s5+s3] =	stream.linear.scatter [tilespmem:s11], [sflag:$0x1], $0x140, $0x38;
	[tilespmem:$0x15300] =	vst v63  }
0x8f: {  	s14 =	sadd.s32 $0x1, s14;
	_ =	swait.ge [sflag:s8], $0x140  }
0x90: {  	p0 =	sne.s32 s14, s7;
	[sflag:s8] =	ssyncset.done $0x0  }
.Ltmp9:
0x91: {  	[sflag:s8] =	ssyncadd.s32 $0xFFFFFEC0;
	(pc) =	sbr.rel @p0 .LBB2_1-.Ltmp9, $4  }
0x92: {  	[hbm4b:s6+s3] =	stream.linear.scatter [tilespmem:s13], [sflag:$0x1], $0x140, $0x38;
	[tilespmem:$0x15300] =	vst v63  }
0x93: {  	_ =	swait.ge [sflag:s8], $0x140  }
0x94: {  	[sflag:s8] =	ssyncset.done $0x0  }
0x95: {  	[sflag:s8] =	ssyncadd.s32 $0xFFFFFEC0  }
0x96: {  	_ =	sfence.sel $0x180000  }
0x97: {  	[bflag:$0x0] =	sbarrier.arrive $0xFFFF  }
0x98: {  	p0 =	sne.s32 s0, $0x0;
	_ =	strace $0x9000004D  }
0x99: {  	s0 =	sadd.s32 @!p0 $0x100000, s1;
	[bflag:$0x2] =	sbarrier.arrive $0xFFFF  }
0x9a: {  	[sflag:s0] =	ssyncadd.tile.s32 @!p0 $0x1;
	_ =	shalt  }
.Lfunc_end2:
_tile_overlayer_lowered:
.L_overlay_start_2:
0x9b: {  	(tag) =	ssettag $0x2  }
0x9c: {  	s0 =	rddreg [dreg:$0x0];
	s2 =	stileid.u32  }
0x9d: {  	s1 =	rddreg [dreg:$0x1];
	p0 =	sne.s32 s2, $0x0  }
0x9e: {  	s3 =	rddreg [dreg:$0x2];
	[bflag:$0x3] =	sbarrier.arrive $0xFFFF;
	s2 =	simm.s32 @!p0 $0x1C01  }
0x9f: {  	[timem:s3], [sflag:s2] =	dma.local @!p0 [hbm:s0], s1  }
0xa0: {  	s0 =	simm.s32 @!p0 $0x1  }
0xa1: {  	_ =	swait.ge @!p0 [sflag:s0], s1  }
0xa2: {  	s1 =	ssub.s32 @!p0 $0x0, s1;
	[sflag:s0] =	ssyncset.done @!p0 $0x0  }
0xa3: {  	[sflag:s0] =	ssyncadd.s32 @!p0 s1  }
0xa4: {  	[bflag:$0x3] =	sbarrier.arrive $0xFFFF  }
0xa5: {  	_ =	shalt  }

// kernel: kernel.19.cloned.1.call-start
scs
__scs_entry_jumppad:
0x0: {  	(pc) =	sbr.rel $0x88, $3  }
0x1: {  	(tag) =	ssettag $0x0;
	lr =	simm.s32 $0x1  }
0x2: {  	[smem:$0x3F9E] =	sst lr;
	_ =	strace $0xD0000000  }
0x3: {  	_ = 	snop  }
0x4: {  	_ = 	snop  }
0x5: {  	_ = 	snop  }
0x6: {  	_ = 	snop  }
0x7: {  	_ = 	snop  }
__scs_overlays_trampoline_lowered:
0x8: {  	[smem:$0x3FAD] =	sst s0  }
0x9: {  	[smem:$0x3FAE] =	sst s1  }
0xa: {  	[smem:$0x3FAF] =	sst s2  }
0xb: {  	[smem:$0x3FB0] =	sst s3  }
0xc: {  	[smem:$0x3FB1] =	sst s4  }
0xd: {  	[smem:$0x3FB2] =	sst s5  }
0xe: {  	[smem:$0x3FB3] =	sst s6  }
0xf: {  	[smem:$0x3FB4] =	sst s7  }
0x10: {  	[smem:$0x3FB5] =	sst s8  }
0x11: {  	[smem:$0x3FB6] =	sst s9;
	s0 =	simm.s32 @!p0 $0x0  }
0x12: {  	s1 =	sld [smem:$0x3F9C];
	s0 =	simm.s32 @p0 $0x1  }
0x13: {  	[smem:$0x3FB7] =	sst s0;
	s0 =	simm.s32 @!p1 $0x0  }
0x14: {  	s2 =	sld [smem:$0x3F9B];
	s0 =	simm.s32 @p1 $0x1  }
0x15: {  	[smem:$0x3FB8] =	sst s0;
	s0 =	simm.s32 @!p2 $0x0  }
0x16: {  	s3 =	sld [smem:$0x3FDB];
	s0 =	simm.s32 @p2 $0x1  }
0x17: {  	s4 =	simm.s32 $0x1BF5;
	[smem:$0x3FBA] =	sst s0  }
0x18: {  	s0 =	sld [smem:$0x3F9D];
	_ =	swait.ge [sflag:s4], $0x0  }
0x19: {  	s7 =	sld [smem:$0x3F9E]  }
0x1a: {  	s8 =	sadd.s32 $0xFFFFE003, lr  }
0x1b: {  	s9 =	sadd.s32 $0xFFFFFEF7, lr;
	s5 =	simm.s32 $0xFFFFFFFF;
	p2 =	slt.u32 s8, $0xFFFFF086  }
0x1c: {  	p1 =	slt.u32 s9, $0xF7A;
	s5 =	simm.s32 @!p2 $0x0  }
0x1d: {  	s5 =	simm.s32 @p1 $0x1;
	p0 =	seq.s32 s7, s2  }
0x1e: {  	s7 =	smul.u32 @!p0 $0xF7A, s2;
	p2 =	seq.s32 @!p0 s5, $0x0  }
0x1f: {  	s9 =	smul.u32 $0xF7A, s1;
	s8 =	simm.s32 @!p0 $0x1BF5;
	p2 =	por !p2, p0  }
0x20: {  	[sflag:s8] =	ssyncset.s32 @!p0 $0xFFFFF086;
	s6 =	sadd.s32 @!p0 s3, s7;
	s7 =	simm.s32 @!p0 $0x108  }
0x21: {  	s3 =	sadd.s32 s3, s9;
	s6 =	sadd.s32 @!p0 $0x88, s6;
	s7 =	simm.s32 @p2 $0x1082  }
0x22: {  	[simem:s7], [sflag:s8] =	dma.local @!p0 [hbm:s6], $0xF7A  }
0x23: {  	s9 =	sor.u32 $0xD0000000, s2;
	s6 =	simm.s32 $0x108;
	_ =	swait.ge @!p0 [sflag:s8], $0x0  }
0x24: {  	s3 =	sadd.s32 $0x88, s3;
	s6 =	simm.s32 @!p1 $0x1082;
	[sflag:s4] =	ssyncset.s32 $0xFFFFF086  }
0x25: {  	[simem:s6], [sflag:s4] =	dma.local [hbm:s3], $0xF7A  }
0x26: {  	[smem:$0x3F9E] =	sst s1;
	(tag) =	ssettag s2;
	_ =	strace s9  }
0x27: {  	s1 =	sld [smem:$0x3FAE]  }
0x28: {  	s2 =	sld [smem:$0x3FAF]  }
0x29: {  	s4 =	sld [smem:$0x3FB1]  }
0x2a: {  	p0 =	seq.s32 s5, $0x0;
	s5 =	sld [smem:$0x3FB2]  }
0x2b: {  	s6 =	sld [smem:$0x3FB3]  }
0x2c: {  	s7 =	sld [smem:$0x3FB4]  }
0x2d: {  	s3 =	simm.s32 $0x108;
	s8 =	sld [smem:$0x3FB5]  }
0x2e: {  	s3 =	simm.s32 @!p0 $0x1082;
	s9 =	sld [smem:$0x3FB6]  }
0x2f: {  	lr =	sadd.s32 s0, s3;
	s0 =	sld [smem:$0x3FAD]  }
0x30: {  	s3 =	sld [smem:$0x3FB0]  }
0x31: {  	[smem:$0x3FB9] =	sst s10  }
0x32: {  	s10 =	sld [smem:$0x3FB7];
	_ =	sdelay $0x3  }
0x33: {  	p0 =	seq.s32 s10, $0x1;
	s10 =	sld [smem:$0x3FB9];
	_ =	sdelay $0x3  }
0x34: {  	[smem:$0x3FB9] =	sst s10  }
0x35: {  	s10 =	sld [smem:$0x3FB8];
	_ =	sdelay $0x3  }
0x36: {  	p1 =	seq.s32 s10, $0x1;
	s10 =	sld [smem:$0x3FB9];
	_ =	sdelay $0x3  }
0x37: {  	[smem:$0x3FB9] =	sst s10  }
0x38: {  	s10 =	sld [smem:$0x3FBA]  }
0x39: {  	_ = 	snop;
	(pc) =	sbr.ind lr, $3  }
0x3a: {  	_ = 	snop  }
0x3b: {  	_ = 	snop  }
0x3c: {  	p2 =	seq.s32 s10, $0x1;
	s10 =	sld [smem:$0x3FB9]  }
0x3d: {  	_ =	shalt  }
0x3e: {  	_ =	shalt  }
0x3f: {  	_ =	shalt  }
0x40: {  	_ =	shalt  }
0x41: {  	_ =	shalt  }
0x42: {  	_ =	shalt  }
0x43: {  	_ =	shalt  }
0x44: {  	_ =	shalt  }
0x45: {  	_ =	shalt  }
0x46: {  	_ =	shalt  }
0x47: {  	_ =	shalt  }
0x48: {  	_ =	shalt  }
0x49: {  	_ =	shalt  }
0x4a: {  	_ =	shalt  }
0x4b: {  	_ =	shalt  }
0x4c: {  	_ =	shalt  }
0x4d: {  	_ =	shalt  }
0x4e: {  	_ =	shalt  }
0x4f: {  	_ =	shalt  }
0x50: {  	_ =	shalt  }
0x51: {  	_ =	shalt  }
0x52: {  	_ =	shalt  }
0x53: {  	_ =	shalt  }
0x54: {  	_ =	shalt  }
0x55: {  	_ =	shalt  }
0x56: {  	_ =	shalt  }
0x57: {  	_ =	shalt  }
0x58: {  	_ =	shalt  }
0x59: {  	_ =	shalt  }
0x5a: {  	_ =	shalt  }
0x5b: {  	_ =	shalt  }
0x5c: {  	_ =	shalt  }
0x5d: {  	_ =	shalt  }
0x5e: {  	_ =	shalt  }
0x5f: {  	_ =	shalt  }
0x60: {  	_ =	shalt  }
0x61: {  	_ =	shalt  }
0x62: {  	_ =	shalt  }
0x63: {  	_ =	shalt  }
0x64: {  	_ =	shalt  }
0x65: {  	_ =	shalt  }
0x66: {  	_ =	shalt  }
0x67: {  	_ =	shalt  }
0x68: {  	_ =	shalt  }
0x69: {  	_ =	shalt  }
0x6a: {  	_ =	shalt  }
0x6b: {  	_ =	shalt  }
0x6c: {  	_ =	shalt  }
0x6d: {  	_ =	shalt  }
0x6e: {  	_ =	shalt  }
0x6f: {  	_ =	shalt  }
0x70: {  	_ =	shalt  }
0x71: {  	_ =	shalt  }
0x72: {  	_ =	shalt  }
0x73: {  	_ =	shalt  }
0x74: {  	_ =	shalt  }
0x75: {  	_ =	shalt  }
0x76: {  	_ =	shalt  }
0x77: {  	_ =	shalt  }
0x78: {  	_ =	shalt  }
0x79: {  	_ =	shalt  }
0x7a: {  	_ =	shalt  }
0x7b: {  	_ =	shalt  }
0x7c: {  	_ =	shalt  }
0x7d: {  	_ =	shalt  }
0x7e: {  	_ =	shalt  }
0x7f: {  	_ =	shalt  }
0x80: {  	_ =	shalt  }
0x81: {  	_ =	shalt  }
0x82: {  	_ =	shalt  }
0x83: {  	_ =	shalt  }
0x84: {  	_ =	shalt  }
0x85: {  	_ =	shalt  }
0x86: {  	_ =	shalt  }
0x87: {  	_ =	shalt  }
.Lfunc_end0:
.L_simem_size_0:
called_computation.3_lowered:
.L_overlay_start_0:
0x88: {  	s2 =	sld [smem:$0x3FD9]  }
0x89: {  	s3 =	sld [smem:$0x3FFE];
	_ =	sdelay $0x1  }
0x8a: {  	s1 =	srdreg.scid  }
0x8b: {  	s0 =	sand.u32 $0x1, s1  }
0x8c: {  	s17 =	sshll.u32 s0, $0xA;
	s2 =	sadd.s32 s3, s2  }
0x8d: {  	s2 =	sadd.s32 s2, s17  }
0x8e: {  	[smem:$0x3FC5] =	sst s2  }
0x8f: {  	_ = 	snop  }
0x90: {  	s2 =	sld [smem:$0x3FD0];
	(tm) =	ssettm $0x1  }
0x91: {  	s18 =	sld [smem:$0x3FFB];
	_ =	sdelay $0x3  }
0x92: {  	_ =	strace s18  }
0x93: {  	s3 =	sld [smem:$0x3FFC];
	_ =	sdelay $0x3  }
0x94: {  	_ =	strace s3  }
0x95: {  	s3 =	sld [smem:$0x3FFD];
	_ =	sdelay $0x3  }
0x96: {  	_ =	strace s3  }
0x97: {  	_ =	strace $0x8FFFFFFF  }
0x98: {  	s19 =	sld [smem:$0x3FDB];
	_ =	sdelay $0x1  }
0x99: {  	s4 =	simm.s32 $_scs_section_size  }
0x9a: {  	s5 =	simm.s32 $_size__tile_overlayer_lowered;
	s6 =	simm.s32 $_tile_overlayer_lowered  }
0x9b: {  	s22 =	simm.s32 $0x1BFF;
	s21 =	sshll.u32 s6, $0x1;
	s3 =	sadd.s32 s4, s19  }
0x9c: {  	s7 =	simm.s32 $0x0;
	s20 =	sshll.u32 s5, $0x1;
	s5 =	sadd.s32 s21, s3  }
0x9d: {  	[timem:s7], [sflag:s22] =	dma.local [hbm:s5], s20  }
0x9e: {  	_ =	swait.ge [sflag:s22], s20  }
0x9f: {  	s4 =	ssub.s32 $0x0, s20;
	[sflag:s22] =	ssyncset.done $0x0  }
0xa0: {  	[sflag:s22] =	ssyncadd.s32 s4;
	_ =	sdelay $0x1  }
0xa1: {  	s23 =	simm.s32 $0x1B8B  }
0xa2: {  	_ =	swait.ge [sflag:s23], $0x1  }
0xa3: {  	[sflag:s23] =	ssyncset.done $0x0  }
0xa4: {  	s25 =	simm.s32 $0x1B8E;
	s24 =	sld [smem:$0x3FFE];
	[sflag:s23] =	ssyncadd.s32 $0xFFFFFFFF  }
0xa5: {  	s26 =	simm.s32 $execute0_lowered;
	[smem:$0x3FD2] =	sst s25  }
0xa6: {  	s5 =	sshll.u32 s26, $0x1;
	_ =	strace $0x8000004F;
	[dreg:$0x1] =	wrdreg $0xFFFFFFFF  }
0xa7: {  	s28 =	simm.s32 $_size_execute0_lowered;
	s3 =	sadd.s32 s3, s5;
	[dreg:$0x0] =	wrdreg $0x0  }
0xa8: {  	s5 =	sshll.u32 s28, $0x1;
	[dreg:$0x2] =	wrdreg s3  }
0xa9: {  	[dreg:$0x3] =	wrdreg s5  }
0xaa: {  	[dreg:$0x4] =	wrdreg $0xC0  }
0xab: {  	_ =	task [dreg:s7], $0x5FFFF  }
0xac: {  	[dreg:$0x1] =	wrdreg $0xFFFFFFFF  }
0xad: {  	[dreg:$0x0] =	wrdreg $0x60  }
0xae: {  	[dreg:$0x2] =	wrdreg s2  }
0xaf: {  	[dreg:$0x3] =	wrdreg s24  }
0xb0: {  	[dreg:$0x4] =	wrdreg $0x9  }
0xb1: {  	_ =	task.clear_ibuf [dreg:s7], $0x5FFFF;
	_ =	strace $0x9000004F  }
0xb2: {  	s29 =	simm.s32 $0x9;
	_ =	strace $0x80000051  }
0xb3: {  	_ =	swait.ge [sflag:s29], $0x1  }
0xb4: {  	[sflag:s29] =	ssyncadd.s32 $0xFFFFFFFF  }
0xb5: {  	_ =	strace $0x90000051  }
0xb6: {  	_ =	sfence  }
0xb7: {  	s30 =	sld [smem:$0x0];
	_ =	sdelay $0x2  }
0xb8: {  	s31 =	sshll.u32 s1, $0xD;
	s1 =	sshrl.u32 s1, $0x2  }
0xb9: {  	s3 =	sand.u32 $0x4000, s31;
	s1 =	sadd.s32 s1, s30  }
0xba: {  	s0 =	sor.u32 s3, s0;
	s1 =	sshll.u32 s1, $0x11  }
0xbb: {  	s0 =	sor.u32 s1, s0  }
0xbc: {  	s0 =	sadd.s32 $0x8F2B, s0  }
0xbd: {  	[sflag:s0] =	ssyncadd.remote.s32 $0x1  }
0xbe: {  	_ =	sfence.sel $0xFFFF  }
0xbf: {  	[dreg:$0x0] =	wrdreg $0xFFFFFFFF;
	(pc) =	sbr.abs _section_cstart, $3  }
0xc0: {  	[dreg:$0x1] =	wrdreg $0xFFFFFFFF  }
0xc1: {  	_ =	task.clear_ibuf [dreg:s7], $0x2FFFF;
	_ =	strace $0x9FFFFFFF  }
0xc2: {  	(tm) =	ssettm $0x7FFFFFFF  }
0xc3: {  	_ =	shalt  }
tec
execute0_lowered:
.L_overlay_start_1:
0x0: {  	(tag) =	ssettag $0x1  }
0x1: {  	s9 =	rddreg [dreg:$0x0]  }
0x2: {  	s4 =	rddreg [dreg:$0x1]  }
0x3: {  	s0 =	rddreg [dreg:$0x2]  }
0x4: {  	s2 =	simm.s32 $0x0;
	s3 =	srdreg.scid;
	s1 =	stileid.u32  }
0x5: {  	s12 =	simm.s32 $0x100;
	s13 =	simm.s32 $0x1;
	s14 =	simm.s32 $0x180  }
0x6: {  	s15 =	simm.s32 $0x200;
	s16 =	simm.s32 $0x2;
	s17 =	simm.s32 $0x0  }
0x7: {  	[smem:$0x7FF] =	sst s2;
	s5 =	sand.u32 $0x1, s3;
	s10 =	sshll.u32 s1, $0x5  }
0x8: {  	s3 =	sadd.s32 $0x1000, s4;
	_ =	strace $0x80000050;
	s6 =	ssub.s32 $0x2, s5  }
.Ltmp0:
0x9: {  	s7 =	sadd.s32 s10, s4;
	s4 =	sadd.s32 $0x1600, s4;
	(pc) =	sbr.rel .LBB2_1-.Ltmp0, $4  }
0xa: {  	s11 =	sshll.u32 s5, $0x4;
	s5 =	sshll.u32 s1, $0x1;
	s9 =	sadd.s32 s10, s9  }
0xb: {  	s10 =	simm.s32 $0x3;
	s8 =	sshrl.u32 s6, $0x1;
	s31 =	sadd.s32 s11, s7  }
0xc: {  	s9 =	sadd.s32 s11, s9;
	s11 =	simm.s32 $0x80;
	s6 =	ssub.s32 s6, s8  }
0xd: {  	s7 =	sadd.s32 $0x4ED000, s31;
	s8 =	sadd.s32 $0x6000, s31;
	s6 =	smax.u32 s6, $0x1  }
.LBB2_5:
0xe: {  	s17 =	sadd.s32 $0x1, s17  }
0xf: {  	p0 =	sne.s32 s17, s6  }
.Ltmp1:
0x10: {  	_ = 	snop;
	(pc) =	sbr.rel @!p0 .LBB2_6-.Ltmp1, $1  }
0x11: {  	_ =	sdelay $0x3  }
.LBB2_1:
.Ltmp2:
0x12: {  	(pc) =	sbr.rel .LBB2_2-.Ltmp2, $2  }
0x13: {  	_ =	sdelay $0x2  }
0x14: {  	s18 =	smov.u32 s5;
	s19 =	simm.s32 $0x0  }
.LBB2_4:
0x15: {  	s19 =	sadd.s32 $0x200, s19  }
0x16: {  	p0 =	sne.s32 s19, $0x5000  }
.Ltmp3:
0x17: {  	_ = 	snop;
	(pc) =	sbr.rel @!p0 .LBB2_5-.Ltmp3, $2  }
0x18: {  	_ =	sdelay $0x2  }
0x19: {  	s18 =	sadd.s32 $0x20, s18  }
.LBB2_2:
0x1a: {  	p0 =	sgt.u32 s18, $0x4E1  }
.Ltmp4:
0x1b: {  	_ = 	snop;
	(pc) =	sbr.rel @p0 .LBB2_4-.Ltmp4, $1  }
0x1c: {  	_ =	sdelay $0x3  }
0x1d: {  	s20 =	sadd.s32 s19, s9  }
0x1e: {  	[tilespmem:s2], [sflag:$0x3] =	stream.linear.gather [hbm4b:s20+s2], $0x80, $0x38;
	[tilespmem:$0x280] =	vst v63  }
0x1f: {  	_ =	swait.ge [sflag:s10], $0x80  }
0x20: {  	[sflag:s10] =	ssyncset.done $0x0  }
0x21: {  	s30 =	sadd.s32 s19, s8;
	[sflag:s10] =	ssyncadd.s32 $0xFFFFFF80  }
0x22: {  	[tilespmem:s11], [sflag:$0x3] =	stream.linear.gather [hbm4b:s30+s2], $0x80, $0x38;
	[tilespmem:$0x280] =	vst v63  }
0x23: {  	_ =	swait.ge [sflag:s10], $0x80  }
0x24: {  	[sflag:s10] =	ssyncset.done $0x0  }
0x25: {  	[sflag:s10] =	ssyncadd.s32 $0xFFFFFF80  }
0x26: {  	[tilespmem:s12], [sflag:$0x1] =	stream.indirect.gather [hbm4b:s3+s11], $0x1, s11, s11, $0xb8;
	[tilespmem:$0x280] =	vst v63  }
0x27: {  	_ =	swait.ge [sflag:s13], $0x80  }
0x28: {  	[sflag:s13] =	ssyncset.done $0x0  }
0x29: {  	[sflag:s13] =	ssyncadd.s32 $0xFFFFFF80  }
0x2a: {  	[tilespmem:s14], [sflag:$0x1] =	stream.indirect.gather [hbm4b:s4+s11], $0x1, s11, s11, $0xb8;
	[tilespmem:$0x280] =	vst v63  }
0x2b: {  	_ =	swait.ge [sflag:s13], $0x80  }
0x2c: {  	[sflag:s13] =	ssyncset.done $0x0  }
0x2d: {  	[sflag:s13] =	ssyncadd.s32 $0xFFFFFF80  }
0x2e: {  	v0 =	vld [tilespmem:$0x0]  }
0x2f: {  	v1 =	vld [tilespmem:$0x100]  }
0x30: {  	v2 =	vld [tilespmem:$0x180]  }
0x31: {  	v3 =	vld [tilespmem:$0x10]  }
0x32: {  	v4 =	vld [tilespmem:$0x110]  }
0x33: {  	v5 =	vld [tilespmem:$0x190]  }
0x34: {  	v6 =	vld [tilespmem:$0x20]  }
0x35: {  	v7 =	vld [tilespmem:$0x120]  }
0x36: {  	v8 =	vld [tilespmem:$0x1A0]  }
0x37: {  	v9 =	vld [tilespmem:$0x30]  }
0x38: {  	v10 =	vld [tilespmem:$0x130]  }
0x39: {  	v21 =	vld [tilespmem:$0x1B0];
	v0 =	vsub.f32 v0, v1  }
0x3a: {  	v11 =	vld [tilespmem:$0x40]  }
0x3b: {  	v22 =	vld [tilespmem:$0x140];
	v3 =	vsub.f32 v3, v4;
	v0 =	vmul.f32 $1.442695020e+00, v0  }
0x3c: {  	v12 =	vld [tilespmem:$0x1C0]  }
0x3d: {  	v25 =	vld [tilespmem:$0x50];
	v24 =	vsub.f32 v6, v7;
	v23 =	vmul.f32 $1.442695020e+00, v3;
	(erf) = vpow2.f32 v0  }
0x3e: {  	v26 =	vld [tilespmem:$0x150];
	(erf) = vrcp.f32 v2  }
0x3f: {  	v29 =	vld [tilespmem:$0x60];
	v28 =	vsub.f32 v9, v10;
	v27 =	vmul.f32 $1.442695020e+00, v24;
	(erf) = vpow2.f32 v23  }
0x40: {  	v30 =	vld [tilespmem:$0x160];
	(erf) = vrcp.f32 v5  }
0x41: {  	v33 =	vld [tilespmem:$0x70];
	v32 =	vsub.f32 v11, v22;
	v31 =	vmul.f32 $1.442695020e+00, v28;
	(erf) = vpow2.f32 v27  }
0x42: {  	v34 =	vld [tilespmem:$0x170];
	(erf) = vrcp.f32 v8  }
0x43: {  	v36 =	vld [tilespmem:$0x1D0];
	v35 =	vmul.f32 $1.442695020e+00, v32;
	v2 =	vsub.f32 v25, v26;
	(erf) = vpow2.f32 v31  }
0x44: {  	(erf) = vrcp.f32 v21  }
0x45: {  	v39 =	vld [tilespmem:$0x1E0];
	v38 =	vsub.f32 v29, v30;
	v37 =	vmul.f32 $1.442695020e+00, v2;
	(erf) = vpow2.f32 v35  }
0x46: {  	v40 =	vpop (erf);
	(erf) = vrcp.f32 v12  }
0x47: {  	v44 =	vld [tilespmem:$0x1F0];
	v43 =	vsub.f32 v33, v34;
	v42 =	vmul.f32 $1.442695020e+00, v38;
	v41 =	vpop (erf);
	(erf) = vpow2.f32 v37  }
0x48: {  	v45 =	vpop (erf);
	(erf) = vrcp.f32 v36  }
0x49: {  	v47 =	vmul.f32 $1.442695020e+00, v43;
	v46 =	vpop (erf);
	(erf) = vpow2.f32 v42  }
0x4a: {  	v48 =	vpop (erf);
	(erf) = vrcp.f32 v39  }
0x4b: {  	v49 =	vpop (erf);
	(erf) = vpow2.f32 v47  }
0x4c: {  	v50 =	vpop (erf);
	(erf) = vrcp.f32 v44  }
0x4d: {  	v51 =	vpop (erf)  }
0x4e: {  	v52 =	vpop (erf)  }
0x4f: {  	v5 =	vmul.f32 v40, v41;
	v53 =	vpop (erf)  }
0x50: {  	v3 =	vmul.f32 v45, v46;
	v54 =	vpop (erf)  }
0x51: {  	[tilespmem:$0x200] =	vst v5;
	v1 =	vmul.f32 v48, v49;
	v55 =	vpop (erf)  }
0x52: {  	[tilespmem:$0x210] =	vst v3;
	v0 =	vmul.f32 v50, v51;
	v56 =	vpop (erf)  }
0x53: {  	[tilespmem:$0x220] =	vst v1;
	v58 =	vmul.f32 v52, v53;
	v57 =	vpop (erf)  }
0x54: {  	[tilespmem:$0x230] =	vst v0;
	v60 =	vmul.f32 v54, v55;
	v59 =	vpop (erf)  }
0x55: {  	[tilespmem:$0x240] =	vst v58;
	v61 =	vmul.f32 v56, v57;
	v62 =	vpop (erf)  }
0x56: {  	[tilespmem:$0x250] =	vst v60;
	v63 =	vmul.f32 v59, v62  }
0x57: {  	[tilespmem:$0x260] =	vst v61  }
.Ltmp5:
0x58: {  	s31 =	sadd.s32 s19, s7;
	[tilespmem:$0x270] =	vst v63;
	(pc) =	sbr.rel .LBB2_4-.Ltmp5, $4  }
0x59: {  	[hbm4b:s31+s2] =	stream.linear.scatter [tilespmem:s15], [sflag:$0x2], $0x80, $0x38;
	[tilespmem:$0x280] =	vst v63  }
0x5a: {  	_ =	swait.ge [sflag:s16], $0x80  }
0x5b: {  	[sflag:s16] =	ssyncset.done $0x0  }
0x5c: {  	[sflag:s16] =	ssyncadd.s32 $0xFFFFFF80  }
.LBB2_6:
0x5d: {  	_ =	sfence.sel $0x180000  }
0x5e: {  	[bflag:$0x0] =	sbarrier.arrive $0xFFFF  }
0x5f: {  	p0 =	sne.s32 s1, $0x0;
	_ =	strace $0x90000050  }
0x60: {  	s0 =	sadd.s32 @!p0 $0x100000, s0;
	[bflag:$0x2] =	sbarrier.arrive $0xFFFF  }
0x61: {  	[sflag:s0] =	ssyncadd.tile.s32 @!p0 $0x1;
	_ =	shalt  }
.Lfunc_end2:
_tile_overlayer_lowered:
.L_overlay_start_2:
0x62: {  	(tag) =	ssettag $0x2  }
0x63: {  	s0 =	rddreg [dreg:$0x0];
	s2 =	stileid.u32  }
0x64: {  	s1 =	rddreg [dreg:$0x1];
	p0 =	sne.s32 s2, $0x0  }
0x65: {  	s3 =	rddreg [dreg:$0x2];
	[bflag:$0x3] =	sbarrier.arrive $0xFFFF;
	s2 =	simm.s32 @!p0 $0x1C02  }
0x66: {  	[timem:s3], [sflag:s2] =	dma.local @!p0 [hbm:s0], s1  }
0x67: {  	s0 =	simm.s32 @!p0 $0x2  }
0x68: {  	_ =	swait.ge @!p0 [sflag:s0], s1  }
0x69: {  	s1 =	ssub.s32 @!p0 $0x0, s1;
	[sflag:s0] =	ssyncset.done @!p0 $0x0  }
0x6a: {  	[sflag:s0] =	ssyncadd.s32 @!p0 s1  }
0x6b: {  	[bflag:$0x3] =	sbarrier.arrive $0xFFFF  }
0x6c: {  	_ =	shalt  }

// kernel: kernel.22.cloned.1.call-start
scs
__scs_entry_jumppad:
0x0: {  	(pc) =	sbr.rel $0x88, $3  }
0x1: {  	(tag) =	ssettag $0x0;
	lr =	simm.s32 $0x1  }
0x2: {  	[smem:$0x3F9E] =	sst lr;
	_ =	strace $0xD0000000  }
0x3: {  	_ = 	snop  }
0x4: {  	_ = 	snop  }
0x5: {  	_ = 	snop  }
0x6: {  	_ = 	snop  }
0x7: {  	_ = 	snop  }
__scs_overlays_trampoline_lowered:
0x8: {  	[smem:$0x3FAD] =	sst s0  }
0x9: {  	[smem:$0x3FAE] =	sst s1  }
0xa: {  	[smem:$0x3FAF] =	sst s2  }
0xb: {  	[smem:$0x3FB0] =	sst s3  }
0xc: {  	[smem:$0x3FB1] =	sst s4  }
0xd: {  	[smem:$0x3FB2] =	sst s5  }
0xe: {  	[smem:$0x3FB3] =	sst s6  }
0xf: {  	[smem:$0x3FB4] =	sst s7  }
0x10: {  	[smem:$0x3FB5] =	sst s8  }
0x11: {  	[smem:$0x3FB6] =	sst s9;
	s0 =	simm.s32 @!p0 $0x0  }
0x12: {  	s1 =	sld [smem:$0x3F9C];
	s0 =	simm.s32 @p0 $0x1  }
0x13: {  	[smem:$0x3FB7] =	sst s0;
	s0 =	simm.s32 @!p1 $0x0  }
0x14: {  	s2 =	sld [smem:$0x3F9B];
	s0 =	simm.s32 @p1 $0x1  }
0x15: {  	[smem:$0x3FB8] =	sst s0;
	s0 =	simm.s32 @!p2 $0x0  }
0x16: {  	s3 =	sld [smem:$0x3FDB];
	s0 =	simm.s32 @p2 $0x1  }
0x17: {  	s4 =	simm.s32 $0x1BF5;
	[smem:$0x3FBA] =	sst s0  }
0x18: {  	s0 =	sld [smem:$0x3F9D];
	_ =	swait.ge [sflag:s4], $0x0  }
0x19: {  	s7 =	sld [smem:$0x3F9E]  }
0x1a: {  	s8 =	sadd.s32 $0xFFFFE003, lr  }
0x1b: {  	s9 =	sadd.s32 $0xFFFFFEF7, lr;
	s5 =	simm.s32 $0xFFFFFFFF;
	p2 =	slt.u32 s8, $0xFFFFF086  }
0x1c: {  	p1 =	slt.u32 s9, $0xF7A;
	s5 =	simm.s32 @!p2 $0x0  }
0x1d: {  	s5 =	simm.s32 @p1 $0x1;
	p0 =	seq.s32 s7, s2  }
0x1e: {  	s7 =	smul.u32 @!p0 $0xF7A, s2;
	p2 =	seq.s32 @!p0 s5, $0x0  }
0x1f: {  	s9 =	smul.u32 $0xF7A, s1;
	s8 =	simm.s32 @!p0 $0x1BF5;
	p2 =	por !p2, p0  }
0x20: {  	[sflag:s8] =	ssyncset.s32 @!p0 $0xFFFFF086;
	s6 =	sadd.s32 @!p0 s3, s7;
	s7 =	simm.s32 @!p0 $0x108  }
0x21: {  	s3 =	sadd.s32 s3, s9;
	s6 =	sadd.s32 @!p0 $0x88, s6;
	s7 =	simm.s32 @p2 $0x1082  }
0x22: {  	[simem:s7], [sflag:s8] =	dma.local @!p0 [hbm:s6], $0xF7A  }
0x23: {  	s9 =	sor.u32 $0xD0000000, s2;
	s6 =	simm.s32 $0x108;
	_ =	swait.ge @!p0 [sflag:s8], $0x0  }
0x24: {  	s3 =	sadd.s32 $0x88, s3;
	s6 =	simm.s32 @!p1 $0x1082;
	[sflag:s4] =	ssyncset.s32 $0xFFFFF086  }
0x25: {  	[simem:s6], [sflag:s4] =	dma.local [hbm:s3], $0xF7A  }
0x26: {  	[smem:$0x3F9E] =	sst s1;
	(tag) =	ssettag s2;
	_ =	strace s9  }
0x27: {  	s1 =	sld [smem:$0x3FAE]  }
0x28: {  	s2 =	sld [smem:$0x3FAF]  }
0x29: {  	s4 =	sld [smem:$0x3FB1]  }
0x2a: {  	p0 =	seq.s32 s5, $0x0;
	s5 =	sld [smem:$0x3FB2]  }
0x2b: {  	s6 =	sld [smem:$0x3FB3]  }
0x2c: {  	s7 =	sld [smem:$0x3FB4]  }
0x2d: {  	s3 =	simm.s32 $0x108;
	s8 =	sld [smem:$0x3FB5]  }
0x2e: {  	s3 =	simm.s32 @!p0 $0x1082;
	s9 =	sld [smem:$0x3FB6]  }
0x2f: {  	lr =	sadd.s32 s0, s3;
	s0 =	sld [smem:$0x3FAD]  }
0x30: {  	s3 =	sld [smem:$0x3FB0]  }
0x31: {  	[smem:$0x3FB9] =	sst s10  }
0x32: {  	s10 =	sld [smem:$0x3FB7];
	_ =	sdelay $0x3  }
0x33: {  	p0 =	seq.s32 s10, $0x1;
	s10 =	sld [smem:$0x3FB9];
	_ =	sdelay $0x3  }
0x34: {  	[smem:$0x3FB9] =	sst s10  }
0x35: {  	s10 =	sld [smem:$0x3FB8];
	_ =	sdelay $0x3  }
0x36: {  	p1 =	seq.s32 s10, $0x1;
	s10 =	sld [smem:$0x3FB9];
	_ =	sdelay $0x3  }
0x37: {  	[smem:$0x3FB9] =	sst s10  }
0x38: {  	s10 =	sld [smem:$0x3FBA]  }
0x39: {  	_ = 	snop;
	(pc) =	sbr.ind lr, $3  }
0x3a: {  	_ = 	snop  }
0x3b: {  	_ = 	snop  }
0x3c: {  	p2 =	seq.s32 s10, $0x1;
	s10 =	sld [smem:$0x3FB9]  }
0x3d: {  	_ =	shalt  }
0x3e: {  	_ =	shalt  }
0x3f: {  	_ =	shalt  }
0x40: {  	_ =	shalt  }
0x41: {  	_ =	shalt  }
0x42: {  	_ =	shalt  }
0x43: {  	_ =	shalt  }
0x44: {  	_ =	shalt  }
0x45: {  	_ =	shalt  }
0x46: {  	_ =	shalt  }
0x47: {  	_ =	shalt  }
0x48: {  	_ =	shalt  }
0x49: {  	_ =	shalt  }
0x4a: {  	_ =	shalt  }
0x4b: {  	_ =	shalt  }
0x4c: {  	_ =	shalt  }
0x4d: {  	_ =	shalt  }
0x4e: {  	_ =	shalt  }
0x4f: {  	_ =	shalt  }
0x50: {  	_ =	shalt  }
0x51: {  	_ =	shalt  }
0x52: {  	_ =	shalt  }
0x53: {  	_ =	shalt  }
0x54: {  	_ =	shalt  }
0x55: {  	_ =	shalt  }
0x56: {  	_ =	shalt  }
0x57: {  	_ =	shalt  }
0x58: {  	_ =	shalt  }
0x59: {  	_ =	shalt  }
0x5a: {  	_ =	shalt  }
0x5b: {  	_ =	shalt  }
0x5c: {  	_ =	shalt  }
0x5d: {  	_ =	shalt  }
0x5e: {  	_ =	shalt  }
0x5f: {  	_ =	shalt  }
0x60: {  	_ =	shalt  }
0x61: {  	_ =	shalt  }
0x62: {  	_ =	shalt  }
0x63: {  	_ =	shalt  }
0x64: {  	_ =	shalt  }
0x65: {  	_ =	shalt  }
0x66: {  	_ =	shalt  }
0x67: {  	_ =	shalt  }
0x68: {  	_ =	shalt  }
0x69: {  	_ =	shalt  }
0x6a: {  	_ =	shalt  }
0x6b: {  	_ =	shalt  }
0x6c: {  	_ =	shalt  }
0x6d: {  	_ =	shalt  }
0x6e: {  	_ =	shalt  }
0x6f: {  	_ =	shalt  }
0x70: {  	_ =	shalt  }
0x71: {  	_ =	shalt  }
0x72: {  	_ =	shalt  }
0x73: {  	_ =	shalt  }
0x74: {  	_ =	shalt  }
0x75: {  	_ =	shalt  }
0x76: {  	_ =	shalt  }
0x77: {  	_ =	shalt  }
0x78: {  	_ =	shalt  }
0x79: {  	_ =	shalt  }
0x7a: {  	_ =	shalt  }
0x7b: {  	_ =	shalt  }
0x7c: {  	_ =	shalt  }
0x7d: {  	_ =	shalt  }
0x7e: {  	_ =	shalt  }
0x7f: {  	_ =	shalt  }
0x80: {  	_ =	shalt  }
0x81: {  	_ =	shalt  }
0x82: {  	_ =	shalt  }
0x83: {  	_ =	shalt  }
0x84: {  	_ =	shalt  }
0x85: {  	_ =	shalt  }
0x86: {  	_ =	shalt  }
0x87: {  	_ =	shalt  }
.Lfunc_end0:
.L_simem_size_0:
called_computation.4_lowered:
.L_overlay_start_0:
0x88: {  	s2 =	sld [smem:$0x3FD9]  }
0x89: {  	s3 =	sld [smem:$0x3FFE];
	_ =	sdelay $0x1  }
0x8a: {  	s1 =	srdreg.scid  }
0x8b: {  	s0 =	sand.u32 $0x1, s1  }
0x8c: {  	s16 =	sshll.u32 s0, $0xA;
	s2 =	sadd.s32 s3, s2  }
0x8d: {  	s2 =	sadd.s32 s2, s16  }
0x8e: {  	[smem:$0x3FC5] =	sst s2  }
0x8f: {  	_ = 	snop  }
0x90: {  	(tm) =	ssettm $0x1  }
0x91: {  	s17 =	sld [smem:$0x3FFB];
	_ =	sdelay $0x3  }
0x92: {  	_ =	strace s17  }
0x93: {  	s2 =	sld [smem:$0x3FFC];
	_ =	sdelay $0x3  }
0x94: {  	_ =	strace s2  }
0x95: {  	s2 =	sld [smem:$0x3FFD];
	_ =	sdelay $0x3  }
0x96: {  	_ =	strace s2  }
0x97: {  	_ =	strace $0x8FFFFFFF  }
0x98: {  	s18 =	sld [smem:$0x3FDB];
	_ =	sdelay $0x1  }
0x99: {  	s19 =	simm.s32 $_scs_section_size  }
0x9a: {  	s4 =	simm.s32 $_size__tile_overlayer_lowered;
	s5 =	simm.s32 $_tile_overlayer_lowered  }
0x9b: {  	s22 =	simm.s32 $0x1BFF;
	s21 =	sshll.u32 s5, $0x1;
	s2 =	sadd.s32 s19, s18  }
0x9c: {  	s6 =	simm.s32 $0x0;
	s20 =	sshll.u32 s4, $0x1;
	s4 =	sadd.s32 s21, s2  }
0x9d: {  	[timem:s6], [sflag:s22] =	dma.local [hbm:s4], s20  }
0x9e: {  	_ =	swait.ge [sflag:s22], s20  }
0x9f: {  	s3 =	ssub.s32 $0x0, s20;
	[sflag:s22] =	ssyncset.done $0x0  }
0xa0: {  	[sflag:s22] =	ssyncadd.s32 s3;
	_ =	sdelay $0x1  }
0xa1: {  	s23 =	simm.s32 $0x1B8B  }
0xa2: {  	_ =	swait.ge [sflag:s23], $0x1  }
0xa3: {  	[sflag:s23] =	ssyncset.done $0x0  }
0xa4: {  	s25 =	simm.s32 $0x1B8E;
	s24 =	sld [smem:$0x3FFE];
	[sflag:s23] =	ssyncadd.s32 $0xFFFFFFFF  }
0xa5: {  	s26 =	simm.s32 $execute0_lowered;
	[smem:$0x3FD2] =	sst s25  }
0xa6: {  	s4 =	sshll.u32 s26, $0x1;
	_ =	strace $0x80000052;
	[dreg:$0x1] =	wrdreg $0xFFFFFFFF  }
0xa7: {  	s28 =	simm.s32 $_size_execute0_lowered;
	s2 =	sadd.s32 s2, s4;
	[dreg:$0x0] =	wrdreg $0x0  }
0xa8: {  	s4 =	sshll.u32 s28, $0x1;
	[dreg:$0x2] =	wrdreg s2  }
0xa9: {  	[dreg:$0x3] =	wrdreg s4  }
0xaa: {  	[dreg:$0x4] =	wrdreg $0xC0  }
0xab: {  	_ =	task [dreg:s6], $0x5FFFF  }
0xac: {  	[dreg:$0x1] =	wrdreg $0xFFFFFFFF  }
0xad: {  	[dreg:$0x0] =	wrdreg $0x60  }
0xae: {  	[dreg:$0x2] =	wrdreg s24  }
0xaf: {  	[dreg:$0x3] =	wrdreg $0x81000  }
0xb0: {  	[dreg:$0x4] =	wrdreg $0x9  }
0xb1: {  	_ =	task.clear_ibuf [dreg:s6], $0x5FFFF;
	_ =	strace $0x90000052  }
0xb2: {  	s29 =	simm.s32 $0x9;
	_ =	strace $0x80000054  }
0xb3: {  	_ =	swait.ge [sflag:s29], $0x1  }
0xb4: {  	[sflag:s29] =	ssyncadd.s32 $0xFFFFFFFF  }
0xb5: {  	_ =	strace $0x90000054  }
0xb6: {  	_ =	sfence  }
0xb7: {  	s30 =	sld [smem:$0x0];
	_ =	sdelay $0x2  }
0xb8: {  	s31 =	sshll.u32 s1, $0xD;
	s1 =	sshrl.u32 s1, $0x2  }
0xb9: {  	s3 =	sand.u32 $0x4000, s31;
	s1 =	sadd.s32 s1, s30  }
0xba: {  	s0 =	sor.u32 s3, s0;
	s1 =	sshll.u32 s1, $0x11  }
0xbb: {  	s0 =	sor.u32 s1, s0  }
0xbc: {  	s0 =	sadd.s32 $0x8F2B, s0  }
0xbd: {  	[sflag:s0] =	ssyncadd.remote.s32 $0x1  }
0xbe: {  	_ =	sfence.sel $0xFFFF  }
0xbf: {  	[dreg:$0x0] =	wrdreg $0xFFFFFFFF;
	(pc) =	sbr.abs _section_cstart, $3  }
0xc0: {  	[dreg:$0x1] =	wrdreg $0xFFFFFFFF  }
0xc1: {  	_ =	task.clear_ibuf [dreg:s6], $0x2FFFF;
	_ =	strace $0x9FFFFFFF  }
0xc2: {  	(tm) =	ssettm $0x7FFFFFFF  }
0xc3: {  	_ =	shalt  }
tec
execute0_lowered:
.L_overlay_start_1:
0x0: {  	(tag) =	ssettag $0x1  }
0x1: {  	s4 =	rddreg [dreg:$0x0]  }
0x2: {  	s2 =	rddreg [dreg:$0x1]  }
0x3: {  	s0 =	rddreg [dreg:$0x2];
	s3 =	simm.s32 $0x0;
	s5 =	srdreg.scid  }
0x4: {  	s1 =	stileid.u32;
	s18 =	simm.s32 $0x400;
	s19 =	simm.s32 $0x800  }
0x5: {  	s20 =	simm.s32 $0x80;
	s21 =	simm.s32 $0x4100;
	s22 =	simm.s32 $0x1  }
0x6: {  	s23 =	simm.s32 $0x2;
	s25 =	simm.s32 $0x0;
	[smem:$0x7FF] =	sst s3  }
0x7: {  	s5 =	sand.u32 $0x1, s5;
	s6 =	smul.u32 $0x28000, s1;
	s12 =	sadd.s32 $0x4ED000, s4  }
0x8: {  	s29 =	smul.u32 $0x50000, s1;
	s13 =	sadd.s32 $0x6000, s4;
	s24 =	sor.u32 $0x4E0, s1  }
0x9: {  	s16 =	sshll.u32 s1, $0xC;
	s17 =	sshll.u32 s1, $0x4;
	_ =	strace $0x80000053  }
0xa: {  	s7 =	sshll.u32 s5, $0xA;
	s8 =	ssub.s32 $0x2, s5;
	s14 =	sshll.u32 s5, $0x7  }
0xb: {  	s11 =	sshll.u32 s24, $0x4;
	s31 =	sshll.u32 s24, $0xC;
	p0 =	sgt.u32 s24, $0x4E1  }
0xc: {  	s24 =	simm.s32 $0x8;
	s6 =	sor.u32 s7, s6;
	s30 =	sshrl.u32 s8, $0x1  }
0xd: {  	s7 =	sshrl.u32 s29, $0x2;
	s15 =	sadd.s32 s12, s14;
	s11 =	sadd.s32 s13, s11  }
0xe: {  	s12 =	sadd.s32 s16, s12;
	s13 =	sadd.s32 s17, s13;
	s16 =	simm.s32 $0x3  }
0xf: {  	s17 =	simm.s32 $0x4;
	s6 =	sshrl.u32 s6, $0x3;
	s8 =	ssub.s32 s8, s30  }
0x10: {  	s14 =	sadd.s32 s14, s12;
	s12 =	sadd.s32 s31, s15;
	s15 =	simm.s32 $0x100  }
0x11: {  	s6 =	sadd.s32 s6, s4;
	s4 =	sadd.s32 s7, s2;
	s14 =	sadd.s32 $0x10000, s14  }
0x12: {  	s5 =	sadd.s32 $0xB000, s6;
	s6 =	smax.u32 s8, $0x1;
	s7 =	sadd.s32 $0x4000, s4  }
0x13: {  	v0 =	vimm.f32 $0.0e+00;
	s8 =	sadd.s32 $0x8000, s4;
	s9 =	sadd.s32 $0xC000, s4;
	s10 =	sadd.s32 $0x10000, s4  }
.LBB2_1:
0x14: {  	s26 =	simm.s32 $0x0;
	s28 =	simm.s32 $0x200  }
.LBB2_2:
0x15: {  	p1 =	sne.s32 s28, $0xFE00;
	[tilespmem:s26+$0x170] =	vst v0  }
0x16: {  	[tilespmem:s26+$0x100] =	vst v0  }
0x17: {  	[tilespmem:s26+$0x110] =	vst v0  }
.Ltmp0:
0x18: {  	[tilespmem:s26+$0x120] =	vst v0;
	(pc) =	sbr.rel @p1 .LBB2_2-.Ltmp0, $4  }
0x19: {  	[tilespmem:s26+$0x130] =	vst v0  }
0x1a: {  	[tilespmem:s26+$0x140] =	vst v0  }
0x1b: {  	[tilespmem:s26+$0x150] =	vst v0  }
0x1c: {  	[tilespmem:s26+$0x160] =	vst v0;
	s26 =	sshra.s32 s28, $0x2;
	s28 =	sadd.s32 $0x200, s28  }
0x1d: {  	[tilespmem:s26+$0x170] =	vst v0  }
0x1e: {  	[tilespmem:s26+$0x100] =	vst v0  }
0x1f: {  	[tilespmem:s26+$0x110] =	vst v0  }
0x20: {  	[tilespmem:s26+$0x120] =	vst v0  }
0x21: {  	[tilespmem:s26+$0x130] =	vst v0  }
0x22: {  	[tilespmem:s26+$0x140] =	vst v0  }
0x23: {  	[tilespmem:s26+$0x150] =	vst v0  }
0x24: {  	[tilespmem:s26+$0x160] =	vst v0  }
0x25: {  	[spmem:s4] =	stream.linear.scatter [tilespmem:s15], [sflag:$0x3], $0x4000, $0x38;
	[tilespmem:$0x1C100] =	vst v63  }
0x26: {  	_ =	swait.ge [sflag:s16], $0x4000  }
0x27: {  	[sflag:s16] =	ssyncset.done $0x0  }
0x28: {  	[sflag:s16] =	ssyncadd.s32 $0xFFFFC000  }
0x29: {  	[spmem:s7] =	stream.linear.scatter [tilespmem:s15], [sflag:$0x3], $0x4000, $0x38;
	[tilespmem:$0x1C100] =	vst v63  }
0x2a: {  	_ =	swait.ge [sflag:s16], $0x4000  }
0x2b: {  	[sflag:s16] =	ssyncset.done $0x0  }
0x2c: {  	[sflag:s16] =	ssyncadd.s32 $0xFFFFC000  }
0x2d: {  	[spmem:s8] =	stream.linear.scatter [tilespmem:s15], [sflag:$0x3], $0x4000, $0x38;
	[tilespmem:$0x1C100] =	vst v63  }
0x2e: {  	_ =	swait.ge [sflag:s16], $0x4000  }
0x2f: {  	[sflag:s16] =	ssyncset.done $0x0  }
0x30: {  	[sflag:s16] =	ssyncadd.s32 $0xFFFFC000  }
0x31: {  	[spmem:s9] =	stream.linear.scatter [tilespmem:s15], [sflag:$0x3], $0x4000, $0x38;
	[tilespmem:$0x1C100] =	vst v63  }
0x32: {  	_ =	swait.ge [sflag:s16], $0x4000  }
0x33: {  	[sflag:s16] =	ssyncset.done $0x0  }
0x34: {  	[sflag:s16] =	ssyncadd.s32 $0xFFFFC000  }
0x35: {  	[spmem:s10] =	stream.linear.scatter [tilespmem:s15], [sflag:$0x3], $0x4000, $0x38;
	[tilespmem:$0x1C100] =	vst v63  }
0x36: {  	_ =	swait.ge [sflag:s16], $0x4000  }
0x37: {  	[sflag:s16] =	ssyncset.done $0x0  }
0x38: {  	[sflag:s16] =	ssyncadd.s32 $0xFFFFC000  }
0x39: {  	s31 =	sadd.s32 $0x0, s13;
	[bflag:$0x0] =	sbarrier.arrive $0xFFFF  }
0x3a: {  	[tilespmem:s3], [sflag:$0x4] =	stream.linear.gather [hbm4b:s31+s3], $0x80, $0x38;
	[tilespmem:$0x1C100] =	vst v63  }
0x3b: {  	_ =	swait.ge [sflag:s17], $0x80  }
0x3c: {  	[sflag:s17] =	ssyncset.done $0x0  }
0x3d: {  	s28 =	sadd.s32 $0xFFFF0000, s14;
	[sflag:s17] =	ssyncadd.s32 $0xFFFFFF80  }
0x3e: {  	[tilespmem:s15], [sflag:$0x1] =	stream.strided.gather [hbm4b:s28+s18], $0x4000, s19, s18, $0x38;
	[tilespmem:$0x1C100] =	vst v63  }
0x3f: {  	s26 =	sadd.s32 $0x100, s31  }
0x40: {  	[tilespmem:s20], [sflag:$0x4] =	stream.linear.gather [hbm4b:s26+s3], $0x80, $0x38;
	[tilespmem:$0x1C100] =	vst v63  }
0x41: {  	_ =	swait.ge [sflag:s17], $0x80  }
0x42: {  	[sflag:s17] =	ssyncset.done $0x0  }
0x43: {  	[sflag:s17] =	ssyncadd.s32 $0xFFFFFF80  }
0x44: {  	[tilespmem:s21], [sflag:$0x2] =	stream.strided.gather [hbm4b:s14+s18], $0x4000, s19, s18, $0x38;
	[tilespmem:$0x1C100] =	vst v63  }
0x45: {  	_ =	swait.ge [sflag:s22], $0x4000  }
0x46: {  	[sflag:s22] =	ssyncset.done $0x0  }
0x47: {  	[sflag:s22] =	ssyncadd.s32 $0xFFFFC000  }
0x48: {  	[spmem:s2] =	stream.indirect.scatter.add.f32 [tilespmem:s15], [sflag:$0x4], $0x80, s3, s20, $0xb8;
	[tilespmem:$0x1C100] =	vst v63  }
0x49: {  	_ =	swait.ge [sflag:s17], $0x4000  }
0x4a: {  	[sflag:s17] =	ssyncset.done $0x0  }
0x4b: {  	[sflag:s17] =	ssyncadd.s32 $0xFFFFC000  }
0x4c: {  	_ =	swait.ge [sflag:s23], $0x4000  }
0x4d: {  	[sflag:s23] =	ssyncset.done $0x0  }
0x4e: {  	[sflag:s23] =	ssyncadd.s32 $0xFFFFC000  }
0x4f: {  	[spmem:s2] =	stream.indirect.scatter.add.f32 [tilespmem:s21], [sflag:$0x3], $0x80, s20, s20, $0xb8;
	[tilespmem:$0x1C100] =	vst v63  }
0x50: {  	s29 =	simm.s32 $0x400;
	_ =	swait.ge [sflag:s16], $0x4000  }
0x51: {  	s28 =	simm.s32 $0x200;
	s26 =	sadd.s32 $0x20000, s14;
	[sflag:s16] =	ssyncset.done $0x0  }
.LBB2_4:
0x52: {  	s30 =	sadd.s32 s28, s13  }
0x53: {  	[sflag:s16] =	ssyncadd.s32 $0xFFFFC000;
	s28 =	smov.u32 s29;
	s31 =	sadd.s32 $0x200, s29  }
0x54: {  	[tilespmem:s3], [sflag:$0x4] =	stream.linear.gather [hbm4b:s30+s3], $0x80, $0x38;
	[tilespmem:$0x1C100] =	vst v63  }
0x55: {  	p1 =	sne.s32 s29, $0x4C00;
	_ =	swait.ge [sflag:s17], $0x80  }
0x56: {  	[sflag:s17] =	ssyncset.done $0x0  }
0x57: {  	s29 =	sadd.s32 $0xFFFF0000, s26;
	[sflag:s17] =	ssyncadd.s32 $0xFFFFFF80  }
0x58: {  	[tilespmem:s15], [sflag:$0x1] =	stream.strided.gather [hbm4b:s29+s18], $0x4000, s19, s18, $0x38;
	[tilespmem:$0x1C100] =	vst v63  }
0x59: {  	s29 =	sadd.s32 $0x100, s30  }
0x5a: {  	[tilespmem:s20], [sflag:$0x4] =	stream.linear.gather [hbm4b:s29+s3], $0x80, $0x38;
	[tilespmem:$0x1C100] =	vst v63  }
0x5b: {  	_ =	swait.ge [sflag:s17], $0x80  }
0x5c: {  	[sflag:s17] =	ssyncset.done $0x0  }
0x5d: {  	[sflag:s17] =	ssyncadd.s32 $0xFFFFFF80  }
0x5e: {  	[tilespmem:s21], [sflag:$0x2] =	stream.strided.gather [hbm4b:s26+s18], $0x4000, s19, s18, $0x38;
	[tilespmem:$0x1C100] =	vst v63  }
0x5f: {  	_ =	swait.ge [sflag:s22], $0x4000  }
0x60: {  	[sflag:s22] =	ssyncset.done $0x0  }
0x61: {  	[sflag:s22] =	ssyncadd.s32 $0xFFFFC000  }
0x62: {  	[spmem:s2] =	stream.indirect.scatter.add.f32 [tilespmem:s15], [sflag:$0x4], $0x80, s3, s20, $0xb8;
	[tilespmem:$0x1C100] =	vst v63  }
0x63: {  	_ =	swait.ge [sflag:s17], $0x4000  }
0x64: {  	[sflag:s17] =	ssyncset.done $0x0  }
0x65: {  	[sflag:s17] =	ssyncadd.s32 $0xFFFFC000  }
0x66: {  	_ =	swait.ge [sflag:s23], $0x4000  }
.Ltmp1:
0x67: {  	[sflag:s23] =	ssyncset.done $0x0;
	(pc) =	sbr.rel @p1 .LBB2_4-.Ltmp1, $4  }
0x68: {  	[sflag:s23] =	ssyncadd.s32 $0xFFFFC000  }
0x69: {  	[spmem:s2] =	stream.indirect.scatter.add.f32 [tilespmem:s21], [sflag:$0x3], $0x80, s20, s20, $0xb8;
	[tilespmem:$0x1C100] =	vst v63  }
0x6a: {  	_ =	swait.ge [sflag:s16], $0x4000  }
0x6b: {  	s29 =	smov.u32 s31;
	s26 =	sadd.s32 $0x20000, s26;
	[sflag:s16] =	ssyncset.done $0x0  }
0x6c: {  	s28 =	sadd.s32 s28, s13;
	[sflag:s16] =	ssyncadd.s32 $0xFFFFC000  }
0x6d: {  	[tilespmem:s3], [sflag:$0x4] =	stream.linear.gather [hbm4b:s28+s3], $0x80, $0x38;
	[tilespmem:$0x1C100] =	vst v63  }
0x6e: {  	_ =	swait.ge [sflag:s17], $0x80  }
0x6f: {  	[sflag:s17] =	ssyncset.done $0x0  }
0x70: {  	s29 =	sadd.s32 $0xFFFF0000, s26;
	[sflag:s17] =	ssyncadd.s32 $0xFFFFFF80  }
0x71: {  	[tilespmem:s15], [sflag:$0x1] =	stream.strided.gather [hbm4b:s29+s18], $0x4000, s19, s18, $0x38;
	[tilespmem:$0x1C100] =	vst v63  }
0x72: {  	s28 =	sadd.s32 $0x100, s28  }
0x73: {  	[tilespmem:s20], [sflag:$0x4] =	stream.linear.gather [hbm4b:s28+s3], $0x80, $0x38;
	[tilespmem:$0x1C100] =	vst v63  }
0x74: {  	_ =	swait.ge [sflag:s17], $0x80  }
0x75: {  	[sflag:s17] =	ssyncset.done $0x0  }
0x76: {  	[sflag:s17] =	ssyncadd.s32 $0xFFFFFF80  }
0x77: {  	[tilespmem:s21], [sflag:$0x2] =	stream.strided.gather [hbm4b:s26+s18], $0x4000, s19, s18, $0x38;
	[tilespmem:$0x1C100] =	vst v63  }
0x78: {  	_ =	swait.ge [sflag:s22], $0x4000  }
0x79: {  	[sflag:s22] =	ssyncset.done $0x0  }
0x7a: {  	[sflag:s22] =	ssyncadd.s32 $0xFFFFC000  }
0x7b: {  	[spmem:s2] =	stream.indirect.scatter.add.f32 [tilespmem:s15], [sflag:$0x4], $0x80, s3, s20, $0xb8;
	[tilespmem:$0x1C100] =	vst v63  }
0x7c: {  	_ =	swait.ge [sflag:s17], $0x4000  }
0x7d: {  	[sflag:s17] =	ssyncset.done $0x0  }
0x7e: {  	[sflag:s17] =	ssyncadd.s32 $0xFFFFC000  }
0x7f: {  	_ =	swait.ge [sflag:s23], $0x4000  }
0x80: {  	[sflag:s23] =	ssyncset.done $0x0  }
0x81: {  	[sflag:s23] =	ssyncadd.s32 $0xFFFFC000  }
0x82: {  	[spmem:s2] =	stream.indirect.scatter.add.f32 [tilespmem:s21], [sflag:$0x3], $0x80, s20, s20, $0xb8;
	[tilespmem:$0x1C100] =	vst v63  }
0x83: {  	_ =	swait.ge [sflag:s16], $0x4000  }
0x84: {  	[sflag:s16] =	ssyncset.done $0x0  }
0x85: {  	s28 =	simm.s32 @!p0 $0x4;
	s26 =	simm.s32 @!p0 $0x0;
	[sflag:s16] =	ssyncadd.s32 $0xFFFFC000  }
0x86: {  	[tilespmem:s26], [sflag:$0x4] =	stream.linear.gather @!p0 [hbm4b:s11+s26], $0x80, $0x38;
	[tilespmem:$0x1C100] =	vst v63  }
0x87: {  	_ =	swait.ge @!p0 [sflag:s28], $0x80  }
0x88: {  	s30 =	simm.s32 @!p0 $0x800;
	[sflag:s28] =	ssyncset.done @!p0 $0x0  }
0x89: {  	s31 =	simm.s32 @!p0 $0x100;
	s29 =	simm.s32 @!p0 $0x400;
	[sflag:s28] =	ssyncadd.s32 @!p0 $0xFFFFFF80  }
0x8a: {  	[tilespmem:s31], [sflag:$0x1] =	stream.strided.gather @!p0 [hbm4b:s12+s29], $0x4000, s30, s29, $0x38;
	[tilespmem:$0x1C100] =	vst v63  }
0x8b: {  	s29 =	simm.s32 @!p0 $0x1  }
0x8c: {  	_ =	swait.ge @!p0 [sflag:s29], $0x4000  }
0x8d: {  	[sflag:s29] =	ssyncset.done @!p0 $0x0  }
0x8e: {  	[sflag:s29] =	ssyncadd.s32 @!p0 $0xFFFFC000;
	s29 =	simm.s32 @!p0 $0x80  }
0x8f: {  	[spmem:s2] =	stream.indirect.scatter.add.f32 @!p0 [tilespmem:s31], [sflag:$0x4], $0x80, s26, s29, $0xb8;
	[tilespmem:$0x1C100] =	vst v63  }
0x90: {  	_ =	swait.ge @!p0 [sflag:s28], $0x4000  }
0x91: {  	s25 =	sadd.s32 $0x1, s25;
	s30 =	sshll.u32 s1, $0x6;
	[sflag:s28] =	ssyncset.done @!p0 $0x0  }
0x92: {  	p1 =	sne.s32 s25, s6;
	s26 =	sor.u32 $0x1C03, s30;
	[sflag:s28] =	ssyncadd.s32 @!p0 $0xFFFFC000  }
.Ltmp2:
0x93: {  	s31 =	sshrl.u32 s4, $0x3;
	[bflag:$0x0] =	sbarrier.arrive $0xFFFF;
	(pc) =	sbr.rel @p1 .LBB2_1-.Ltmp2, $4  }
0x94: {  	[hbm:s5@s15], [sflag:s26] =	dma.strided [spmem:s31@s20], $0x2800, s24, $0x10   }
0x95: {  	_ =	swait.ge [sflag:s16], $0x2800  }
0x96: {  	[sflag:s16] =	ssyncset.done $0x0  }
0x97: {  	[sflag:s16] =	ssyncadd.s32 $0xFFFFD800  }
0x98: {  	_ =	sfence.sel $0x180000  }
0x99: {  	[bflag:$0x0] =	sbarrier.arrive $0xFFFF  }
0x9a: {  	p0 =	sne.s32 s1, $0x0;
	_ =	strace $0x90000053  }
0x9b: {  	s0 =	sadd.s32 @!p0 $0x100000, s0;
	[bflag:$0x2] =	sbarrier.arrive $0xFFFF  }
0x9c: {  	[sflag:s0] =	ssyncadd.tile.s32 @!p0 $0x1;
	_ =	shalt  }
.Lfunc_end2:
_tile_overlayer_lowered:
.L_overlay_start_2:
0x9d: {  	(tag) =	ssettag $0x2  }
0x9e: {  	s0 =	rddreg [dreg:$0x0];
	s2 =	stileid.u32  }
0x9f: {  	s1 =	rddreg [dreg:$0x1];
	p0 =	sne.s32 s2, $0x0  }
0xa0: {  	s3 =	rddreg [dreg:$0x2];
	[bflag:$0x3] =	sbarrier.arrive $0xFFFF;
	s2 =	simm.s32 @!p0 $0x1C03  }
0xa1: {  	[timem:s3], [sflag:s2] =	dma.local @!p0 [hbm:s0], s1  }
0xa2: {  	s0 =	simm.s32 @!p0 $0x3  }
0xa3: {  	_ =	swait.ge @!p0 [sflag:s0], s1  }
0xa4: {  	s1 =	ssub.s32 @!p0 $0x0, s1;
	[sflag:s0] =	ssyncset.done @!p0 $0x0  }
0xa5: {  	[sflag:s0] =	ssyncadd.s32 @!p0 s1  }
0xa6: {  	[bflag:$0x3] =	sbarrier.arrive $0xFFFF  }
0xa7: {  	_ =	shalt  }

</sc_bundles>
